<compile_context>
chip_gen: v7x
topology: tpu7x:2x2x1
jax: 0.10.2.dev20260603
libtpu: 0.0.44.dev20260713+nightly
codegen_flags: <defaults>
</compile_context>

<pallas_src>
import functools

import jax
import jax.numpy as jnp
from jax import lax
from jax.experimental import pallas as pl
from jax.experimental.pallas import tpu as pltpu
from jax.experimental.pallas import tpu_sc as plsc

_NC = 2
_NS = 16
_NW = _NC * _NS
_EPS = 1e-7


def _plan(n, e):
    assert e % _NW == 0, e
    ew = e // _NW
    k = 0
    for cand in range(128, 0, -8):
        if ew % cand == 0:
            k = cand
            break
    assert k > 0, ew
    nb = ew // k
    zc = 0
    for cand in range(64, 0, -8):
        if n % cand == 0:
            zc = cand
            break
    assert zc > 0, n
    nzc = n // zc
    return ew, k, nb, zc, nzc


@functools.lru_cache(maxsize=None)
def _make_sc_aggr(n, d, e):
    ew, k, nb, zc_, nzc_ = _plan(n, e)
    assert nb % 2 == 1 and n % k == 0, (nb, k, n)
    zc, nzc = k, n // k
    mesh = plsc.VectorSubcoreMesh(core_axis_name="c", subcore_axis_name="s")

    out_type = jax.ShapeDtypeStruct((_NC, n, d), jnp.float32)
    scratch = [
        pltpu.VMEM_SHARED((n, d), jnp.float32),
        pltpu.VMEM((ew,), jnp.int32),
        pltpu.VMEM((1, nb, k), jnp.int32),
        pltpu.VMEM((k, d), jnp.float32),
        pltpu.VMEM((k, d), jnp.float32),
        pltpu.SemaphoreType.DMA,
        pltpu.SemaphoreType.DMA,
        pltpu.SemaphoreType.DMA,
        pltpu.SemaphoreType.DMA,
    ]

    def body(r_hbm, src1_hbm, dstb_hbm, zer_hbm, aggr_out,
             aggr_sh, srcv, dstv, rows_a, rows_b,
             gsem_a, gsem_b, ssem_a, ssem_b):
        c = lax.axis_index("c")
        s = lax.axis_index("s")
        wid = c * _NS + s

        def gather(j, rows, sem):
            pltpu.async_copy(r_hbm.at[srcv.at[pl.ds(j * k, k)]], rows, sem)

        def gwait(rows, sem):
            pltpu.make_async_copy(r_hbm.at[srcv.at[pl.ds(0, k)]], rows,
                                  sem).wait()

        def scatter(j, rows, sem):
            pltpu.async_copy(rows, aggr_sh.at[dstv.at[0, j]], sem, add=True)

        def swait(rows, sem):
            pltpu.make_async_copy(zer_hbm, rows, sem).wait()

        pltpu.sync_copy(zer_hbm, rows_a)

        @pl.loop(s, nzc, step=_NS)
        def _zero(g):
            pltpu.sync_copy(rows_a, aggr_sh.at[pl.ds(g * zc, zc)])

        plsc.subcore_barrier()

        pltpu.sync_copy(src1_hbm.at[pl.ds(wid * ew, ew)], srcv)
        pltpu.sync_copy(dstb_hbm.at[pl.ds(wid, 1)], dstv)

        gather(0, rows_a, gsem_a)
        gwait(rows_a, gsem_a)
        scatter(0, rows_a, ssem_a)
        gather(1, rows_b, gsem_b)

        @pl.loop(0, (nb - 3) // 2)
        def _edges(g):
            j0 = 2 * g + 1
            gwait(rows_b, gsem_b)
            scatter(j0, rows_b, ssem_b)
            swait(rows_a, ssem_a)
            gather(j0 + 1, rows_a, gsem_a)
            gwait(rows_a, gsem_a)
            scatter(j0 + 1, rows_a, ssem_a)
            swait(rows_b, ssem_b)
            gather(j0 + 2, rows_b, gsem_b)

        gwait(rows_b, gsem_b)
        scatter(nb - 2, rows_b, ssem_b)
        swait(rows_a, ssem_a)
        gather(nb - 1, rows_a, gsem_a)
        gwait(rows_a, gsem_a)
        scatter(nb - 1, rows_a, ssem_a)
        swait(rows_b, ssem_b)
        swait(rows_a, ssem_a)

        plsc.subcore_barrier()

        @pl.loop(s, nzc, step=_NS)
        def _writeback(g):
            sl = pl.ds(g * zc, zc)
            pltpu.sync_copy(aggr_sh.at[sl], rows_a)
            pltpu.sync_copy(rows_a, aggr_out.at[c, sl])

    return pl.kernel(body, out_type=out_type, mesh=mesh,
                     scratch_types=scratch, name="sc_aggr")


@functools.lru_cache(maxsize=None)
def _make_sc_deg(n, e):
    ew = e // _NW
    assert ew % 16 == 0 and n % 16 == 0, (ew, n)
    mesh = plsc.VectorSubcoreMesh(core_axis_name="c", subcore_axis_name="s")

    out_type = jax.ShapeDtypeStruct((_NW, n), jnp.float32)
    scratch = [
        pltpu.VMEM((ew,), jnp.int32),
        pltpu.VMEM((n,), jnp.float32),
        pltpu.SemaphoreType.DMA,
    ]

    def body(dst1_hbm, deg_out, dstv, hist, sem):
        c = lax.axis_index("c")
        s = lax.axis_index("s")
        wid = c * _NS + s

        @pl.loop(0, n // 16)
        def _zero(i):
            hist[pl.ds(i * 16, 16)] = jnp.zeros((16,), jnp.float32)

        pltpu.sync_copy(dst1_hbm.at[pl.ds(wid * ew, ew)], dstv)
        ones = jnp.ones((16,), jnp.float32)

        @pl.loop(0, ew // 16)
        def _acc(i):
            plsc.addupdate_scatter(hist, [dstv[pl.ds(i * 16, 16)]], ones)

        pltpu.sync_copy(hist, deg_out.at[wid])

    return pl.kernel(
        body, out_type=out_type, mesh=mesh, scratch_types=scratch,
        compiler_params=pltpu.CompilerParams(needs_layout_passes=False),
        name="sc_deg")


def _tc_relu_eps(x_ref, out_ref):
    out_ref[...] = jnp.maximum(x_ref[...], 0.0) + _EPS


def _combine(p_ref, pdeg_ref):
    deg = jnp.sum(pdeg_ref[...], axis=0)
    rdeg = (1.0 / jnp.maximum(deg, 1.0))[:, None]
    p = p_ref[...]
    return (p[0] + p[1]) * rdeg


def _tc_layer(h_ref, p_ref, pdeg_ref, w_ref, b_ref, outh_ref, outr_ref):
    a = _combine(p_ref, pdeg_ref)
    z = jnp.dot(h_ref[...] + a, w_ref[...],
                preferred_element_type=jnp.float32) + b_ref[...]
    zr = jnp.maximum(z, 0.0)
    outh_ref[...] = zr
    outr_ref[...] = zr + _EPS


def _tc_final(h_ref, p_ref, pdeg_ref, w_ref, b_ref, out_ref):
    a = _combine(p_ref, pdeg_ref)
    z = jnp.dot(h_ref[...] + a, w_ref[...],
                preferred_element_type=jnp.float32) + b_ref[...]
    nrm = jnp.sqrt(jnp.sum(z * z, axis=-1, keepdims=True))
    z = z / jnp.maximum(nrm, 1e-12)
    m = jnp.max(z, axis=-1, keepdims=True)
    lse = jnp.log(jnp.sum(jnp.exp(z - m), axis=-1, keepdims=True)) + m
    out_ref[...] = z - lse


def kernel(x, edge_index, W1, b1, W2, b2, Wd, bd):
    n, d = x.shape
    e = edge_index.shape[1]
    ew, k, nb, zc, nzc = _plan(n, e)

    src = edge_index[0]
    dst = edge_index[1].reshape(_NW, nb, k)
    zer = jnp.zeros((k, d), jnp.float32)

    nd = jax.ShapeDtypeStruct((n, d), jnp.float32)
    sc_aggr = _make_sc_aggr(n, d, e)
    sc_deg = _make_sc_deg(n, e)

    relu_eps = pl.pallas_call(_tc_relu_eps, out_shape=nd)
    layer = pl.pallas_call(_tc_layer, out_shape=(nd, nd))
    final = pl.pallas_call(_tc_final, out_shape=nd)

    b1r, b2r, bdr = (b.reshape(1, -1) for b in (b1, b2, bd))

    pdeg = sc_deg(edge_index[1])
    r1 = relu_eps(x)
    p1 = sc_aggr(r1, src, dst, zer)
    h1, r2 = layer(x, p1, pdeg, W1, b1r)
    p2 = sc_aggr(r2, src, dst, zer)
    h2, r3 = layer(h1, p2, pdeg, W2, b2r)
    p3 = sc_aggr(r3, src, dst, zer)
    return final(h2, p3, pdeg, Wd, bdr)

# --- scband reference (transcript-rebuilt; emitter-appended) ---
"""Pipeline reference for scband-gnn-62036507623813 (READ-ONLY COPY).

The authoritative reference and input builder live on the scoring server;
editing this copy changes nothing except your own understanding.
"""

import jax, jax.numpy as jnp
import numpy as np

N = 10000
E = 320000
D = 128
H = 128
O = 128


def setup_inputs(seed: int = 0) -> dict:
    key = jax.random.key(seed)
    ks = jax.random.split(key, 10)
    x = jax.random.normal(ks[0], (N, D), dtype=jnp.float32)
    edge_index = jax.random.randint(ks[1], (2, E), 0, N, dtype=jnp.int32)
    s1 = 1.0 / np.sqrt(D)
    s2 = 1.0 / np.sqrt(H)
    W1 = jax.random.normal(ks[2], (D, H), dtype=jnp.float32) * s1
    b1 = jnp.zeros((H,), dtype=jnp.float32)
    W2 = jax.random.normal(ks[3], (H, H), dtype=jnp.float32) * s2
    b2 = jnp.zeros((H,), dtype=jnp.float32)
    Wd = jax.random.normal(ks[4], (H, O), dtype=jnp.float32) * s2
    bd = jnp.zeros((O,), dtype=jnp.float32)
    return {"x": x, "edge_index": edge_index, "W1": W1, "b1": b1, "W2": W2, "b2": b2, "Wd": Wd, "bd": bd}


def _gens_conv(x, edge_index, W, b):
    # GEN-style conv: msg = relu(x_j) + eps, mean-aggregated over incoming
    # edges, residual-combined with x_i, then linear update.
    src = edge_index[0]
    dst = edge_index[1]
    n = x.shape[0]
    msg = jax.nn.relu(jnp.take(x, src, axis=0)) + 1e-7
    aggr = jax.ops.segment_sum(msg, dst, num_segments=n)
    deg = jax.ops.segment_sum(jnp.ones((edge_index.shape[1],), dtype=x.dtype), dst, num_segments=n)
    aggr = aggr / jnp.clip(deg, 1.0)[:, None]
    return (x + aggr) @ W + b


def reference(x, edge_index, W1, b1, W2, b2, Wd, bd):
    # num_layers=3 -> two hidden convs + decoder conv (matches torch forward).
    # Dropout is identity in eval; BatchNorm self.bns is never used in forward.
    h = jax.nn.relu(_gens_conv(x, edge_index, W1, b1))
    h = jax.nn.relu(_gens_conv(h, edge_index, W2, b2))
    h = _gens_conv(h, edge_index, Wd, bd)
    norm = jnp.linalg.norm(h, ord=2, axis=-1, keepdims=True)
    h = h / jnp.clip(norm, 1e-12)
    return jax.nn.log_softmax(h, axis=-1)

if __name__ == "__main__":
    import jax
    _d = setup_inputs()
    print(jax.jit(kernel)(*tuple(_d.values())))

</pallas_src>

<mosaic_0001>
#map = affine_map<(d0, d1) -> (0, 0)>
#map1 = affine_map<(d0, d1) -> (0)>
#map2 = affine_map<(d0, d1) -> (0, 0, 0)>
module attributes {stable_mosaic.version = 14 : i64} {
  func.func @sc_aggr(%arg0: i32, %arg1: i32, %arg2: memref<10000x128xf32, #tpu.memory_space<hbm>>, %arg3: memref<320000xi32, #tpu.memory_space<hbm>>, %arg4: memref<32x125x80xi32, #tpu.memory_space<hbm>>, %arg5: memref<80x128xf32, #tpu.memory_space<hbm>>, %arg6: memref<2x10000x128xf32, #tpu.memory_space<hbm>>, %arg7: memref<10000x128xf32, #tpu.memory_space<vmem_shared>>, %arg8: memref<10000xi32, #tpu.memory_space<vmem>>, %arg9: memref<1x125x80xi32, #tpu.memory_space<vmem>>, %arg10: memref<80x128xf32, #tpu.memory_space<vmem>>, %arg11: memref<80x128xf32, #tpu.memory_space<vmem>>, %arg12: memref<!tpu.dma_semaphore, #tpu.memory_space<semaphore_mem>>, %arg13: memref<!tpu.dma_semaphore, #tpu.memory_space<semaphore_mem>>, %arg14: memref<!tpu.dma_semaphore, #tpu.memory_space<semaphore_mem>>, %arg15: memref<!tpu.dma_semaphore, #tpu.memory_space<semaphore_mem>>) attributes {dimension_semantics = [#tpu.dimension_semantics<core_parallel>, #tpu.dimension_semantics<subcore_parallel>], iteration_bounds = array<i64: 2, 16>, scalar_prefetch = 0 : i64, scratch_operands = 9 : i64, tpu.core_type = #tpu.core_type<sc_vector_subcore>, window_params = [{transform_indices = #map}, {transform_indices = #map1}, {transform_indices = #map2}, {transform_indices = #map}, {transform_indices = #map2}]} {
    %mul3A = arith.constant 16 : i32
    %mul3A_0 = arith.muli %arg0, %mul3A : i32
    %add3A = arith.addi %mul3A_0, %arg1 : i32
    "tpu.region"() ({
      %run_scoped3A = tpu.sem_alloc : memref<!tpu.dma_semaphore, #tpu.memory_space<semaphore_mem>>
      tpu.enqueue_dma source(%arg5 : memref<80x128xf32, #tpu.memory_space<hbm>>) target(%arg10 : memref<80x128xf32, #tpu.memory_space<vmem>>) target_semaphore(%run_scoped3A : memref<!tpu.dma_semaphore, #tpu.memory_space<semaphore_mem>>)
      tpu.wait_dma2 semaphore(%run_scoped3A : memref<!tpu.dma_semaphore, #tpu.memory_space<semaphore_mem>>) src(%arg5 : memref<80x128xf32, #tpu.memory_space<hbm>>) dst(%arg10 : memref<80x128xf32, #tpu.memory_space<vmem>>)
      tpu.yield
    }) : () -> ()
    %sub3A = arith.constant 125 : i32
    %sub3A_1 = arith.subi %sub3A, %arg1 : i32
    %sub3A_2 = arith.constant 16 : i32
    %sub3A_3 = arith.constant 1 : i32
    %sub3A_4 = arith.subi %sub3A_2, %sub3A_3 : i32
    %add3A_5 = arith.addi %sub3A_1, %sub3A_4 : i32
    %div3A = arith.constant 16 : i32
    %div3A_6 = arith.divsi %add3A_5, %div3A : i32
    %while3A = arith.constant 16 : i32
    %while3A_7 = arith.constant 0 : i32
    %while3A_8 = arith.subi %div3A_6, %while3A_7 : i32
    %while3A_9 = arith.addi %while3A_7, %while3A_8 : i32
    %while3A_10 = arith.constant 1 : i32
    %while3A_11 = arith.divsi %while3A_8, %while3A_10 : i32
    %while3A_12 = arith.muli %while3A_11, %while3A_10 : i32
    %while3A_13 = arith.addi %while3A_7, %while3A_12 : i32
    %while3A_14 = arith.constant 1 : i32
    scf.for %while3A_93 = %while3A_7 to %while3A_13 step %while3A_14  : i32 {
      %mul3A_94 = arith.muli %while3A_93, %while3A : i32
      %add3A_95 = arith.addi %arg1, %mul3A_94 : i32
      %mul3A_96 = arith.constant 80 : i32
      %mul3A_97 = arith.muli %add3A_95, %mul3A_96 : i32
      "tpu.region"() ({
        %run_scoped3A = tpu.sem_alloc : memref<!tpu.dma_semaphore, #tpu.memory_space<semaphore_mem>>
        %dma_start3A_98 = arith.constant 0 : i32
        %dma_start3A_99 = tpu.memref_slice %arg7[%mul3A_97, %dma_start3A_98] : memref<10000x128xf32, #tpu.memory_space<vmem_shared>> -> memref<80x128xf32, #tpu.memory_space<vmem_shared>>
        %dma_start3A_100 = arith.constant 0 : i32
        %dma_start3A_101 = tpu.memref_slice %arg7[%mul3A_97, %dma_start3A_100] : memref<10000x128xf32, #tpu.memory_space<vmem_shared>> -> memref<80x128xf32, #tpu.memory_space<vmem_shared>>
        tpu.enqueue_dma source(%arg10 : memref<80x128xf32, #tpu.memory_space<vmem>>) target(%dma_start3A_101 : memref<80x128xf32, #tpu.memory_space<vmem_shared>>) target_semaphore(%run_scoped3A : memref<!tpu.dma_semaphore, #tpu.memory_space<semaphore_mem>>)
        %dma_wait3A_102 = arith.constant 0 : i32
        %dma_wait3A_103 = tpu.memref_slice %arg7[%mul3A_97, %dma_wait3A_102] : memref<10000x128xf32, #tpu.memory_space<vmem_shared>> -> memref<80x128xf32, #tpu.memory_space<vmem_shared>>
        %dma_wait3A_104 = arith.constant 0 : i32
        %dma_wait3A_105 = tpu.memref_slice %arg7[%mul3A_97, %dma_wait3A_104] : memref<10000x128xf32, #tpu.memory_space<vmem_shared>> -> memref<80x128xf32, #tpu.memory_space<vmem_shared>>
        tpu.wait_dma2 semaphore(%run_scoped3A : memref<!tpu.dma_semaphore, #tpu.memory_space<semaphore_mem>>) src(%arg10 : memref<80x128xf32, #tpu.memory_space<vmem>>) dst(%dma_wait3A_105 : memref<80x128xf32, #tpu.memory_space<vmem_shared>>)
        tpu.yield
      }) : () -> ()
    }
    %while3A_15 = arith.constant 1 : i32
    scf.for %while3A_93 = %while3A_13 to %while3A_9 step %while3A_15  : i32 {
      %mul3A_94 = arith.muli %while3A_93, %while3A : i32
      %add3A_95 = arith.addi %arg1, %mul3A_94 : i32
      %mul3A_96 = arith.constant 80 : i32
      %mul3A_97 = arith.muli %add3A_95, %mul3A_96 : i32
      "tpu.region"() ({
        %run_scoped3A = tpu.sem_alloc : memref<!tpu.dma_semaphore, #tpu.memory_space<semaphore_mem>>
        %dma_start3A_98 = arith.constant 0 : i32
        %dma_start3A_99 = tpu.memref_slice %arg7[%mul3A_97, %dma_start3A_98] : memref<10000x128xf32, #tpu.memory_space<vmem_shared>> -> memref<80x128xf32, #tpu.memory_space<vmem_shared>>
        %dma_start3A_100 = arith.constant 0 : i32
        %dma_start3A_101 = tpu.memref_slice %arg7[%mul3A_97, %dma_start3A_100] : memref<10000x128xf32, #tpu.memory_space<vmem_shared>> -> memref<80x128xf32, #tpu.memory_space<vmem_shared>>
        tpu.enqueue_dma source(%arg10 : memref<80x128xf32, #tpu.memory_space<vmem>>) target(%dma_start3A_101 : memref<80x128xf32, #tpu.memory_space<vmem_shared>>) target_semaphore(%run_scoped3A : memref<!tpu.dma_semaphore, #tpu.memory_space<semaphore_mem>>)
        %dma_wait3A_102 = arith.constant 0 : i32
        %dma_wait3A_103 = tpu.memref_slice %arg7[%mul3A_97, %dma_wait3A_102] : memref<10000x128xf32, #tpu.memory_space<vmem_shared>> -> memref<80x128xf32, #tpu.memory_space<vmem_shared>>
        %dma_wait3A_104 = arith.constant 0 : i32
        %dma_wait3A_105 = tpu.memref_slice %arg7[%mul3A_97, %dma_wait3A_104] : memref<10000x128xf32, #tpu.memory_space<vmem_shared>> -> memref<80x128xf32, #tpu.memory_space<vmem_shared>>
        tpu.wait_dma2 semaphore(%run_scoped3A : memref<!tpu.dma_semaphore, #tpu.memory_space<semaphore_mem>>) src(%arg10 : memref<80x128xf32, #tpu.memory_space<vmem>>) dst(%dma_wait3A_105 : memref<80x128xf32, #tpu.memory_space<vmem_shared>>)
        tpu.yield
      }) : () -> ()
    }
    %barrier3A = arith.constant 0 : index
    tpu.barrier barrier_id(%barrier3A)
    %mul3A_16 = arith.constant 10000 : i32
    %mul3A_17 = arith.muli %add3A, %mul3A_16 : i32
    "tpu.region"() ({
      %run_scoped3A = tpu.sem_alloc : memref<!tpu.dma_semaphore, #tpu.memory_space<semaphore_mem>>
      %dma_start3A_93 = tpu.memref_slice %arg3[%mul3A_17] : memref<320000xi32, #tpu.memory_space<hbm>> -> memref<10000xi32, #tpu.memory_space<hbm>>
      %dma_start3A_94 = tpu.memref_slice %arg3[%mul3A_17] : memref<320000xi32, #tpu.memory_space<hbm>> -> memref<10000xi32, #tpu.memory_space<hbm>>
      tpu.enqueue_dma source(%dma_start3A_94 : memref<10000xi32, #tpu.memory_space<hbm>>) target(%arg8 : memref<10000xi32, #tpu.memory_space<vmem>>) target_semaphore(%run_scoped3A : memref<!tpu.dma_semaphore, #tpu.memory_space<semaphore_mem>>)
      %dma_wait3A_95 = tpu.memref_slice %arg3[%mul3A_17] : memref<320000xi32, #tpu.memory_space<hbm>> -> memref<10000xi32, #tpu.memory_space<hbm>>
      %dma_wait3A_96 = tpu.memref_slice %arg3[%mul3A_17] : memref<320000xi32, #tpu.memory_space<hbm>> -> memref<10000xi32, #tpu.memory_space<hbm>>
      tpu.wait_dma2 semaphore(%run_scoped3A : memref<!tpu.dma_semaphore, #tpu.memory_space<semaphore_mem>>) src(%dma_wait3A_96 : memref<10000xi32, #tpu.memory_space<hbm>>) dst(%arg8 : memref<10000xi32, #tpu.memory_space<vmem>>)
      tpu.yield
    }) : () -> ()
    "tpu.region"() ({
      %run_scoped3A = tpu.sem_alloc : memref<!tpu.dma_semaphore, #tpu.memory_space<semaphore_mem>>
      %dma_start3A_93 = arith.constant 0 : i32
      %dma_start3A_94 = arith.constant 0 : i32
      %dma_start3A_95 = tpu.memref_slice %arg4[%add3A, %dma_start3A_93, %dma_start3A_94] : memref<32x125x80xi32, #tpu.memory_space<hbm>> -> memref<1x125x80xi32, #tpu.memory_space<hbm>>
      %dma_start3A_96 = arith.constant 0 : i32
      %dma_start3A_97 = arith.constant 0 : i32
      %dma_start3A_98 = tpu.memref_slice %arg4[%add3A, %dma_start3A_96, %dma_start3A_97] : memref<32x125x80xi32, #tpu.memory_space<hbm>> -> memref<1x125x80xi32, #tpu.memory_space<hbm>>
      tpu.enqueue_dma source(%dma_start3A_98 : memref<1x125x80xi32, #tpu.memory_space<hbm>>) target(%arg9 : memref<1x125x80xi32, #tpu.memory_space<vmem>>) target_semaphore(%run_scoped3A : memref<!tpu.dma_semaphore, #tpu.memory_space<semaphore_mem>>)
      %dma_wait3A_99 = arith.constant 0 : i32
      %dma_wait3A_100 = arith.constant 0 : i32
      %dma_wait3A_101 = tpu.memref_slice %arg4[%add3A, %dma_wait3A_99, %dma_wait3A_100] : memref<32x125x80xi32, #tpu.memory_space<hbm>> -> memref<1x125x80xi32, #tpu.memory_space<hbm>>
      %dma_wait3A_102 = arith.constant 0 : i32
      %dma_wait3A_103 = arith.constant 0 : i32
      %dma_wait3A_104 = tpu.memref_slice %arg4[%add3A, %dma_wait3A_102, %dma_wait3A_103] : memref<32x125x80xi32, #tpu.memory_space<hbm>> -> memref<1x125x80xi32, #tpu.memory_space<hbm>>
      tpu.wait_dma2 semaphore(%run_scoped3A : memref<!tpu.dma_semaphore, #tpu.memory_space<semaphore_mem>>) src(%dma_wait3A_104 : memref<1x125x80xi32, #tpu.memory_space<hbm>>) dst(%arg9 : memref<1x125x80xi32, #tpu.memory_space<vmem>>)
      tpu.yield
    }) : () -> ()
    %dma_start3A = arith.constant 0 : i32
    %dma_start3A_18 = tpu.memref_slice %arg8[%dma_start3A] : memref<10000xi32, #tpu.memory_space<vmem>> -> memref<80xi32, #tpu.memory_space<vmem>>
    %dma_start3A_19 = arith.constant 0 : i32
    %dma_start3A_20 = arith.constant 0 : i32
    %dma_start3A_21 = tpu.memref_slice %arg2[%dma_start3A_19, %dma_start3A_20] : memref<10000x128xf32, #tpu.memory_space<hbm>> -> memref<10000x128xf32, #tpu.memory_space<hbm>>
    tpu.enqueue_indirect_dma source(%dma_start3A_21 : memref<10000x128xf32, #tpu.memory_space<hbm>>) target(%arg10 : memref<80x128xf32, #tpu.memory_space<vmem>>) offsets(%dma_start3A_18 : memref<80xi32, #tpu.memory_space<vmem>>) semaphore(%arg12 : memref<!tpu.dma_semaphore, #tpu.memory_space<semaphore_mem>>)
    %dma_wait3A = arith.constant 0 : i32
    %dma_wait3A_22 = tpu.memref_slice %arg8[%dma_wait3A] : memref<10000xi32, #tpu.memory_space<vmem>> -> memref<80xi32, #tpu.memory_space<vmem>>
    %dma_wait3A_23 = arith.constant 0 : i32
    %dma_wait3A_24 = arith.constant 0 : i32
    %dma_wait3A_25 = tpu.memref_slice %arg2[%dma_wait3A_23, %dma_wait3A_24] : memref<10000x128xf32, #tpu.memory_space<hbm>> -> memref<10000x128xf32, #tpu.memory_space<hbm>>
    tpu.wait_indirect_dma semaphore(%arg12 : memref<!tpu.dma_semaphore, #tpu.memory_space<semaphore_mem>>) src(%dma_wait3A_25 : memref<10000x128xf32, #tpu.memory_space<hbm>>) dst(%arg10 : memref<80x128xf32, #tpu.memory_space<vmem>>)
    %dma_start3A_26 = arith.constant 0 : i32
    %dma_start3A_27 = arith.constant 0 : i32
    %dma_start3A_28 = arith.constant 0 : i32
    %dma_start3A_29 = tpu.memref_slice %arg9[%dma_start3A_26, %dma_start3A_27, %dma_start3A_28] : memref<1x125x80xi32, #tpu.memory_space<vmem>> -> memref<1x1x80xi32, #tpu.memory_space<vmem>>
    %dma_start3A_30 = tpu.memref_squeeze %dma_start3A_29 : memref<1x1x80xi32, #tpu.memory_space<vmem>> -> memref<80xi32, #tpu.memory_space<vmem>>
    %dma_start3A_31 = arith.constant 0 : i32
    %dma_start3A_32 = arith.constant 0 : i32
    %dma_start3A_33 = tpu.memref_slice %arg7[%dma_start3A_31, %dma_start3A_32] : memref<10000x128xf32, #tpu.memory_space<vmem_shared>> -> memref<10000x128xf32, #tpu.memory_space<vmem_shared>>
    tpu.enqueue_indirect_dma source(%arg10 : memref<80x128xf32, #tpu.memory_space<vmem>>) target(%dma_start3A_33 : memref<10000x128xf32, #tpu.memory_space<vmem_shared>>) offsets(%dma_start3A_30 : memref<80xi32, #tpu.memory_space<vmem>>) semaphore(%arg14 : memref<!tpu.dma_semaphore, #tpu.memory_space<semaphore_mem>>) {add = true}
    %dma_start3A_34 = arith.constant 80 : i32
    %dma_start3A_35 = tpu.memref_slice %arg8[%dma_start3A_34] : memref<10000xi32, #tpu.memory_space<vmem>> -> memref<80xi32, #tpu.memory_space<vmem>>
    %dma_start3A_36 = arith.constant 0 : i32
    %dma_start3A_37 = arith.constant 0 : i32
    %dma_start3A_38 = tpu.memref_slice %arg2[%dma_start3A_36, %dma_start3A_37] : memref<10000x128xf32, #tpu.memory_space<hbm>> -> memref<10000x128xf32, #tpu.memory_space<hbm>>
    tpu.enqueue_indirect_dma source(%dma_start3A_38 : memref<10000x128xf32, #tpu.memory_space<hbm>>) target(%arg11 : memref<80x128xf32, #tpu.memory_space<vmem>>) offsets(%dma_start3A_35 : memref<80xi32, #tpu.memory_space<vmem>>) semaphore(%arg13 : memref<!tpu.dma_semaphore, #tpu.memory_space<semaphore_mem>>)
    %scan3A = arith.constant 0 : i32
    %scan3A_39 = arith.constant 61 : i32
    %scan3A_40 = arith.addi %scan3A, %scan3A_39 : i32
    %scan3A_41 = arith.constant 1 : i32
    scf.for %scan3A_93 = %scan3A to %scan3A_40 step %scan3A_41  : i32 {
      %mul3A_94 = arith.constant 1 : i32
      %mul3A_95 = arith.muli %scan3A_93, %mul3A_94 : i32
      %add3A_96 = arith.constant 0 : i32
      %add3A_97 = arith.addi %add3A_96, %mul3A_95 : i32
      %mul3A_98 = arith.constant 2 : i32
      %mul3A_99 = arith.muli %mul3A_98, %add3A_97 : i32
      %add3A_100 = arith.constant 1 : i32
      %add3A_101 = arith.addi %mul3A_99, %add3A_100 : i32
      %dma_wait3A_102 = arith.constant 0 : i32
      %dma_wait3A_103 = tpu.memref_slice %arg8[%dma_wait3A_102] : memref<10000xi32, #tpu.memory_space<vmem>> -> memref<80xi32, #tpu.memory_space<vmem>>
      %dma_wait3A_104 = arith.constant 0 : i32
      %dma_wait3A_105 = arith.constant 0 : i32
      %dma_wait3A_106 = tpu.memref_slice %arg2[%dma_wait3A_104, %dma_wait3A_105] : memref<10000x128xf32, #tpu.memory_space<hbm>> -> memref<10000x128xf32, #tpu.memory_space<hbm>>
      tpu.wait_indirect_dma semaphore(%arg13 : memref<!tpu.dma_semaphore, #tpu.memory_space<semaphore_mem>>) src(%dma_wait3A_106 : memref<10000x128xf32, #tpu.memory_space<hbm>>) dst(%arg11 : memref<80x128xf32, #tpu.memory_space<vmem>>)
      %dma_start3A_107 = arith.constant 0 : i32
      %dma_start3A_108 = arith.constant 0 : i32
      %dma_start3A_109 = tpu.memref_slice %arg9[%dma_start3A_107, %add3A_101, %dma_start3A_108] : memref<1x125x80xi32, #tpu.memory_space<vmem>> -> memref<1x1x80xi32, #tpu.memory_space<vmem>>
      %dma_start3A_110 = tpu.memref_squeeze %dma_start3A_109 : memref<1x1x80xi32, #tpu.memory_space<vmem>> -> memref<80xi32, #tpu.memory_space<vmem>>
      %dma_start3A_111 = arith.constant 0 : i32
      %dma_start3A_112 = arith.constant 0 : i32
      %dma_start3A_113 = tpu.memref_slice %arg7[%dma_start3A_111, %dma_start3A_112] : memref<10000x128xf32, #tpu.memory_space<vmem_shared>> -> memref<10000x128xf32, #tpu.memory_space<vmem_shared>>
      tpu.enqueue_indirect_dma source(%arg11 : memref<80x128xf32, #tpu.memory_space<vmem>>) target(%dma_start3A_113 : memref<10000x128xf32, #tpu.memory_space<vmem_shared>>) offsets(%dma_start3A_110 : memref<80xi32, #tpu.memory_space<vmem>>) semaphore(%arg15 : memref<!tpu.dma_semaphore, #tpu.memory_space<semaphore_mem>>) {add = true}
      tpu.wait_dma2 semaphore(%arg14 : memref<!tpu.dma_semaphore, #tpu.memory_space<semaphore_mem>>) src(%arg5 : memref<80x128xf32, #tpu.memory_space<hbm>>) dst(%arg10 : memref<80x128xf32, #tpu.memory_space<vmem>>)
      %add3A_114 = arith.constant 1 : i32
      %add3A_115 = arith.addi %add3A_101, %add3A_114 : i32
      %mul3A_116 = arith.constant 80 : i32
      %mul3A_117 = arith.muli %add3A_115, %mul3A_116 : i32
      %dma_start3A_118 = tpu.memref_slice %arg8[%mul3A_117] : memref<10000xi32, #tpu.memory_space<vmem>> -> memref<80xi32, #tpu.memory_space<vmem>>
      %dma_start3A_119 = arith.constant 0 : i32
      %dma_start3A_120 = arith.constant 0 : i32
      %dma_start3A_121 = tpu.memref_slice %arg2[%dma_start3A_119, %dma_start3A_120] : memref<10000x128xf32, #tpu.memory_space<hbm>> -> memref<10000x128xf32, #tpu.memory_space<hbm>>
      tpu.enqueue_indirect_dma source(%dma_start3A_121 : memref<10000x128xf32, #tpu.memory_space<hbm>>) target(%arg10 : memref<80x128xf32, #tpu.memory_space<vmem>>) offsets(%dma_start3A_118 : memref<80xi32, #tpu.memory_space<vmem>>) semaphore(%arg12 : memref<!tpu.dma_semaphore, #tpu.memory_space<semaphore_mem>>)
      %dma_wait3A_122 = arith.constant 0 : i32
      %dma_wait3A_123 = tpu.memref_slice %arg8[%dma_wait3A_122] : memref<10000xi32, #tpu.memory_space<vmem>> -> memref<80xi32, #tpu.memory_space<vmem>>
      %dma_wait3A_124 = arith.constant 0 : i32
      %dma_wait3A_125 = arith.constant 0 : i32
      %dma_wait3A_126 = tpu.memref_slice %arg2[%dma_wait3A_124, %dma_wait3A_125] : memref<10000x128xf32, #tpu.memory_space<hbm>> -> memref<10000x128xf32, #tpu.memory_space<hbm>>
      tpu.wait_indirect_dma semaphore(%arg12 : memref<!tpu.dma_semaphore, #tpu.memory_space<semaphore_mem>>) src(%dma_wait3A_126 : memref<10000x128xf32, #tpu.memory_space<hbm>>) dst(%arg10 : memref<80x128xf32, #tpu.memory_space<vmem>>)
      %add3A_127 = arith.constant 1 : i32
      %add3A_128 = arith.addi %add3A_101, %add3A_127 : i32
      %dma_start3A_129 = arith.constant 0 : i32
      %dma_start3A_130 = arith.constant 0 : i32
      %dma_start3A_131 = tpu.memref_slice %arg9[%dma_start3A_129, %add3A_128, %dma_start3A_130] : memref<1x125x80xi32, #tpu.memory_space<vmem>> -> memref<1x1x80xi32, #tpu.memory_space<vmem>>
      %dma_start3A_132 = tpu.memref_squeeze %dma_start3A_131 : memref<1x1x80xi32, #tpu.memory_space<vmem>> -> memref<80xi32, #tpu.memory_space<vmem>>
      %dma_start3A_133 = arith.constant 0 : i32
      %dma_start3A_134 = arith.constant 0 : i32
      %dma_start3A_135 = tpu.memref_slice %arg7[%dma_start3A_133, %dma_start3A_134] : memref<10000x128xf32, #tpu.memory_space<vmem_shared>> -> memref<10000x128xf32, #tpu.memory_space<vmem_shared>>
      tpu.enqueue_indirect_dma source(%arg10 : memref<80x128xf32, #tpu.memory_space<vmem>>) target(%dma_start3A_135 : memref<10000x128xf32, #tpu.memory_space<vmem_shared>>) offsets(%dma_start3A_132 : memref<80xi32, #tpu.memory_space<vmem>>) semaphore(%arg14 : memref<!tpu.dma_semaphore, #tpu.memory_space<semaphore_mem>>) {add = true}
      tpu.wait_dma2 semaphore(%arg15 : memref<!tpu.dma_semaphore, #tpu.memory_space<semaphore_mem>>) src(%arg5 : memref<80x128xf32, #tpu.memory_space<hbm>>) dst(%arg11 : memref<80x128xf32, #tpu.memory_space<vmem>>)
      %add3A_136 = arith.constant 2 : i32
      %add3A_137 = arith.addi %add3A_101, %add3A_136 : i32
      %mul3A_138 = arith.constant 80 : i32
      %mul3A_139 = arith.muli %add3A_137, %mul3A_138 : i32
      %dma_start3A_140 = tpu.memref_slice %arg8[%mul3A_139] : memref<10000xi32, #tpu.memory_space<vmem>> -> memref<80xi32, #tpu.memory_space<vmem>>
      %dma_start3A_141 = arith.constant 0 : i32
      %dma_start3A_142 = arith.constant 0 : i32
      %dma_start3A_143 = tpu.memref_slice %arg2[%dma_start3A_141, %dma_start3A_142] : memref<10000x128xf32, #tpu.memory_space<hbm>> -> memref<10000x128xf32, #tpu.memory_space<hbm>>
      tpu.enqueue_indirect_dma source(%dma_start3A_143 : memref<10000x128xf32, #tpu.memory_space<hbm>>) target(%arg11 : memref<80x128xf32, #tpu.memory_space<vmem>>) offsets(%dma_start3A_140 : memref<80xi32, #tpu.memory_space<vmem>>) semaphore(%arg13 : memref<!tpu.dma_semaphore, #tpu.memory_space<semaphore_mem>>)
    }
    %scan3A_42 = arith.constant 61 : i32
    %dma_wait3A_43 = arith.constant 0 : i32
    %dma_wait3A_44 = tpu.memref_slice %arg8[%dma_wait3A_43] : memref<10000xi32, #tpu.memory_space<vmem>> -> memref<80xi32, #tpu.memory_space<vmem>>
    %dma_wait3A_45 = arith.constant 0 : i32
    %dma_wait3A_46 = arith.constant 0 : i32
    %dma_wait3A_47 = tpu.memref_slice %arg2[%dma_wait3A_45, %dma_wait3A_46] : memref<10000x128xf32, #tpu.memory_space<hbm>> -> memref<10000x128xf32, #tpu.memory_space<hbm>>
    tpu.wait_indirect_dma semaphore(%arg13 : memref<!tpu.dma_semaphore, #tpu.memory_space<semaphore_mem>>) src(%dma_wait3A_47 : memref<10000x128xf32, #tpu.memory_space<hbm>>) dst(%arg11 : memref<80x128xf32, #tpu.memory_space<vmem>>)
    %dma_start3A_48 = arith.constant 0 : i32
    %dma_start3A_49 = arith.constant 123 : i32
    %dma_start3A_50 = arith.constant 0 : i32
    %dma_start3A_51 = tpu.memref_slice %arg9[%dma_start3A_48, %dma_start3A_49, %dma_start3A_50] : memref<1x125x80xi32, #tpu.memory_space<vmem>> -> memref<1x1x80xi32, #tpu.memory_space<vmem>>
    %dma_start3A_52 = tpu.memref_squeeze %dma_start3A_51 : memref<1x1x80xi32, #tpu.memory_space<vmem>> -> memref<80xi32, #tpu.memory_space<vmem>>
    %dma_start3A_53 = arith.constant 0 : i32
    %dma_start3A_54 = arith.constant 0 : i32
    %dma_start3A_55 = tpu.memref_slice %arg7[%dma_start3A_53, %dma_start3A_54] : memref<10000x128xf32, #tpu.memory_space<vmem_shared>> -> memref<10000x128xf32, #tpu.memory_space<vmem_shared>>
    tpu.enqueue_indirect_dma source(%arg11 : memref<80x128xf32, #tpu.memory_space<vmem>>) target(%dma_start3A_55 : memref<10000x128xf32, #tpu.memory_space<vmem_shared>>) offsets(%dma_start3A_52 : memref<80xi32, #tpu.memory_space<vmem>>) semaphore(%arg15 : memref<!tpu.dma_semaphore, #tpu.memory_space<semaphore_mem>>) {add = true}
    tpu.wait_dma2 semaphore(%arg14 : memref<!tpu.dma_semaphore, #tpu.memory_space<semaphore_mem>>) src(%arg5 : memref<80x128xf32, #tpu.memory_space<hbm>>) dst(%arg10 : memref<80x128xf32, #tpu.memory_space<vmem>>)
    %dma_start3A_56 = arith.constant 9920 : i32
    %dma_start3A_57 = tpu.memref_slice %arg8[%dma_start3A_56] : memref<10000xi32, #tpu.memory_space<vmem>> -> memref<80xi32, #tpu.memory_space<vmem>>
    %dma_start3A_58 = arith.constant 0 : i32
    %dma_start3A_59 = arith.constant 0 : i32
    %dma_start3A_60 = tpu.memref_slice %arg2[%dma_start3A_58, %dma_start3A_59] : memref<10000x128xf32, #tpu.memory_space<hbm>> -> memref<10000x128xf32, #tpu.memory_space<hbm>>
    tpu.enqueue_indirect_dma source(%dma_start3A_60 : memref<10000x128xf32, #tpu.memory_space<hbm>>) target(%arg10 : memref<80x128xf32, #tpu.memory_space<vmem>>) offsets(%dma_start3A_57 : memref<80xi32, #tpu.memory_space<vmem>>) semaphore(%arg12 : memref<!tpu.dma_semaphore, #tpu.memory_space<semaphore_mem>>)
    %dma_wait3A_61 = arith.constant 0 : i32
    %dma_wait3A_62 = tpu.memref_slice %arg8[%dma_wait3A_61] : memref<10000xi32, #tpu.memory_space<vmem>> -> memref<80xi32, #tpu.memory_space<vmem>>
    %dma_wait3A_63 = arith.constant 0 : i32
    %dma_wait3A_64 = arith.constant 0 : i32
    %dma_wait3A_65 = tpu.memref_slice %arg2[%dma_wait3A_63, %dma_wait3A_64] : memref<10000x128xf32, #tpu.memory_space<hbm>> -> memref<10000x128xf32, #tpu.memory_space<hbm>>
    tpu.wait_indirect_dma semaphore(%arg12 : memref<!tpu.dma_semaphore, #tpu.memory_space<semaphore_mem>>) src(%dma_wait3A_65 : memref<10000x128xf32, #tpu.memory_space<hbm>>) dst(%arg10 : memref<80x128xf32, #tpu.memory_space<vmem>>)
    %dma_start3A_66 = arith.constant 0 : i32
    %dma_start3A_67 = arith.constant 124 : i32
    %dma_start3A_68 = arith.constant 0 : i32
    %dma_start3A_69 = tpu.memref_slice %arg9[%dma_start3A_66, %dma_start3A_67, %dma_start3A_68] : memref<1x125x80xi32, #tpu.memory_space<vmem>> -> memref<1x1x80xi32, #tpu.memory_space<vmem>>
    %dma_start3A_70 = tpu.memref_squeeze %dma_start3A_69 : memref<1x1x80xi32, #tpu.memory_space<vmem>> -> memref<80xi32, #tpu.memory_space<vmem>>
    %dma_start3A_71 = arith.constant 0 : i32
    %dma_start3A_72 = arith.constant 0 : i32
    %dma_start3A_73 = tpu.memref_slice %arg7[%dma_start3A_71, %dma_start3A_72] : memref<10000x128xf32, #tpu.memory_space<vmem_shared>> -> memref<10000x128xf32, #tpu.memory_space<vmem_shared>>
    tpu.enqueue_indirect_dma source(%arg10 : memref<80x128xf32, #tpu.memory_space<vmem>>) target(%dma_start3A_73 : memref<10000x128xf32, #tpu.memory_space<vmem_shared>>) offsets(%dma_start3A_70 : memref<80xi32, #tpu.memory_space<vmem>>) semaphore(%arg14 : memref<!tpu.dma_semaphore, #tpu.memory_space<semaphore_mem>>) {add = true}
    tpu.wait_dma2 semaphore(%arg15 : memref<!tpu.dma_semaphore, #tpu.memory_space<semaphore_mem>>) src(%arg5 : memref<80x128xf32, #tpu.memory_space<hbm>>) dst(%arg11 : memref<80x128xf32, #tpu.memory_space<vmem>>)
    tpu.wait_dma2 semaphore(%arg14 : memref<!tpu.dma_semaphore, #tpu.memory_space<semaphore_mem>>) src(%arg5 : memref<80x128xf32, #tpu.memory_space<hbm>>) dst(%arg10 : memref<80x128xf32, #tpu.memory_space<vmem>>)
    %barrier3A_74 = arith.constant 0 : index
    tpu.barrier barrier_id(%barrier3A_74)
    %sub3A_75 = arith.constant 125 : i32
    %sub3A_76 = arith.subi %sub3A_75, %arg1 : i32
    %sub3A_77 = arith.constant 16 : i32
    %sub3A_78 = arith.constant 1 : i32
    %sub3A_79 = arith.subi %sub3A_77, %sub3A_78 : i32
    %add3A_80 = arith.addi %sub3A_76, %sub3A_79 : i32
    %div3A_81 = arith.constant 16 : i32
    %div3A_82 = arith.divsi %add3A_80, %div3A_81 : i32
    %while3A_83 = arith.constant 16 : i32
    %while3A_84 = arith.constant 0 : i32
    %while3A_85 = arith.subi %div3A_82, %while3A_84 : i32
    %while3A_86 = arith.addi %while3A_84, %while3A_85 : i32
    %while3A_87 = arith.constant 1 : i32
    %while3A_88 = arith.divsi %while3A_85, %while3A_87 : i32
    %while3A_89 = arith.muli %while3A_88, %while3A_87 : i32
    %while3A_90 = arith.addi %while3A_84, %while3A_89 : i32
    %while3A_91 = arith.constant 1 : i32
    scf.for %while3A_93 = %while3A_84 to %while3A_90 step %while3A_91  : i32 {
      %mul3A_94 = arith.muli %while3A_93, %while3A_83 : i32
      %add3A_95 = arith.addi %arg1, %mul3A_94 : i32
      %mul3A_96 = arith.constant 80 : i32
      %mul3A_97 = arith.muli %add3A_95, %mul3A_96 : i32
      "tpu.region"() ({
        %run_scoped3A = tpu.sem_alloc : memref<!tpu.dma_semaphore, #tpu.memory_space<semaphore_mem>>
        %dma_start3A_98 = arith.constant 0 : i32
        %dma_start3A_99 = tpu.memref_slice %arg7[%mul3A_97, %dma_start3A_98] : memref<10000x128xf32, #tpu.memory_space<vmem_shared>> -> memref<80x128xf32, #tpu.memory_space<vmem_shared>>
        %dma_start3A_100 = arith.constant 0 : i32
        %dma_start3A_101 = tpu.memref_slice %arg7[%mul3A_97, %dma_start3A_100] : memref<10000x128xf32, #tpu.memory_space<vmem_shared>> -> memref<80x128xf32, #tpu.memory_space<vmem_shared>>
        tpu.enqueue_dma source(%dma_start3A_101 : memref<80x128xf32, #tpu.memory_space<vmem_shared>>) target(%arg10 : memref<80x128xf32, #tpu.memory_space<vmem>>) target_semaphore(%run_scoped3A : memref<!tpu.dma_semaphore, #tpu.memory_space<semaphore_mem>>)
        %dma_wait3A_102 = arith.constant 0 : i32
        %dma_wait3A_103 = tpu.memref_slice %arg7[%mul3A_97, %dma_wait3A_102] : memref<10000x128xf32, #tpu.memory_space<vmem_shared>> -> memref<80x128xf32, #tpu.memory_space<vmem_shared>>
        %dma_wait3A_104 = arith.constant 0 : i32
        %dma_wait3A_105 = tpu.memref_slice %arg7[%mul3A_97, %dma_wait3A_104] : memref<10000x128xf32, #tpu.memory_space<vmem_shared>> -> memref<80x128xf32, #tpu.memory_space<vmem_shared>>
        tpu.wait_dma2 semaphore(%run_scoped3A : memref<!tpu.dma_semaphore, #tpu.memory_space<semaphore_mem>>) src(%dma_wait3A_105 : memref<80x128xf32, #tpu.memory_space<vmem_shared>>) dst(%arg10 : memref<80x128xf32, #tpu.memory_space<vmem>>)
        tpu.yield
      }) : () -> ()
      "tpu.region"() ({
        %run_scoped3A = tpu.sem_alloc : memref<!tpu.dma_semaphore, #tpu.memory_space<semaphore_mem>>
        %dma_start3A_98 = arith.constant 0 : i32
        %dma_start3A_99 = tpu.memref_slice %arg6[%arg0, %mul3A_97, %dma_start3A_98] : memref<2x10000x128xf32, #tpu.memory_space<hbm>> -> memref<1x80x128xf32, #tpu.memory_space<hbm>>
        %dma_start3A_100 = tpu.memref_squeeze %dma_start3A_99 : memref<1x80x128xf32, #tpu.memory_space<hbm>> -> memref<80x128xf32, #tpu.memory_space<hbm>>
        %dma_start3A_101 = arith.constant 0 : i32
        %dma_start3A_102 = tpu.memref_slice %arg6[%arg0, %mul3A_97, %dma_start3A_101] : memref<2x10000x128xf32, #tpu.memory_space<hbm>> -> memref<1x80x128xf32, #tpu.memory_space<hbm>>
        %dma_start3A_103 = tpu.memref_squeeze %dma_start3A_102 : memref<1x80x128xf32, #tpu.memory_space<hbm>> -> memref<80x128xf32, #tpu.memory_space<hbm>>
        tpu.enqueue_dma source(%arg10 : memref<80x128xf32, #tpu.memory_space<vmem>>) target(%dma_start3A_103 : memref<80x128xf32, #tpu.memory_space<hbm>>) target_semaphore(%run_scoped3A : memref<!tpu.dma_semaphore, #tpu.memory_space<semaphore_mem>>)
        %dma_wait3A_104 = arith.constant 0 : i32
        %dma_wait3A_105 = tpu.memref_slice %arg6[%arg0, %mul3A_97, %dma_wait3A_104] : memref<2x10000x128xf32, #tpu.memory_space<hbm>> -> memref<1x80x128xf32, #tpu.memory_space<hbm>>
        %dma_wait3A_106 = tpu.memref_squeeze %dma_wait3A_105 : memref<1x80x128xf32, #tpu.memory_space<hbm>> -> memref<80x128xf32, #tpu.memory_space<hbm>>
        %dma_wait3A_107 = arith.constant 0 : i32
        %dma_wait3A_108 = tpu.memref_slice %arg6[%arg0, %mul3A_97, %dma_wait3A_107] : memref<2x10000x128xf32, #tpu.memory_space<hbm>> -> memref<1x80x128xf32, #tpu.memory_space<hbm>>
        %dma_wait3A_109 = tpu.memref_squeeze %dma_wait3A_108 : memref<1x80x128xf32, #tpu.memory_space<hbm>> -> memref<80x128xf32, #tpu.memory_space<hbm>>
        tpu.wait_dma2 semaphore(%run_scoped3A : memref<!tpu.dma_semaphore, #tpu.memory_space<semaphore_mem>>) src(%arg10 : memref<80x128xf32, #tpu.memory_space<vmem>>) dst(%dma_wait3A_109 : memref<80x128xf32, #tpu.memory_space<hbm>>)
        tpu.yield
      }) : () -> ()
    }
    %while3A_92 = arith.constant 1 : i32
    scf.for %while3A_93 = %while3A_90 to %while3A_86 step %while3A_92  : i32 {
      %mul3A_94 = arith.muli %while3A_93, %while3A_83 : i32
      %add3A_95 = arith.addi %arg1, %mul3A_94 : i32
      %mul3A_96 = arith.constant 80 : i32
      %mul3A_97 = arith.muli %add3A_95, %mul3A_96 : i32
      "tpu.region"() ({
        %run_scoped3A = tpu.sem_alloc : memref<!tpu.dma_semaphore, #tpu.memory_space<semaphore_mem>>
        %dma_start3A_98 = arith.constant 0 : i32
        %dma_start3A_99 = tpu.memref_slice %arg7[%mul3A_97, %dma_start3A_98] : memref<10000x128xf32, #tpu.memory_space<vmem_shared>> -> memref<80x128xf32, #tpu.memory_space<vmem_shared>>
        %dma_start3A_100 = arith.constant 0 : i32
        %dma_start3A_101 = tpu.memref_slice %arg7[%mul3A_97, %dma_start3A_100] : memref<10000x128xf32, #tpu.memory_space<vmem_shared>> -> memref<80x128xf32, #tpu.memory_space<vmem_shared>>
        tpu.enqueue_dma source(%dma_start3A_101 : memref<80x128xf32, #tpu.memory_space<vmem_shared>>) target(%arg10 : memref<80x128xf32, #tpu.memory_space<vmem>>) target_semaphore(%run_scoped3A : memref<!tpu.dma_semaphore, #tpu.memory_space<semaphore_mem>>)
        %dma_wait3A_102 = arith.constant 0 : i32
        %dma_wait3A_103 = tpu.memref_slice %arg7[%mul3A_97, %dma_wait3A_102] : memref<10000x128xf32, #tpu.memory_space<vmem_shared>> -> memref<80x128xf32, #tpu.memory_space<vmem_shared>>
        %dma_wait3A_104 = arith.constant 0 : i32
        %dma_wait3A_105 = tpu.memref_slice %arg7[%mul3A_97, %dma_wait3A_104] : memref<10000x128xf32, #tpu.memory_space<vmem_shared>> -> memref<80x128xf32, #tpu.memory_space<vmem_shared>>
        tpu.wait_dma2 semaphore(%run_scoped3A : memref<!tpu.dma_semaphore, #tpu.memory_space<semaphore_mem>>) src(%dma_wait3A_105 : memref<80x128xf32, #tpu.memory_space<vmem_shared>>) dst(%arg10 : memref<80x128xf32, #tpu.memory_space<vmem>>)
        tpu.yield
      }) : () -> ()
      "tpu.region"() ({
        %run_scoped3A = tpu.sem_alloc : memref<!tpu.dma_semaphore, #tpu.memory_space<semaphore_mem>>
        %dma_start3A_98 = arith.constant 0 : i32
        %dma_start3A_99 = tpu.memref_slice %arg6[%arg0, %mul3A_97, %dma_start3A_98] : memref<2x10000x128xf32, #tpu.memory_space<hbm>> -> memref<1x80x128xf32, #tpu.memory_space<hbm>>
        %dma_start3A_100 = tpu.memref_squeeze %dma_start3A_99 : memref<1x80x128xf32, #tpu.memory_space<hbm>> -> memref<80x128xf32, #tpu.memory_space<hbm>>
        %dma_start3A_101 = arith.constant 0 : i32
        %dma_start3A_102 = tpu.memref_slice %arg6[%arg0, %mul3A_97, %dma_start3A_101] : memref<2x10000x128xf32, #tpu.memory_space<hbm>> -> memref<1x80x128xf32, #tpu.memory_space<hbm>>
        %dma_start3A_103 = tpu.memref_squeeze %dma_start3A_102 : memref<1x80x128xf32, #tpu.memory_space<hbm>> -> memref<80x128xf32, #tpu.memory_space<hbm>>
        tpu.enqueue_dma source(%arg10 : memref<80x128xf32, #tpu.memory_space<vmem>>) target(%dma_start3A_103 : memref<80x128xf32, #tpu.memory_space<hbm>>) target_semaphore(%run_scoped3A : memref<!tpu.dma_semaphore, #tpu.memory_space<semaphore_mem>>)
        %dma_wait3A_104 = arith.constant 0 : i32
        %dma_wait3A_105 = tpu.memref_slice %arg6[%arg0, %mul3A_97, %dma_wait3A_104] : memref<2x10000x128xf32, #tpu.memory_space<hbm>> -> memref<1x80x128xf32, #tpu.memory_space<hbm>>
        %dma_wait3A_106 = tpu.memref_squeeze %dma_wait3A_105 : memref<1x80x128xf32, #tpu.memory_space<hbm>> -> memref<80x128xf32, #tpu.memory_space<hbm>>
        %dma_wait3A_107 = arith.constant 0 : i32
        %dma_wait3A_108 = tpu.memref_slice %arg6[%arg0, %mul3A_97, %dma_wait3A_107] : memref<2x10000x128xf32, #tpu.memory_space<hbm>> -> memref<1x80x128xf32, #tpu.memory_space<hbm>>
        %dma_wait3A_109 = tpu.memref_squeeze %dma_wait3A_108 : memref<1x80x128xf32, #tpu.memory_space<hbm>> -> memref<80x128xf32, #tpu.memory_space<hbm>>
        tpu.wait_dma2 semaphore(%run_scoped3A : memref<!tpu.dma_semaphore, #tpu.memory_space<semaphore_mem>>) src(%arg10 : memref<80x128xf32, #tpu.memory_space<vmem>>) dst(%dma_wait3A_109 : memref<80x128xf32, #tpu.memory_space<hbm>>)
        tpu.yield
      }) : () -> ()
    }
    return
  }
}

#map = affine_map<(d0, d1) -> (0, 0)>
#map1 = affine_map<(d0, d1) -> (0)>
#map2 = affine_map<(d0, d1) -> (0, 0, 0)>
module attributes {stable_mosaic.version = 14 : i64} {
  func.func @sc_aggr(%arg0: i32, %arg1: i32, %arg2: memref<10000x128xf32, #tpu.memory_space<hbm>>, %arg3: memref<320000xi32, #tpu.memory_space<hbm>>, %arg4: memref<32x125x80xi32, #tpu.memory_space<hbm>>, %arg5: memref<80x128xf32, #tpu.memory_space<hbm>>, %arg6: memref<2x10000x128xf32, #tpu.memory_space<hbm>>, %arg7: memref<10000x128xf32, #tpu.memory_space<vmem_shared>>, %arg8: memref<10000xi32, #tpu.memory_space<vmem>>, %arg9: memref<1x125x80xi32, #tpu.memory_space<vmem>>, %arg10: memref<80x128xf32, #tpu.memory_space<vmem>>, %arg11: memref<80x128xf32, #tpu.memory_space<vmem>>, %arg12: memref<!tpu.dma_semaphore, #tpu.memory_space<semaphore_mem>>, %arg13: memref<!tpu.dma_semaphore, #tpu.memory_space<semaphore_mem>>, %arg14: memref<!tpu.dma_semaphore, #tpu.memory_space<semaphore_mem>>, %arg15: memref<!tpu.dma_semaphore, #tpu.memory_space<semaphore_mem>>) attributes {dimension_semantics = [#tpu.dimension_semantics<core_parallel>, #tpu.dimension_semantics<subcore_parallel>], iteration_bounds = array<i64: 2, 16>, scalar_prefetch = 0 : i64, scratch_operands = 9 : i64, tpu.core_type = #tpu.core_type<sc_vector_subcore>, window_params = [{transform_indices = #map}, {transform_indices = #map1}, {transform_indices = #map2}, {transform_indices = #map}, {transform_indices = #map2}]} {
    %mul3A = arith.constant 16 : i32
    %mul3A_0 = arith.muli %arg0, %mul3A : i32
    %add3A = arith.addi %mul3A_0, %arg1 : i32
    "tpu.region"() ({
      %run_scoped3A = tpu.sem_alloc : memref<!tpu.dma_semaphore, #tpu.memory_space<semaphore_mem>>
      tpu.enqueue_dma source(%arg5 : memref<80x128xf32, #tpu.memory_space<hbm>>) target(%arg10 : memref<80x128xf32, #tpu.memory_space<vmem>>) target_semaphore(%run_scoped3A : memref<!tpu.dma_semaphore, #tpu.memory_space<semaphore_mem>>)
      tpu.wait_dma2 semaphore(%run_scoped3A : memref<!tpu.dma_semaphore, #tpu.memory_space<semaphore_mem>>) src(%arg5 : memref<80x128xf32, #tpu.memory_space<hbm>>) dst(%arg10 : memref<80x128xf32, #tpu.memory_space<vmem>>)
      tpu.yield
    }) : () -> ()
    %sub3A = arith.constant 125 : i32
    %sub3A_1 = arith.subi %sub3A, %arg1 : i32
    %sub3A_2 = arith.constant 16 : i32
    %sub3A_3 = arith.constant 1 : i32
    %sub3A_4 = arith.subi %sub3A_2, %sub3A_3 : i32
    %add3A_5 = arith.addi %sub3A_1, %sub3A_4 : i32
    %div3A = arith.constant 16 : i32
    %div3A_6 = arith.divsi %add3A_5, %div3A : i32
    %while3A = arith.constant 16 : i32
    %while3A_7 = arith.constant 0 : i32
    %while3A_8 = arith.subi %div3A_6, %while3A_7 : i32
    %while3A_9 = arith.addi %while3A_7, %while3A_8 : i32
    %while3A_10 = arith.constant 1 : i32
    %while3A_11 = arith.divsi %while3A_8, %while3A_10 : i32
    %while3A_12 = arith.muli %while3A_11, %while3A_10 : i32
    %while3A_13 = arith.addi %while3A_7, %while3A_12 : i32
    %while3A_14 = arith.constant 1 : i32
    scf.for %while3A_93 = %while3A_7 to %while3A_13 step %while3A_14  : i32 {
      %mul3A_94 = arith.muli %while3A_93, %while3A : i32
      %add3A_95 = arith.addi %arg1, %mul3A_94 : i32
      %mul3A_96 = arith.constant 80 : i32
      %mul3A_97 = arith.muli %add3A_95, %mul3A_96 : i32
      "tpu.region"() ({
        %run_scoped3A = tpu.sem_alloc : memref<!tpu.dma_semaphore, #tpu.memory_space<semaphore_mem>>
        %dma_start3A_98 = arith.constant 0 : i32
        %dma_start3A_99 = tpu.memref_slice %arg7[%mul3A_97, %dma_start3A_98] : memref<10000x128xf32, #tpu.memory_space<vmem_shared>> -> memref<80x128xf32, #tpu.memory_space<vmem_shared>>
        %dma_start3A_100 = arith.constant 0 : i32
        %dma_start3A_101 = tpu.memref_slice %arg7[%mul3A_97, %dma_start3A_100] : memref<10000x128xf32, #tpu.memory_space<vmem_shared>> -> memref<80x128xf32, #tpu.memory_space<vmem_shared>>
        tpu.enqueue_dma source(%arg10 : memref<80x128xf32, #tpu.memory_space<vmem>>) target(%dma_start3A_101 : memref<80x128xf32, #tpu.memory_space<vmem_shared>>) target_semaphore(%run_scoped3A : memref<!tpu.dma_semaphore, #tpu.memory_space<semaphore_mem>>)
        %dma_wait3A_102 = arith.constant 0 : i32
        %dma_wait3A_103 = tpu.memref_slice %arg7[%mul3A_97, %dma_wait3A_102] : memref<10000x128xf32, #tpu.memory_space<vmem_shared>> -> memref<80x128xf32, #tpu.memory_space<vmem_shared>>
        %dma_wait3A_104 = arith.constant 0 : i32
        %dma_wait3A_105 = tpu.memref_slice %arg7[%mul3A_97, %dma_wait3A_104] : memref<10000x128xf32, #tpu.memory_space<vmem_shared>> -> memref<80x128xf32, #tpu.memory_space<vmem_shared>>
        tpu.wait_dma2 semaphore(%run_scoped3A : memref<!tpu.dma_semaphore, #tpu.memory_space<semaphore_mem>>) src(%arg10 : memref<80x128xf32, #tpu.memory_space<vmem>>) dst(%dma_wait3A_105 : memref<80x128xf32, #tpu.memory_space<vmem_shared>>)
        tpu.yield
      }) : () -> ()
    }
    %while3A_15 = arith.constant 1 : i32
    scf.for %while3A_93 = %while3A_13 to %while3A_9 step %while3A_15  : i32 {
      %mul3A_94 = arith.muli %while3A_93, %while3A : i32
      %add3A_95 = arith.addi %arg1, %mul3A_94 : i32
      %mul3A_96 = arith.constant 80 : i32
      %mul3A_97 = arith.muli %add3A_95, %mul3A_96 : i32
      "tpu.region"() ({
        %run_scoped3A = tpu.sem_alloc : memref<!tpu.dma_semaphore, #tpu.memory_space<semaphore_mem>>
        %dma_start3A_98 = arith.constant 0 : i32
        %dma_start3A_99 = tpu.memref_slice %arg7[%mul3A_97, %dma_start3A_98] : memref<10000x128xf32, #tpu.memory_space<vmem_shared>> -> memref<80x128xf32, #tpu.memory_space<vmem_shared>>
        %dma_start3A_100 = arith.constant 0 : i32
        %dma_start3A_101 = tpu.memref_slice %arg7[%mul3A_97, %dma_start3A_100] : memref<10000x128xf32, #tpu.memory_space<vmem_shared>> -> memref<80x128xf32, #tpu.memory_space<vmem_shared>>
        tpu.enqueue_dma source(%arg10 : memref<80x128xf32, #tpu.memory_space<vmem>>) target(%dma_start3A_101 : memref<80x128xf32, #tpu.memory_space<vmem_shared>>) target_semaphore(%run_scoped3A : memref<!tpu.dma_semaphore, #tpu.memory_space<semaphore_mem>>)
        %dma_wait3A_102 = arith.constant 0 : i32
        %dma_wait3A_103 = tpu.memref_slice %arg7[%mul3A_97, %dma_wait3A_102] : memref<10000x128xf32, #tpu.memory_space<vmem_shared>> -> memref<80x128xf32, #tpu.memory_space<vmem_shared>>
        %dma_wait3A_104 = arith.constant 0 : i32
        %dma_wait3A_105 = tpu.memref_slice %arg7[%mul3A_97, %dma_wait3A_104] : memref<10000x128xf32, #tpu.memory_space<vmem_shared>> -> memref<80x128xf32, #tpu.memory_space<vmem_shared>>
        tpu.wait_dma2 semaphore(%run_scoped3A : memref<!tpu.dma_semaphore, #tpu.memory_space<semaphore_mem>>) src(%arg10 : memref<80x128xf32, #tpu.memory_space<vmem>>) dst(%dma_wait3A_105 : memref<80x128xf32, #tpu.memory_space<vmem_shared>>)
        tpu.yield
      }) : () -> ()
    }
    %barrier3A = arith.constant 0 : index
    tpu.barrier barrier_id(%barrier3A)
    %mul3A_16 = arith.constant 10000 : i32
    %mul3A_17 = arith.muli %add3A, %mul3A_16 : i32
    "tpu.region"() ({
      %run_scoped3A = tpu.sem_alloc : memref<!tpu.dma_semaphore, #tpu.memory_space<semaphore_mem>>
      %dma_start3A_93 = tpu.memref_slice %arg3[%mul3A_17] : memref<320000xi32, #tpu.memory_space<hbm>> -> memref<10000xi32, #tpu.memory_space<hbm>>
      %dma_start3A_94 = tpu.memref_slice %arg3[%mul3A_17] : memref<320000xi32, #tpu.memory_space<hbm>> -> memref<10000xi32, #tpu.memory_space<hbm>>
      tpu.enqueue_dma source(%dma_start3A_94 : memref<10000xi32, #tpu.memory_space<hbm>>) target(%arg8 : memref<10000xi32, #tpu.memory_space<vmem>>) target_semaphore(%run_scoped3A : memref<!tpu.dma_semaphore, #tpu.memory_space<semaphore_mem>>)
      %dma_wait3A_95 = tpu.memref_slice %arg3[%mul3A_17] : memref<320000xi32, #tpu.memory_space<hbm>> -> memref<10000xi32, #tpu.memory_space<hbm>>
      %dma_wait3A_96 = tpu.memref_slice %arg3[%mul3A_17] : memref<320000xi32, #tpu.memory_space<hbm>> -> memref<10000xi32, #tpu.memory_space<hbm>>
      tpu.wait_dma2 semaphore(%run_scoped3A : memref<!tpu.dma_semaphore, #tpu.memory_space<semaphore_mem>>) src(%dma_wait3A_96 : memref<10000xi32, #tpu.memory_space<hbm>>) dst(%arg8 : memref<10000xi32, #tpu.memory_space<vmem>>)
      tpu.yield
    }) : () -> ()
    "tpu.region"() ({
      %run_scoped3A = tpu.sem_alloc : memref<!tpu.dma_semaphore, #tpu.memory_space<semaphore_mem>>
      %dma_start3A_93 = arith.constant 0 : i32
      %dma_start3A_94 = arith.constant 0 : i32
      %dma_start3A_95 = tpu.memref_slice %arg4[%add3A, %dma_start3A_93, %dma_start3A_94] : memref<32x125x80xi32, #tpu.memory_space<hbm>> -> memref<1x125x80xi32, #tpu.memory_space<hbm>>
      %dma_start3A_96 = arith.constant 0 : i32
      %dma_start3A_97 = arith.constant 0 : i32
      %dma_start3A_98 = tpu.memref_slice %arg4[%add3A, %dma_start3A_96, %dma_start3A_97] : memref<32x125x80xi32, #tpu.memory_space<hbm>> -> memref<1x125x80xi32, #tpu.memory_space<hbm>>
      tpu.enqueue_dma source(%dma_start3A_98 : memref<1x125x80xi32, #tpu.memory_space<hbm>>) target(%arg9 : memref<1x125x80xi32, #tpu.memory_space<vmem>>) target_semaphore(%run_scoped3A : memref<!tpu.dma_semaphore, #tpu.memory_space<semaphore_mem>>)
      %dma_wait3A_99 = arith.constant 0 : i32
      %dma_wait3A_100 = arith.constant 0 : i32
      %dma_wait3A_101 = tpu.memref_slice %arg4[%add3A, %dma_wait3A_99, %dma_wait3A_100] : memref<32x125x80xi32, #tpu.memory_space<hbm>> -> memref<1x125x80xi32, #tpu.memory_space<hbm>>
      %dma_wait3A_102 = arith.constant 0 : i32
      %dma_wait3A_103 = arith.constant 0 : i32
      %dma_wait3A_104 = tpu.memref_slice %arg4[%add3A, %dma_wait3A_102, %dma_wait3A_103] : memref<32x125x80xi32, #tpu.memory_space<hbm>> -> memref<1x125x80xi32, #tpu.memory_space<hbm>>
      tpu.wait_dma2 semaphore(%run_scoped3A : memref<!tpu.dma_semaphore, #tpu.memory_space<semaphore_mem>>) src(%dma_wait3A_104 : memref<1x125x80xi32, #tpu.memory_space<hbm>>) dst(%arg9 : memref<1x125x80xi32, #tpu.memory_space<vmem>>)
      tpu.yield
    }) : () -> ()
    %dma_start3A = arith.constant 0 : i32
    %dma_start3A_18 = tpu.memref_slice %arg8[%dma_start3A] : memref<10000xi32, #tpu.memory_space<vmem>> -> memref<80xi32, #tpu.memory_space<vmem>>
    %dma_start3A_19 = arith.constant 0 : i32
    %dma_start3A_20 = arith.constant 0 : i32
    %dma_start3A_21 = tpu.memref_slice %arg2[%dma_start3A_19, %dma_start3A_20] : memref<10000x128xf32, #tpu.memory_space<hbm>> -> memref<10000x128xf32, #tpu.memory_space<hbm>>
    tpu.enqueue_indirect_dma source(%dma_start3A_21 : memref<10000x128xf32, #tpu.memory_space<hbm>>) target(%arg10 : memref<80x128xf32, #tpu.memory_space<vmem>>) offsets(%dma_start3A_18 : memref<80xi32, #tpu.memory_space<vmem>>) semaphore(%arg12 : memref<!tpu.dma_semaphore, #tpu.memory_space<semaphore_mem>>)
    %dma_wait3A = arith.constant 0 : i32
    %dma_wait3A_22 = tpu.memref_slice %arg8[%dma_wait3A] : memref<10000xi32, #tpu.memory_space<vmem>> -> memref<80xi32, #tpu.memory_space<vmem>>
    %dma_wait3A_23 = arith.constant 0 : i32
    %dma_wait3A_24 = arith.constant 0 : i32
    %dma_wait3A_25 = tpu.memref_slice %arg2[%dma_wait3A_23, %dma_wait3A_24] : memref<10000x128xf32, #tpu.memory_space<hbm>> -> memref<10000x128xf32, #tpu.memory_space<hbm>>
    tpu.wait_indirect_dma semaphore(%arg12 : memref<!tpu.dma_semaphore, #tpu.memory_space<semaphore_mem>>) src(%dma_wait3A_25 : memref<10000x128xf32, #tpu.memory_space<hbm>>) dst(%arg10 : memref<80x128xf32, #tpu.memory_space<vmem>>)
    %dma_start3A_26 = arith.constant 0 : i32
    %dma_start3A_27 = arith.constant 0 : i32
    %dma_start3A_28 = arith.constant 0 : i32
    %dma_start3A_29 = tpu.memref_slice %arg9[%dma_start3A_26, %dma_start3A_27, %dma_start3A_28] : memref<1x125x80xi32, #tpu.memory_space<vmem>> -> memref<1x1x80xi32, #tpu.memory_space<vmem>>
    %dma_start3A_30 = tpu.memref_squeeze %dma_start3A_29 : memref<1x1x80xi32, #tpu.memory_space<vmem>> -> memref<80xi32, #tpu.memory_space<vmem>>
    %dma_start3A_31 = arith.constant 0 : i32
    %dma_start3A_32 = arith.constant 0 : i32
    %dma_start3A_33 = tpu.memref_slice %arg7[%dma_start3A_31, %dma_start3A_32] : memref<10000x128xf32, #tpu.memory_space<vmem_shared>> -> memref<10000x128xf32, #tpu.memory_space<vmem_shared>>
    tpu.enqueue_indirect_dma source(%arg10 : memref<80x128xf32, #tpu.memory_space<vmem>>) target(%dma_start3A_33 : memref<10000x128xf32, #tpu.memory_space<vmem_shared>>) offsets(%dma_start3A_30 : memref<80xi32, #tpu.memory_space<vmem>>) semaphore(%arg14 : memref<!tpu.dma_semaphore, #tpu.memory_space<semaphore_mem>>) {add = true}
    %dma_start3A_34 = arith.constant 80 : i32
    %dma_start3A_35 = tpu.memref_slice %arg8[%dma_start3A_34] : memref<10000xi32, #tpu.memory_space<vmem>> -> memref<80xi32, #tpu.memory_space<vmem>>
    %dma_start3A_36 = arith.constant 0 : i32
    %dma_start3A_37 = arith.constant 0 : i32
    %dma_start3A_38 = tpu.memref_slice %arg2[%dma_start3A_36, %dma_start3A_37] : memref<10000x128xf32, #tpu.memory_space<hbm>> -> memref<10000x128xf32, #tpu.memory_space<hbm>>
    tpu.enqueue_indirect_dma source(%dma_start3A_38 : memref<10000x128xf32, #tpu.memory_space<hbm>>) target(%arg11 : memref<80x128xf32, #tpu.memory_space<vmem>>) offsets(%dma_start3A_35 : memref<80xi32, #tpu.memory_space<vmem>>) semaphore(%arg13 : memref<!tpu.dma_semaphore, #tpu.memory_space<semaphore_mem>>)
    %scan3A = arith.constant 0 : i32
    %scan3A_39 = arith.constant 61 : i32
    %scan3A_40 = arith.addi %scan3A, %scan3A_39 : i32
    %scan3A_41 = arith.constant 1 : i32
    scf.for %scan3A_93 = %scan3A to %scan3A_40 step %scan3A_41  : i32 {
      %mul3A_94 = arith.constant 1 : i32
      %mul3A_95 = arith.muli %scan3A_93, %mul3A_94 : i32
      %add3A_96 = arith.constant 0 : i32
      %add3A_97 = arith.addi %add3A_96, %mul3A_95 : i32
      %mul3A_98 = arith.constant 2 : i32
      %mul3A_99 = arith.muli %mul3A_98, %add3A_97 : i32
      %add3A_100 = arith.constant 1 : i32
      %add3A_101 = arith.addi %mul3A_99, %add3A_100 : i32
      %dma_wait3A_102 = arith.constant 0 : i32
      %dma_wait3A_103 = tpu.memref_slice %arg8[%dma_wait3A_102] : memref<10000xi32, #tpu.memory_space<vmem>> -> memref<80xi32, #tpu.memory_space<vmem>>
      %dma_wait3A_104 = arith.constant 0 : i32
      %dma_wait3A_105 = arith.constant 0 : i32
      %dma_wait3A_106 = tpu.memref_slice %arg2[%dma_wait3A_104, %dma_wait3A_105] : memref<10000x128xf32, #tpu.memory_space<hbm>> -> memref<10000x128xf32, #tpu.memory_space<hbm>>
      tpu.wait_indirect_dma semaphore(%arg13 : memref<!tpu.dma_semaphore, #tpu.memory_space<semaphore_mem>>) src(%dma_wait3A_106 : memref<10000x128xf32, #tpu.memory_space<hbm>>) dst(%arg11 : memref<80x128xf32, #tpu.memory_space<vmem>>)
      %dma_start3A_107 = arith.constant 0 : i32
      %dma_start3A_108 = arith.constant 0 : i32
      %dma_start3A_109 = tpu.memref_slice %arg9[%dma_start3A_107, %add3A_101, %dma_start3A_108] : memref<1x125x80xi32, #tpu.memory_space<vmem>> -> memref<1x1x80xi32, #tpu.memory_space<vmem>>
      %dma_start3A_110 = tpu.memref_squeeze %dma_start3A_109 : memref<1x1x80xi32, #tpu.memory_space<vmem>> -> memref<80xi32, #tpu.memory_space<vmem>>
      %dma_start3A_111 = arith.constant 0 : i32
      %dma_start3A_112 = arith.constant 0 : i32
      %dma_start3A_113 = tpu.memref_slice %arg7[%dma_start3A_111, %dma_start3A_112] : memref<10000x128xf32, #tpu.memory_space<vmem_shared>> -> memref<10000x128xf32, #tpu.memory_space<vmem_shared>>
      tpu.enqueue_indirect_dma source(%arg11 : memref<80x128xf32, #tpu.memory_space<vmem>>) target(%dma_start3A_113 : memref<10000x128xf32, #tpu.memory_space<vmem_shared>>) offsets(%dma_start3A_110 : memref<80xi32, #tpu.memory_space<vmem>>) semaphore(%arg15 : memref<!tpu.dma_semaphore, #tpu.memory_space<semaphore_mem>>) {add = true}
      tpu.wait_dma2 semaphore(%arg14 : memref<!tpu.dma_semaphore, #tpu.memory_space<semaphore_mem>>) src(%arg5 : memref<80x128xf32, #tpu.memory_space<hbm>>) dst(%arg10 : memref<80x128xf32, #tpu.memory_space<vmem>>)
      %add3A_114 = arith.constant 1 : i32
      %add3A_115 = arith.addi %add3A_101, %add3A_114 : i32
      %mul3A_116 = arith.constant 80 : i32
      %mul3A_117 = arith.muli %add3A_115, %mul3A_116 : i32
      %dma_start3A_118 = tpu.memref_slice %arg8[%mul3A_117] : memref<10000xi32, #tpu.memory_space<vmem>> -> memref<80xi32, #tpu.memory_space<vmem>>
      %dma_start3A_119 = arith.constant 0 : i32
      %dma_start3A_120 = arith.constant 0 : i32
      %dma_start3A_121 = tpu.memref_slice %arg2[%dma_start3A_119, %dma_start3A_120] : memref<10000x128xf32, #tpu.memory_space<hbm>> -> memref<10000x128xf32, #tpu.memory_space<hbm>>
      tpu.enqueue_indirect_dma source(%dma_start3A_121 : memref<10000x128xf32, #tpu.memory_space<hbm>>) target(%arg10 : memref<80x128xf32, #tpu.memory_space<vmem>>) offsets(%dma_start3A_118 : memref<80xi32, #tpu.memory_space<vmem>>) semaphore(%arg12 : memref<!tpu.dma_semaphore, #tpu.memory_space<semaphore_mem>>)
      %dma_wait3A_122 = arith.constant 0 : i32
      %dma_wait3A_123 = tpu.memref_slice %arg8[%dma_wait3A_122] : memref<10000xi32, #tpu.memory_space<vmem>> -> memref<80xi32, #tpu.memory_space<vmem>>
      %dma_wait3A_124 = arith.constant 0 : i32
      %dma_wait3A_125 = arith.constant 0 : i32
      %dma_wait3A_126 = tpu.memref_slice %arg2[%dma_wait3A_124, %dma_wait3A_125] : memref<10000x128xf32, #tpu.memory_space<hbm>> -> memref<10000x128xf32, #tpu.memory_space<hbm>>
      tpu.wait_indirect_dma semaphore(%arg12 : memref<!tpu.dma_semaphore, #tpu.memory_space<semaphore_mem>>) src(%dma_wait3A_126 : memref<10000x128xf32, #tpu.memory_space<hbm>>) dst(%arg10 : memref<80x128xf32, #tpu.memory_space<vmem>>)
      %add3A_127 = arith.constant 1 : i32
      %add3A_128 = arith.addi %add3A_101, %add3A_127 : i32
      %dma_start3A_129 = arith.constant 0 : i32
      %dma_start3A_130 = arith.constant 0 : i32
      %dma_start3A_131 = tpu.memref_slice %arg9[%dma_start3A_129, %add3A_128, %dma_start3A_130] : memref<1x125x80xi32, #tpu.memory_space<vmem>> -> memref<1x1x80xi32, #tpu.memory_space<vmem>>
      %dma_start3A_132 = tpu.memref_squeeze %dma_start3A_131 : memref<1x1x80xi32, #tpu.memory_space<vmem>> -> memref<80xi32, #tpu.memory_space<vmem>>
      %dma_start3A_133 = arith.constant 0 : i32
      %dma_start3A_134 = arith.constant 0 : i32
      %dma_start3A_135 = tpu.memref_slice %arg7[%dma_start3A_133, %dma_start3A_134] : memref<10000x128xf32, #tpu.memory_space<vmem_shared>> -> memref<10000x128xf32, #tpu.memory_space<vmem_shared>>
      tpu.enqueue_indirect_dma source(%arg10 : memref<80x128xf32, #tpu.memory_space<vmem>>) target(%dma_start3A_135 : memref<10000x128xf32, #tpu.memory_space<vmem_shared>>) offsets(%dma_start3A_132 : memref<80xi32, #tpu.memory_space<vmem>>) semaphore(%arg14 : memref<!tpu.dma_semaphore, #tpu.memory_space<semaphore_mem>>) {add = true}
      tpu.wait_dma2 semaphore(%arg15 : memref<!tpu.dma_semaphore, #tpu.memory_space<semaphore_mem>>) src(%arg5 : memref<80x128xf32, #tpu.memory_space<hbm>>) dst(%arg11 : memref<80x128xf32, #tpu.memory_space<vmem>>)
      %add3A_136 = arith.constant 2 : i32
      %add3A_137 = arith.addi %add3A_101, %add3A_136 : i32
      %mul3A_138 = arith.constant 80 : i32
      %mul3A_139 = arith.muli %add3A_137, %mul3A_138 : i32
      %dma_start3A_140 = tpu.memref_slice %arg8[%mul3A_139] : memref<10000xi32, #tpu.memory_space<vmem>> -> memref<80xi32, #tpu.memory_space<vmem>>
      %dma_start3A_141 = arith.constant 0 : i32
      %dma_start3A_142 = arith.constant 0 : i32
      %dma_start3A_143 = tpu.memref_slice %arg2[%dma_start3A_141, %dma_start3A_142] : memref<10000x128xf32, #tpu.memory_space<hbm>> -> memref<10000x128xf32, #tpu.memory_space<hbm>>
      tpu.enqueue_indirect_dma source(%dma_start3A_143 : memref<10000x128xf32, #tpu.memory_space<hbm>>) target(%arg11 : memref<80x128xf32, #tpu.memory_space<vmem>>) offsets(%dma_start3A_140 : memref<80xi32, #tpu.memory_space<vmem>>) semaphore(%arg13 : memref<!tpu.dma_semaphore, #tpu.memory_space<semaphore_mem>>)
    }
    %scan3A_42 = arith.constant 61 : i32
    %dma_wait3A_43 = arith.constant 0 : i32
    %dma_wait3A_44 = tpu.memref_slice %arg8[%dma_wait3A_43] : memref<10000xi32, #tpu.memory_space<vmem>> -> memref<80xi32, #tpu.memory_space<vmem>>
    %dma_wait3A_45 = arith.constant 0 : i32
    %dma_wait3A_46 = arith.constant 0 : i32
    %dma_wait3A_47 = tpu.memref_slice %arg2[%dma_wait3A_45, %dma_wait3A_46] : memref<10000x128xf32, #tpu.memory_space<hbm>> -> memref<10000x128xf32, #tpu.memory_space<hbm>>
    tpu.wait_indirect_dma semaphore(%arg13 : memref<!tpu.dma_semaphore, #tpu.memory_space<semaphore_mem>>) src(%dma_wait3A_47 : memref<10000x128xf32, #tpu.memory_space<hbm>>) dst(%arg11 : memref<80x128xf32, #tpu.memory_space<vmem>>)
    %dma_start3A_48 = arith.constant 0 : i32
    %dma_start3A_49 = arith.constant 123 : i32
    %dma_start3A_50 = arith.constant 0 : i32
    %dma_start3A_51 = tpu.memref_slice %arg9[%dma_start3A_48, %dma_start3A_49, %dma_start3A_50] : memref<1x125x80xi32, #tpu.memory_space<vmem>> -> memref<1x1x80xi32, #tpu.memory_space<vmem>>
    %dma_start3A_52 = tpu.memref_squeeze %dma_start3A_51 : memref<1x1x80xi32, #tpu.memory_space<vmem>> -> memref<80xi32, #tpu.memory_space<vmem>>
    %dma_start3A_53 = arith.constant 0 : i32
    %dma_start3A_54 = arith.constant 0 : i32
    %dma_start3A_55 = tpu.memref_slice %arg7[%dma_start3A_53, %dma_start3A_54] : memref<10000x128xf32, #tpu.memory_space<vmem_shared>> -> memref<10000x128xf32, #tpu.memory_space<vmem_shared>>
    tpu.enqueue_indirect_dma source(%arg11 : memref<80x128xf32, #tpu.memory_space<vmem>>) target(%dma_start3A_55 : memref<10000x128xf32, #tpu.memory_space<vmem_shared>>) offsets(%dma_start3A_52 : memref<80xi32, #tpu.memory_space<vmem>>) semaphore(%arg15 : memref<!tpu.dma_semaphore, #tpu.memory_space<semaphore_mem>>) {add = true}
    tpu.wait_dma2 semaphore(%arg14 : memref<!tpu.dma_semaphore, #tpu.memory_space<semaphore_mem>>) src(%arg5 : memref<80x128xf32, #tpu.memory_space<hbm>>) dst(%arg10 : memref<80x128xf32, #tpu.memory_space<vmem>>)
    %dma_start3A_56 = arith.constant 9920 : i32
    %dma_start3A_57 = tpu.memref_slice %arg8[%dma_start3A_56] : memref<10000xi32, #tpu.memory_space<vmem>> -> memref<80xi32, #tpu.memory_space<vmem>>
    %dma_start3A_58 = arith.constant 0 : i32
    %dma_start3A_59 = arith.constant 0 : i32
    %dma_start3A_60 = tpu.memref_slice %arg2[%dma_start3A_58, %dma_start3A_59] : memref<10000x128xf32, #tpu.memory_space<hbm>> -> memref<10000x128xf32, #tpu.memory_space<hbm>>
    tpu.enqueue_indirect_dma source(%dma_start3A_60 : memref<10000x128xf32, #tpu.memory_space<hbm>>) target(%arg10 : memref<80x128xf32, #tpu.memory_space<vmem>>) offsets(%dma_start3A_57 : memref<80xi32, #tpu.memory_space<vmem>>) semaphore(%arg12 : memref<!tpu.dma_semaphore, #tpu.memory_space<semaphore_mem>>)
    %dma_wait3A_61 = arith.constant 0 : i32
    %dma_wait3A_62 = tpu.memref_slice %arg8[%dma_wait3A_61] : memref<10000xi32, #tpu.memory_space<vmem>> -> memref<80xi32, #tpu.memory_space<vmem>>
    %dma_wait3A_63 = arith.constant 0 : i32
    %dma_wait3A_64 = arith.constant 0 : i32
    %dma_wait3A_65 = tpu.memref_slice %arg2[%dma_wait3A_63, %dma_wait3A_64] : memref<10000x128xf32, #tpu.memory_space<hbm>> -> memref<10000x128xf32, #tpu.memory_space<hbm>>
    tpu.wait_indirect_dma semaphore(%arg12 : memref<!tpu.dma_semaphore, #tpu.memory_space<semaphore_mem>>) src(%dma_wait3A_65 : memref<10000x128xf32, #tpu.memory_space<hbm>>) dst(%arg10 : memref<80x128xf32, #tpu.memory_space<vmem>>)
    %dma_start3A_66 = arith.constant 0 : i32
    %dma_start3A_67 = arith.constant 124 : i32
    %dma_start3A_68 = arith.constant 0 : i32
    %dma_start3A_69 = tpu.memref_slice %arg9[%dma_start3A_66, %dma_start3A_67, %dma_start3A_68] : memref<1x125x80xi32, #tpu.memory_space<vmem>> -> memref<1x1x80xi32, #tpu.memory_space<vmem>>
    %dma_start3A_70 = tpu.memref_squeeze %dma_start3A_69 : memref<1x1x80xi32, #tpu.memory_space<vmem>> -> memref<80xi32, #tpu.memory_space<vmem>>
    %dma_start3A_71 = arith.constant 0 : i32
    %dma_start3A_72 = arith.constant 0 : i32
    %dma_start3A_73 = tpu.memref_slice %arg7[%dma_start3A_71, %dma_start3A_72] : memref<10000x128xf32, #tpu.memory_space<vmem_shared>> -> memref<10000x128xf32, #tpu.memory_space<vmem_shared>>
    tpu.enqueue_indirect_dma source(%arg10 : memref<80x128xf32, #tpu.memory_space<vmem>>) target(%dma_start3A_73 : memref<10000x128xf32, #tpu.memory_space<vmem_shared>>) offsets(%dma_start3A_70 : memref<80xi32, #tpu.memory_space<vmem>>) semaphore(%arg14 : memref<!tpu.dma_semaphore, #tpu.memory_space<semaphore_mem>>) {add = true}
    tpu.wait_dma2 semaphore(%arg15 : memref<!tpu.dma_semaphore, #tpu.memory_space<semaphore_mem>>) src(%arg5 : memref<80x128xf32, #tpu.memory_space<hbm>>) dst(%arg11 : memref<80x128xf32, #tpu.memory_space<vmem>>)
    tpu.wait_dma2 semaphore(%arg14 : memref<!tpu.dma_semaphore, #tpu.memory_space<semaphore_mem>>) src(%arg5 : memref<80x128xf32, #tpu.memory_space<hbm>>) dst(%arg10 : memref<80x128xf32, #tpu.memory_space<vmem>>)
    %barrier3A_74 = arith.constant 0 : index
    tpu.barrier barrier_id(%barrier3A_74)
    %sub3A_75 = arith.constant 125 : i32
    %sub3A_76 = arith.subi %sub3A_75, %arg1 : i32
    %sub3A_77 = arith.constant 16 : i32
    %sub3A_78 = arith.constant 1 : i32
    %sub3A_79 = arith.subi %sub3A_77, %sub3A_78 : i32
    %add3A_80 = arith.addi %sub3A_76, %sub3A_79 : i32
    %div3A_81 = arith.constant 16 : i32
    %div3A_82 = arith.divsi %add3A_80, %div3A_81 : i32
    %while3A_83 = arith.constant 16 : i32
    %while3A_84 = arith.constant 0 : i32
    %while3A_85 = arith.subi %div3A_82, %while3A_84 : i32
    %while3A_86 = arith.addi %while3A_84, %while3A_85 : i32
    %while3A_87 = arith.constant 1 : i32
    %while3A_88 = arith.divsi %while3A_85, %while3A_87 : i32
    %while3A_89 = arith.muli %while3A_88, %while3A_87 : i32
    %while3A_90 = arith.addi %while3A_84, %while3A_89 : i32
    %while3A_91 = arith.constant 1 : i32
    scf.for %while3A_93 = %while3A_84 to %while3A_90 step %while3A_91  : i32 {
      %mul3A_94 = arith.muli %while3A_93, %while3A_83 : i32
      %add3A_95 = arith.addi %arg1, %mul3A_94 : i32
      %mul3A_96 = arith.constant 80 : i32
      %mul3A_97 = arith.muli %add3A_95, %mul3A_96 : i32
      "tpu.region"() ({
        %run_scoped3A = tpu.sem_alloc : memref<!tpu.dma_semaphore, #tpu.memory_space<semaphore_mem>>
        %dma_start3A_98 = arith.constant 0 : i32
        %dma_start3A_99 = tpu.memref_slice %arg7[%mul3A_97, %dma_start3A_98] : memref<10000x128xf32, #tpu.memory_space<vmem_shared>> -> memref<80x128xf32, #tpu.memory_space<vmem_shared>>
        %dma_start3A_100 = arith.constant 0 : i32
        %dma_start3A_101 = tpu.memref_slice %arg7[%mul3A_97, %dma_start3A_100] : memref<10000x128xf32, #tpu.memory_space<vmem_shared>> -> memref<80x128xf32, #tpu.memory_space<vmem_shared>>
        tpu.enqueue_dma source(%dma_start3A_101 : memref<80x128xf32, #tpu.memory_space<vmem_shared>>) target(%arg10 : memref<80x128xf32, #tpu.memory_space<vmem>>) target_semaphore(%run_scoped3A : memref<!tpu.dma_semaphore, #tpu.memory_space<semaphore_mem>>)
        %dma_wait3A_102 = arith.constant 0 : i32
        %dma_wait3A_103 = tpu.memref_slice %arg7[%mul3A_97, %dma_wait3A_102] : memref<10000x128xf32, #tpu.memory_space<vmem_shared>> -> memref<80x128xf32, #tpu.memory_space<vmem_shared>>
        %dma_wait3A_104 = arith.constant 0 : i32
        %dma_wait3A_105 = tpu.memref_slice %arg7[%mul3A_97, %dma_wait3A_104] : memref<10000x128xf32, #tpu.memory_space<vmem_shared>> -> memref<80x128xf32, #tpu.memory_space<vmem_shared>>
        tpu.wait_dma2 semaphore(%run_scoped3A : memref<!tpu.dma_semaphore, #tpu.memory_space<semaphore_mem>>) src(%dma_wait3A_105 : memref<80x128xf32, #tpu.memory_space<vmem_shared>>) dst(%arg10 : memref<80x128xf32, #tpu.memory_space<vmem>>)
        tpu.yield
      }) : () -> ()
      "tpu.region"() ({
        %run_scoped3A = tpu.sem_alloc : memref<!tpu.dma_semaphore, #tpu.memory_space<semaphore_mem>>
        %dma_start3A_98 = arith.constant 0 : i32
        %dma_start3A_99 = tpu.memref_slice %arg6[%arg0, %mul3A_97, %dma_start3A_98] : memref<2x10000x128xf32, #tpu.memory_space<hbm>> -> memref<1x80x128xf32, #tpu.memory_space<hbm>>
        %dma_start3A_100 = tpu.memref_squeeze %dma_start3A_99 : memref<1x80x128xf32, #tpu.memory_space<hbm>> -> memref<80x128xf32, #tpu.memory_space<hbm>>
        %dma_start3A_101 = arith.constant 0 : i32
        %dma_start3A_102 = tpu.memref_slice %arg6[%arg0, %mul3A_97, %dma_start3A_101] : memref<2x10000x128xf32, #tpu.memory_space<hbm>> -> memref<1x80x128xf32, #tpu.memory_space<hbm>>
        %dma_start3A_103 = tpu.memref_squeeze %dma_start3A_102 : memref<1x80x128xf32, #tpu.memory_space<hbm>> -> memref<80x128xf32, #tpu.memory_space<hbm>>
        tpu.enqueue_dma source(%arg10 : memref<80x128xf32, #tpu.memory_space<vmem>>) target(%dma_start3A_103 : memref<80x128xf32, #tpu.memory_space<hbm>>) target_semaphore(%run_scoped3A : memref<!tpu.dma_semaphore, #tpu.memory_space<semaphore_mem>>)
        %dma_wait3A_104 = arith.constant 0 : i32
        %dma_wait3A_105 = tpu.memref_slice %arg6[%arg0, %mul3A_97, %dma_wait3A_104] : memref<2x10000x128xf32, #tpu.memory_space<hbm>> -> memref<1x80x128xf32, #tpu.memory_space<hbm>>
        %dma_wait3A_106 = tpu.memref_squeeze %dma_wait3A_105 : memref<1x80x128xf32, #tpu.memory_space<hbm>> -> memref<80x128xf32, #tpu.memory_space<hbm>>
        %dma_wait3A_107 = arith.constant 0 : i32
        %dma_wait3A_108 = tpu.memref_slice %arg6[%arg0, %mul3A_97, %dma_wait3A_107] : memref<2x10000x128xf32, #tpu.memory_space<hbm>> -> memref<1x80x128xf32, #tpu.memory_space<hbm>>
        %dma_wait3A_109 = tpu.memref_squeeze %dma_wait3A_108 : memref<1x80x128xf32, #tpu.memory_space<hbm>> -> memref<80x128xf32, #tpu.memory_space<hbm>>
        tpu.wait_dma2 semaphore(%run_scoped3A : memref<!tpu.dma_semaphore, #tpu.memory_space<semaphore_mem>>) src(%arg10 : memref<80x128xf32, #tpu.memory_space<vmem>>) dst(%dma_wait3A_109 : memref<80x128xf32, #tpu.memory_space<hbm>>)
        tpu.yield
      }) : () -> ()
    }
    %while3A_92 = arith.constant 1 : i32
    scf.for %while3A_93 = %while3A_90 to %while3A_86 step %while3A_92  : i32 {
      %mul3A_94 = arith.muli %while3A_93, %while3A_83 : i32
      %add3A_95 = arith.addi %arg1, %mul3A_94 : i32
      %mul3A_96 = arith.constant 80 : i32
      %mul3A_97 = arith.muli %add3A_95, %mul3A_96 : i32
      "tpu.region"() ({
        %run_scoped3A = tpu.sem_alloc : memref<!tpu.dma_semaphore, #tpu.memory_space<semaphore_mem>>
        %dma_start3A_98 = arith.constant 0 : i32
        %dma_start3A_99 = tpu.memref_slice %arg7[%mul3A_97, %dma_start3A_98] : memref<10000x128xf32, #tpu.memory_space<vmem_shared>> -> memref<80x128xf32, #tpu.memory_space<vmem_shared>>
        %dma_start3A_100 = arith.constant 0 : i32
        %dma_start3A_101 = tpu.memref_slice %arg7[%mul3A_97, %dma_start3A_100] : memref<10000x128xf32, #tpu.memory_space<vmem_shared>> -> memref<80x128xf32, #tpu.memory_space<vmem_shared>>
        tpu.enqueue_dma source(%dma_start3A_101 : memref<80x128xf32, #tpu.memory_space<vmem_shared>>) target(%arg10 : memref<80x128xf32, #tpu.memory_space<vmem>>) target_semaphore(%run_scoped3A : memref<!tpu.dma_semaphore, #tpu.memory_space<semaphore_mem>>)
        %dma_wait3A_102 = arith.constant 0 : i32
        %dma_wait3A_103 = tpu.memref_slice %arg7[%mul3A_97, %dma_wait3A_102] : memref<10000x128xf32, #tpu.memory_space<vmem_shared>> -> memref<80x128xf32, #tpu.memory_space<vmem_shared>>
        %dma_wait3A_104 = arith.constant 0 : i32
        %dma_wait3A_105 = tpu.memref_slice %arg7[%mul3A_97, %dma_wait3A_104] : memref<10000x128xf32, #tpu.memory_space<vmem_shared>> -> memref<80x128xf32, #tpu.memory_space<vmem_shared>>
        tpu.wait_dma2 semaphore(%run_scoped3A : memref<!tpu.dma_semaphore, #tpu.memory_space<semaphore_mem>>) src(%dma_wait3A_105 : memref<80x128xf32, #tpu.memory_space<vmem_shared>>) dst(%arg10 : memref<80x128xf32, #tpu.memory_space<vmem>>)
        tpu.yield
      }) : () -> ()
      "tpu.region"() ({
        %run_scoped3A = tpu.sem_alloc : memref<!tpu.dma_semaphore, #tpu.memory_space<semaphore_mem>>
        %dma_start3A_98 = arith.constant 0 : i32
        %dma_start3A_99 = tpu.memref_slice %arg6[%arg0, %mul3A_97, %dma_start3A_98] : memref<2x10000x128xf32, #tpu.memory_space<hbm>> -> memref<1x80x128xf32, #tpu.memory_space<hbm>>
        %dma_start3A_100 = tpu.memref_squeeze %dma_start3A_99 : memref<1x80x128xf32, #tpu.memory_space<hbm>> -> memref<80x128xf32, #tpu.memory_space<hbm>>
        %dma_start3A_101 = arith.constant 0 : i32
        %dma_start3A_102 = tpu.memref_slice %arg6[%arg0, %mul3A_97, %dma_start3A_101] : memref<2x10000x128xf32, #tpu.memory_space<hbm>> -> memref<1x80x128xf32, #tpu.memory_space<hbm>>
        %dma_start3A_103 = tpu.memref_squeeze %dma_start3A_102 : memref<1x80x128xf32, #tpu.memory_space<hbm>> -> memref<80x128xf32, #tpu.memory_space<hbm>>
        tpu.enqueue_dma source(%arg10 : memref<80x128xf32, #tpu.memory_space<vmem>>) target(%dma_start3A_103 : memref<80x128xf32, #tpu.memory_space<hbm>>) target_semaphore(%run_scoped3A : memref<!tpu.dma_semaphore, #tpu.memory_space<semaphore_mem>>)
        %dma_wait3A_104 = arith.constant 0 : i32
        %dma_wait3A_105 = tpu.memref_slice %arg6[%arg0, %mul3A_97, %dma_wait3A_104] : memref<2x10000x128xf32, #tpu.memory_space<hbm>> -> memref<1x80x128xf32, #tpu.memory_space<hbm>>
        %dma_wait3A_106 = tpu.memref_squeeze %dma_wait3A_105 : memref<1x80x128xf32, #tpu.memory_space<hbm>> -> memref<80x128xf32, #tpu.memory_space<hbm>>
        %dma_wait3A_107 = arith.constant 0 : i32
        %dma_wait3A_108 = tpu.memref_slice %arg6[%arg0, %mul3A_97, %dma_wait3A_107] : memref<2x10000x128xf32, #tpu.memory_space<hbm>> -> memref<1x80x128xf32, #tpu.memory_space<hbm>>
        %dma_wait3A_109 = tpu.memref_squeeze %dma_wait3A_108 : memref<1x80x128xf32, #tpu.memory_space<hbm>> -> memref<80x128xf32, #tpu.memory_space<hbm>>
        tpu.wait_dma2 semaphore(%run_scoped3A : memref<!tpu.dma_semaphore, #tpu.memory_space<semaphore_mem>>) src(%arg10 : memref<80x128xf32, #tpu.memory_space<vmem>>) dst(%dma_wait3A_109 : memref<80x128xf32, #tpu.memory_space<hbm>>)
        tpu.yield
      }) : () -> ()
    }
    return
  }
}

#map = affine_map<(d0, d1) -> (0)>
#map1 = affine_map<(d0, d1) -> (0, 0)>
module attributes {stable_mosaic.version = 14 : i64} {
  func.func @sc_deg(%arg0: i32, %arg1: i32, %arg2: memref<320000xi32, #tpu.memory_space<hbm>>, %arg3: memref<32x10000xf32, #tpu.memory_space<hbm>>, %arg4: memref<10000xi32, #tpu.memory_space<vmem>>, %arg5: memref<10000xf32, #tpu.memory_space<vmem>>, %arg6: memref<!tpu.dma_semaphore, #tpu.memory_space<semaphore_mem>>) attributes {dimension_semantics = [#tpu.dimension_semantics<core_parallel>, #tpu.dimension_semantics<subcore_parallel>], iteration_bounds = array<i64: 2, 16>, scalar_prefetch = 0 : i64, scratch_operands = 3 : i64, tpu.core_type = #tpu.core_type<sc_vector_subcore>, window_params = [{transform_indices = #map}, {transform_indices = #map1}]} {
    %mul3A = arith.constant 16 : i32
    %mul3A_0 = arith.muli %arg0, %mul3A : i32
    %add3A = arith.addi %mul3A_0, %arg1 : i32
    %scan3A = arith.constant 0 : i32
    %scan3A_1 = arith.constant 625 : i32
    %scan3A_2 = arith.addi %scan3A, %scan3A_1 : i32
    %scan3A_3 = arith.constant 1 : i32
    scf.for %scan3A_13 = %scan3A to %scan3A_2 step %scan3A_3  : i32 {
      %mul3A_14 = arith.constant 1 : i32
      %mul3A_15 = arith.muli %scan3A_13, %mul3A_14 : i32
      %add3A_16 = arith.constant 0 : i32
      %add3A_17 = arith.addi %add3A_16, %mul3A_15 : i32
      %broadcast_in_dim3A_18 = arith.constant 0.000000e+00 : f32
      %broadcast_in_dim3A_19 = vector.broadcast %broadcast_in_dim3A_18 : f32 to vector<16xf32>
      %mul3A_20 = arith.constant 16 : i32
      %mul3A_21 = arith.muli %add3A_17, %mul3A_20 : i32
      %swap3A = arith.index_cast %mul3A_21 : i32 to index
      %swap3A_22 = tpu.vector_load %arg5[%swap3A] {strides = array<i32>} : memref<10000xf32, #tpu.memory_space<vmem>>, vector<16xf32>,
      tpu.vector_store %arg5[%swap3A], %broadcast_in_dim3A_19 {strides = array<i32>} : memref<10000xf32, #tpu.memory_space<vmem>>, vector<16xf32>,
    }
    %scan3A_4 = arith.constant 625 : i32
    %mul3A_5 = arith.constant 10000 : i32
    %mul3A_6 = arith.muli %add3A, %mul3A_5 : i32
    "tpu.region"() ({
      %run_scoped3A = tpu.sem_alloc : memref<!tpu.dma_semaphore, #tpu.memory_space<semaphore_mem>>
      %dma_start3A = tpu.memref_slice %arg2[%mul3A_6] : memref<320000xi32, #tpu.memory_space<hbm>> -> memref<10000xi32, #tpu.memory_space<hbm>>
      %dma_start3A_13 = tpu.memref_slice %arg2[%mul3A_6] : memref<320000xi32, #tpu.memory_space<hbm>> -> memref<10000xi32, #tpu.memory_space<hbm>>
      tpu.enqueue_dma source(%dma_start3A_13 : memref<10000xi32, #tpu.memory_space<hbm>>) target(%arg4 : memref<10000xi32, #tpu.memory_space<vmem>>) target_semaphore(%run_scoped3A : memref<!tpu.dma_semaphore, #tpu.memory_space<semaphore_mem>>)
      %dma_wait3A = tpu.memref_slice %arg2[%mul3A_6] : memref<320000xi32, #tpu.memory_space<hbm>> -> memref<10000xi32, #tpu.memory_space<hbm>>
      %dma_wait3A_14 = tpu.memref_slice %arg2[%mul3A_6] : memref<320000xi32, #tpu.memory_space<hbm>> -> memref<10000xi32, #tpu.memory_space<hbm>>
      tpu.wait_dma2 semaphore(%run_scoped3A : memref<!tpu.dma_semaphore, #tpu.memory_space<semaphore_mem>>) src(%dma_wait3A_14 : memref<10000xi32, #tpu.memory_space<hbm>>) dst(%arg4 : memref<10000xi32, #tpu.memory_space<vmem>>)
      tpu.yield
    }) : () -> ()
    %broadcast_in_dim3A = arith.constant 1.000000e+00 : f32
    %broadcast_in_dim3A_7 = vector.broadcast %broadcast_in_dim3A : f32 to vector<16xf32>
    %scan3A_8 = arith.constant 0 : i32
    %scan3A_9 = arith.constant 625 : i32
    %scan3A_10 = arith.addi %scan3A_8, %scan3A_9 : i32
    %scan3A_11 = arith.constant 1 : i32
    scf.for %scan3A_13 = %scan3A_8 to %scan3A_10 step %scan3A_11  : i32 {
      %mul3A_14 = arith.constant 1 : i32
      %mul3A_15 = arith.muli %scan3A_13, %mul3A_14 : i32
      %add3A_16 = arith.constant 0 : i32
      %add3A_17 = arith.addi %add3A_16, %mul3A_15 : i32
      %mul3A_18 = arith.constant 16 : i32
      %mul3A_19 = arith.muli %add3A_17, %mul3A_18 : i32
      %get3A = arith.index_cast %mul3A_19 : i32 to index
      %get3A_20 = tpu.vector_load %arg4[%get3A] {strides = array<i32>} : memref<10000xi32, #tpu.memory_space<vmem>>, vector<16xi32>,
      tpu.vector_store_idx %arg5[%get3A_20], %broadcast_in_dim3A_7 {add = true} : memref<10000xf32, #tpu.memory_space<vmem>>[vector<16xi32>], vector<16xf32>,
    }
    %scan3A_12 = arith.constant 625 : i32
    "tpu.region"() ({
      %run_scoped3A = tpu.sem_alloc : memref<!tpu.dma_semaphore, #tpu.memory_space<semaphore_mem>>
      %dma_start3A = arith.constant 0 : i32
      %dma_start3A_13 = tpu.memref_slice %arg3[%add3A, %dma_start3A] : memref<32x10000xf32, #tpu.memory_space<hbm>> -> memref<1x10000xf32, #tpu.memory_space<hbm>>
      %dma_start3A_14 = tpu.memref_squeeze %dma_start3A_13 : memref<1x10000xf32, #tpu.memory_space<hbm>> -> memref<10000xf32, #tpu.memory_space<hbm>>
      %dma_start3A_15 = arith.constant 0 : i32
      %dma_start3A_16 = tpu.memref_slice %arg3[%add3A, %dma_start3A_15] : memref<32x10000xf32, #tpu.memory_space<hbm>> -> memref<1x10000xf32, #tpu.memory_space<hbm>>
      %dma_start3A_17 = tpu.memref_squeeze %dma_start3A_16 : memref<1x10000xf32, #tpu.memory_space<hbm>> -> memref<10000xf32, #tpu.memory_space<hbm>>
      tpu.enqueue_dma source(%arg5 : memref<10000xf32, #tpu.memory_space<vmem>>) target(%dma_start3A_17 : memref<10000xf32, #tpu.memory_space<hbm>>) target_semaphore(%run_scoped3A : memref<!tpu.dma_semaphore, #tpu.memory_space<semaphore_mem>>)
      %dma_wait3A = arith.constant 0 : i32
      %dma_wait3A_18 = tpu.memref_slice %arg3[%add3A, %dma_wait3A] : memref<32x10000xf32, #tpu.memory_space<hbm>> -> memref<1x10000xf32, #tpu.memory_space<hbm>>
      %dma_wait3A_19 = tpu.memref_squeeze %dma_wait3A_18 : memref<1x10000xf32, #tpu.memory_space<hbm>> -> memref<10000xf32, #tpu.memory_space<hbm>>
      %dma_wait3A_20 = arith.constant 0 : i32
      %dma_wait3A_21 = tpu.memref_slice %arg3[%add3A, %dma_wait3A_20] : memref<32x10000xf32, #tpu.memory_space<hbm>> -> memref<1x10000xf32, #tpu.memory_space<hbm>>
      %dma_wait3A_22 = tpu.memref_squeeze %dma_wait3A_21 : memref<1x10000xf32, #tpu.memory_space<hbm>> -> memref<10000xf32, #tpu.memory_space<hbm>>
      tpu.wait_dma2 semaphore(%run_scoped3A : memref<!tpu.dma_semaphore, #tpu.memory_space<semaphore_mem>>) src(%arg5 : memref<10000xf32, #tpu.memory_space<vmem>>) dst(%dma_wait3A_22 : memref<10000xf32, #tpu.memory_space<hbm>>)
      tpu.yield
    }) : () -> ()
    return
  }
}

#map = affine_map<(d0, d1) -> (0, 0)>
#map1 = affine_map<(d0, d1) -> (0)>
#map2 = affine_map<(d0, d1) -> (0, 0, 0)>
module attributes {stable_mosaic.version = 14 : i64} {
  func.func @sc_aggr(%arg0: i32, %arg1: i32, %arg2: memref<10000x128xf32, #tpu.memory_space<hbm>>, %arg3: memref<320000xi32, #tpu.memory_space<hbm>>, %arg4: memref<32x125x80xi32, #tpu.memory_space<hbm>>, %arg5: memref<80x128xf32, #tpu.memory_space<hbm>>, %arg6: memref<2x10000x128xf32, #tpu.memory_space<hbm>>, %arg7: memref<10000x128xf32, #tpu.memory_space<vmem_shared>>, %arg8: memref<10000xi32, #tpu.memory_space<vmem>>, %arg9: memref<1x125x80xi32, #tpu.memory_space<vmem>>, %arg10: memref<80x128xf32, #tpu.memory_space<vmem>>, %arg11: memref<80x128xf32, #tpu.memory_space<vmem>>, %arg12: memref<!tpu.dma_semaphore, #tpu.memory_space<semaphore_mem>>, %arg13: memref<!tpu.dma_semaphore, #tpu.memory_space<semaphore_mem>>, %arg14: memref<!tpu.dma_semaphore, #tpu.memory_space<semaphore_mem>>, %arg15: memref<!tpu.dma_semaphore, #tpu.memory_space<semaphore_mem>>) attributes {dimension_semantics = [#tpu.dimension_semantics<core_parallel>, #tpu.dimension_semantics<subcore_parallel>], iteration_bounds = array<i64: 2, 16>, scalar_prefetch = 0 : i64, scratch_operands = 9 : i64, tpu.core_type = #tpu.core_type<sc_vector_subcore>, window_params = [{transform_indices = #map}, {transform_indices = #map1}, {transform_indices = #map2}, {transform_indices = #map}, {transform_indices = #map2}]} {
    %mul3A = arith.constant 16 : i32
    %mul3A_0 = arith.muli %arg0, %mul3A : i32
    %add3A = arith.addi %mul3A_0, %arg1 : i32
    "tpu.region"() ({
      %run_scoped3A = tpu.sem_alloc : memref<!tpu.dma_semaphore, #tpu.memory_space<semaphore_mem>>
      tpu.enqueue_dma source(%arg5 : memref<80x128xf32, #tpu.memory_space<hbm>>) target(%arg10 : memref<80x128xf32, #tpu.memory_space<vmem>>) target_semaphore(%run_scoped3A : memref<!tpu.dma_semaphore, #tpu.memory_space<semaphore_mem>>)
      tpu.wait_dma2 semaphore(%run_scoped3A : memref<!tpu.dma_semaphore, #tpu.memory_space<semaphore_mem>>) src(%arg5 : memref<80x128xf32, #tpu.memory_space<hbm>>) dst(%arg10 : memref<80x128xf32, #tpu.memory_space<vmem>>)
      tpu.yield
    }) : () -> ()
    %sub3A = arith.constant 125 : i32
    %sub3A_1 = arith.subi %sub3A, %arg1 : i32
    %sub3A_2 = arith.constant 16 : i32
    %sub3A_3 = arith.constant 1 : i32
    %sub3A_4 = arith.subi %sub3A_2, %sub3A_3 : i32
    %add3A_5 = arith.addi %sub3A_1, %sub3A_4 : i32
    %div3A = arith.constant 16 : i32
    %div3A_6 = arith.divsi %add3A_5, %div3A : i32
    %while3A = arith.constant 16 : i32
    %while3A_7 = arith.constant 0 : i32
    %while3A_8 = arith.subi %div3A_6, %while3A_7 : i32
    %while3A_9 = arith.addi %while3A_7, %while3A_8 : i32
    %while3A_10 = arith.constant 1 : i32
    %while3A_11 = arith.divsi %while3A_8, %while3A_10 : i32
    %while3A_12 = arith.muli %while3A_11, %while3A_10 : i32
    %while3A_13 = arith.addi %while3A_7, %while3A_12 : i32
    %while3A_14 = arith.constant 1 : i32
    scf.for %while3A_93 = %while3A_7 to %while3A_13 step %while3A_14  : i32 {
      %mul3A_94 = arith.muli %while3A_93, %while3A : i32
      %add3A_95 = arith.addi %arg1, %mul3A_94 : i32
      %mul3A_96 = arith.constant 80 : i32
      %mul3A_97 = arith.muli %add3A_95, %mul3A_96 : i32
      "tpu.region"() ({
        %run_scoped3A = tpu.sem_alloc : memref<!tpu.dma_semaphore, #tpu.memory_space<semaphore_mem>>
        %dma_start3A_98 = arith.constant 0 : i32
        %dma_start3A_99 = tpu.memref_slice %arg7[%mul3A_97, %dma_start3A_98] : memref<10000x128xf32, #tpu.memory_space<vmem_shared>> -> memref<80x128xf32, #tpu.memory_space<vmem_shared>>
        %dma_start3A_100 = arith.constant 0 : i32
        %dma_start3A_101 = tpu.memref_slice %arg7[%mul3A_97, %dma_start3A_100] : memref<10000x128xf32, #tpu.memory_space<vmem_shared>> -> memref<80x128xf32, #tpu.memory_space<vmem_shared>>
        tpu.enqueue_dma source(%arg10 : memref<80x128xf32, #tpu.memory_space<vmem>>) target(%dma_start3A_101 : memref<80x128xf32, #tpu.memory_space<vmem_shared>>) target_semaphore(%run_scoped3A : memref<!tpu.dma_semaphore, #tpu.memory_space<semaphore_mem>>)
        %dma_wait3A_102 = arith.constant 0 : i32
        %dma_wait3A_103 = tpu.memref_slice %arg7[%mul3A_97, %dma_wait3A_102] : memref<10000x128xf32, #tpu.memory_space<vmem_shared>> -> memref<80x128xf32, #tpu.memory_space<vmem_shared>>
        %dma_wait3A_104 = arith.constant 0 : i32
        %dma_wait3A_105 = tpu.memref_slice %arg7[%mul3A_97, %dma_wait3A_104] : memref<10000x128xf32, #tpu.memory_space<vmem_shared>> -> memref<80x128xf32, #tpu.memory_space<vmem_shared>>
        tpu.wait_dma2 semaphore(%run_scoped3A : memref<!tpu.dma_semaphore, #tpu.memory_space<semaphore_mem>>) src(%arg10 : memref<80x128xf32, #tpu.memory_space<vmem>>) dst(%dma_wait3A_105 : memref<80x128xf32, #tpu.memory_space<vmem_shared>>)
        tpu.yield
      }) : () -> ()
    }
    %while3A_15 = arith.constant 1 : i32
    scf.for %while3A_93 = %while3A_13 to %while3A_9 step %while3A_15  : i32 {
      %mul3A_94 = arith.muli %while3A_93, %while3A : i32
      %add3A_95 = arith.addi %arg1, %mul3A_94 : i32
      %mul3A_96 = arith.constant 80 : i32
      %mul3A_97 = arith.muli %add3A_95, %mul3A_96 : i32
      "tpu.region"() ({
        %run_scoped3A = tpu.sem_alloc : memref<!tpu.dma_semaphore, #tpu.memory_space<semaphore_mem>>
        %dma_start3A_98 = arith.constant 0 : i32
        %dma_start3A_99 = tpu.memref_slice %arg7[%mul3A_97, %dma_start3A_98] : memref<10000x128xf32, #tpu.memory_space<vmem_shared>> -> memref<80x128xf32, #tpu.memory_space<vmem_shared>>
        %dma_start3A_100 = arith.constant 0 : i32
        %dma_start3A_101 = tpu.memref_slice %arg7[%mul3A_97, %dma_start3A_100] : memref<10000x128xf32, #tpu.memory_space<vmem_shared>> -> memref<80x128xf32, #tpu.memory_space<vmem_shared>>
        tpu.enqueue_dma source(%arg10 : memref<80x128xf32, #tpu.memory_space<vmem>>) target(%dma_start3A_101 : memref<80x128xf32, #tpu.memory_space<vmem_shared>>) target_semaphore(%run_scoped3A : memref<!tpu.dma_semaphore, #tpu.memory_space<semaphore_mem>>)
        %dma_wait3A_102 = arith.constant 0 : i32
        %dma_wait3A_103 = tpu.memref_slice %arg7[%mul3A_97, %dma_wait3A_102] : memref<10000x128xf32, #tpu.memory_space<vmem_shared>> -> memref<80x128xf32, #tpu.memory_space<vmem_shared>>
        %dma_wait3A_104 = arith.constant 0 : i32
        %dma_wait3A_105 = tpu.memref_slice %arg7[%mul3A_97, %dma_wait3A_104] : memref<10000x128xf32, #tpu.memory_space<vmem_shared>> -> memref<80x128xf32, #tpu.memory_space<vmem_shared>>
        tpu.wait_dma2 semaphore(%run_scoped3A : memref<!tpu.dma_semaphore, #tpu.memory_space<semaphore_mem>>) src(%arg10 : memref<80x128xf32, #tpu.memory_space<vmem>>) dst(%dma_wait3A_105 : memref<80x128xf32, #tpu.memory_space<vmem_shared>>)
        tpu.yield
      }) : () -> ()
    }
    %barrier3A = arith.constant 0 : index
    tpu.barrier barrier_id(%barrier3A)
    %mul3A_16 = arith.constant 10000 : i32
    %mul3A_17 = arith.muli %add3A, %mul3A_16 : i32
    "tpu.region"() ({
      %run_scoped3A = tpu.sem_alloc : memref<!tpu.dma_semaphore, #tpu.memory_space<semaphore_mem>>
      %dma_start3A_93 = tpu.memref_slice %arg3[%mul3A_17] : memref<320000xi32, #tpu.memory_space<hbm>> -> memref<10000xi32, #tpu.memory_space<hbm>>
      %dma_start3A_94 = tpu.memref_slice %arg3[%mul3A_17] : memref<320000xi32, #tpu.memory_space<hbm>> -> memref<10000xi32, #tpu.memory_space<hbm>>
      tpu.enqueue_dma source(%dma_start3A_94 : memref<10000xi32, #tpu.memory_space<hbm>>) target(%arg8 : memref<10000xi32, #tpu.memory_space<vmem>>) target_semaphore(%run_scoped3A : memref<!tpu.dma_semaphore, #tpu.memory_space<semaphore_mem>>)
      %dma_wait3A_95 = tpu.memref_slice %arg3[%mul3A_17] : memref<320000xi32, #tpu.memory_space<hbm>> -> memref<10000xi32, #tpu.memory_space<hbm>>
      %dma_wait3A_96 = tpu.memref_slice %arg3[%mul3A_17] : memref<320000xi32, #tpu.memory_space<hbm>> -> memref<10000xi32, #tpu.memory_space<hbm>>
      tpu.wait_dma2 semaphore(%run_scoped3A : memref<!tpu.dma_semaphore, #tpu.memory_space<semaphore_mem>>) src(%dma_wait3A_96 : memref<10000xi32, #tpu.memory_space<hbm>>) dst(%arg8 : memref<10000xi32, #tpu.memory_space<vmem>>)
      tpu.yield
    }) : () -> ()
    "tpu.region"() ({
      %run_scoped3A = tpu.sem_alloc : memref<!tpu.dma_semaphore, #tpu.memory_space<semaphore_mem>>
      %dma_start3A_93 = arith.constant 0 : i32
      %dma_start3A_94 = arith.constant 0 : i32
      %dma_start3A_95 = tpu.memref_slice %arg4[%add3A, %dma_start3A_93, %dma_start3A_94] : memref<32x125x80xi32, #tpu.memory_space<hbm>> -> memref<1x125x80xi32, #tpu.memory_space<hbm>>
      %dma_start3A_96 = arith.constant 0 : i32
      %dma_start3A_97 = arith.constant 0 : i32
      %dma_start3A_98 = tpu.memref_slice %arg4[%add3A, %dma_start3A_96, %dma_start3A_97] : memref<32x125x80xi32, #tpu.memory_space<hbm>> -> memref<1x125x80xi32, #tpu.memory_space<hbm>>
      tpu.enqueue_dma source(%dma_start3A_98 : memref<1x125x80xi32, #tpu.memory_space<hbm>>) target(%arg9 : memref<1x125x80xi32, #tpu.memory_space<vmem>>) target_semaphore(%run_scoped3A : memref<!tpu.dma_semaphore, #tpu.memory_space<semaphore_mem>>)
      %dma_wait3A_99 = arith.constant 0 : i32
      %dma_wait3A_100 = arith.constant 0 : i32
      %dma_wait3A_101 = tpu.memref_slice %arg4[%add3A, %dma_wait3A_99, %dma_wait3A_100] : memref<32x125x80xi32, #tpu.memory_space<hbm>> -> memref<1x125x80xi32, #tpu.memory_space<hbm>>
      %dma_wait3A_102 = arith.constant 0 : i32
      %dma_wait3A_103 = arith.constant 0 : i32
      %dma_wait3A_104 = tpu.memref_slice %arg4[%add3A, %dma_wait3A_102, %dma_wait3A_103] : memref<32x125x80xi32, #tpu.memory_space<hbm>> -> memref<1x125x80xi32, #tpu.memory_space<hbm>>
      tpu.wait_dma2 semaphore(%run_scoped3A : memref<!tpu.dma_semaphore, #tpu.memory_space<semaphore_mem>>) src(%dma_wait3A_104 : memref<1x125x80xi32, #tpu.memory_space<hbm>>) dst(%arg9 : memref<1x125x80xi32, #tpu.memory_space<vmem>>)
      tpu.yield
    }) : () -> ()
    %dma_start3A = arith.constant 0 : i32
    %dma_start3A_18 = tpu.memref_slice %arg8[%dma_start3A] : memref<10000xi32, #tpu.memory_space<vmem>> -> memref<80xi32, #tpu.memory_space<vmem>>
    %dma_start3A_19 = arith.constant 0 : i32
    %dma_start3A_20 = arith.constant 0 : i32
    %dma_start3A_21 = tpu.memref_slice %arg2[%dma_start3A_19, %dma_start3A_20] : memref<10000x128xf32, #tpu.memory_space<hbm>> -> memref<10000x128xf32, #tpu.memory_space<hbm>>
    tpu.enqueue_indirect_dma source(%dma_start3A_21 : memref<10000x128xf32, #tpu.memory_space<hbm>>) target(%arg10 : memref<80x128xf32, #tpu.memory_space<vmem>>) offsets(%dma_start3A_18 : memref<80xi32, #tpu.memory_space<vmem>>) semaphore(%arg12 : memref<!tpu.dma_semaphore, #tpu.memory_space<semaphore_mem>>)
    %dma_wait3A = arith.constant 0 : i32
    %dma_wait3A_22 = tpu.memref_slice %arg8[%dma_wait3A] : memref<10000xi32, #tpu.memory_space<vmem>> -> memref<80xi32, #tpu.memory_space<vmem>>
    %dma_wait3A_23 = arith.constant 0 : i32
    %dma_wait3A_24 = arith.constant 0 : i32
    %dma_wait3A_25 = tpu.memref_slice %arg2[%dma_wait3A_23, %dma_wait3A_24] : memref<10000x128xf32, #tpu.memory_space<hbm>> -> memref<10000x128xf32, #tpu.memory_space<hbm>>
    tpu.wait_indirect_dma semaphore(%arg12 : memref<!tpu.dma_semaphore, #tpu.memory_space<semaphore_mem>>) src(%dma_wait3A_25 : memref<10000x128xf32, #tpu.memory_space<hbm>>) dst(%arg10 : memref<80x128xf32, #tpu.memory_space<vmem>>)
    %dma_start3A_26 = arith.constant 0 : i32
    %dma_start3A_27 = arith.constant 0 : i32
    %dma_start3A_28 = arith.constant 0 : i32
    %dma_start3A_29 = tpu.memref_slice %arg9[%dma_start3A_26, %dma_start3A_27, %dma_start3A_28] : memref<1x125x80xi32, #tpu.memory_space<vmem>> -> memref<1x1x80xi32, #tpu.memory_space<vmem>>
    %dma_start3A_30 = tpu.memref_squeeze %dma_start3A_29 : memref<1x1x80xi32, #tpu.memory_space<vmem>> -> memref<80xi32, #tpu.memory_space<vmem>>
    %dma_start3A_31 = arith.constant 0 : i32
    %dma_start3A_32 = arith.constant 0 : i32
    %dma_start3A_33 = tpu.memref_slice %arg7[%dma_start3A_31, %dma_start3A_32] : memref<10000x128xf32, #tpu.memory_space<vmem_shared>> -> memref<10000x128xf32, #tpu.memory_space<vmem_shared>>
    tpu.enqueue_indirect_dma source(%arg10 : memref<80x128xf32, #tpu.memory_space<vmem>>) target(%dma_start3A_33 : memref<10000x128xf32, #tpu.memory_space<vmem_shared>>) offsets(%dma_start3A_30 : memref<80xi32, #tpu.memory_space<vmem>>) semaphore(%arg14 : memref<!tpu.dma_semaphore, #tpu.memory_space<semaphore_mem>>) {add = true}
    %dma_start3A_34 = arith.constant 80 : i32
    %dma_start3A_35 = tpu.memref_slice %arg8[%dma_start3A_34] : memref<10000xi32, #tpu.memory_space<vmem>> -> memref<80xi32, #tpu.memory_space<vmem>>
    %dma_start3A_36 = arith.constant 0 : i32
    %dma_start3A_37 = arith.constant 0 : i32
    %dma_start3A_38 = tpu.memref_slice %arg2[%dma_start3A_36, %dma_start3A_37] : memref<10000x128xf32, #tpu.memory_space<hbm>> -> memref<10000x128xf32, #tpu.memory_space<hbm>>
    tpu.enqueue_indirect_dma source(%dma_start3A_38 : memref<10000x128xf32, #tpu.memory_space<hbm>>) target(%arg11 : memref<80x128xf32, #tpu.memory_space<vmem>>) offsets(%dma_start3A_35 : memref<80xi32, #tpu.memory_space<vmem>>) semaphore(%arg13 : memref<!tpu.dma_semaphore, #tpu.memory_space<semaphore_mem>>)
    %scan3A = arith.constant 0 : i32
    %scan3A_39 = arith.constant 61 : i32
    %scan3A_40 = arith.addi %scan3A, %scan3A_39 : i32
    %scan3A_41 = arith.constant 1 : i32
    scf.for %scan3A_93 = %scan3A to %scan3A_40 step %scan3A_41  : i32 {
      %mul3A_94 = arith.constant 1 : i32
      %mul3A_95 = arith.muli %scan3A_93, %mul3A_94 : i32
      %add3A_96 = arith.constant 0 : i32
      %add3A_97 = arith.addi %add3A_96, %mul3A_95 : i32
      %mul3A_98 = arith.constant 2 : i32
      %mul3A_99 = arith.muli %mul3A_98, %add3A_97 : i32
      %add3A_100 = arith.constant 1 : i32
      %add3A_101 = arith.addi %mul3A_99, %add3A_100 : i32
      %dma_wait3A_102 = arith.constant 0 : i32
      %dma_wait3A_103 = tpu.memref_slice %arg8[%dma_wait3A_102] : memref<10000xi32, #tpu.memory_space<vmem>> -> memref<80xi32, #tpu.memory_space<vmem>>
      %dma_wait3A_104 = arith.constant 0 : i32
      %dma_wait3A_105 = arith.constant 0 : i32
      %dma_wait3A_106 = tpu.memref_slice %arg2[%dma_wait3A_104, %dma_wait3A_105] : memref<10000x128xf32, #tpu.memory_space<hbm>> -> memref<10000x128xf32, #tpu.memory_space<hbm>>
      tpu.wait_indirect_dma semaphore(%arg13 : memref<!tpu.dma_semaphore, #tpu.memory_space<semaphore_mem>>) src(%dma_wait3A_106 : memref<10000x128xf32, #tpu.memory_space<hbm>>) dst(%arg11 : memref<80x128xf32, #tpu.memory_space<vmem>>)
      %dma_start3A_107 = arith.constant 0 : i32
      %dma_start3A_108 = arith.constant 0 : i32
      %dma_start3A_109 = tpu.memref_slice %arg9[%dma_start3A_107, %add3A_101, %dma_start3A_108] : memref<1x125x80xi32, #tpu.memory_space<vmem>> -> memref<1x1x80xi32, #tpu.memory_space<vmem>>
      %dma_start3A_110 = tpu.memref_squeeze %dma_start3A_109 : memref<1x1x80xi32, #tpu.memory_space<vmem>> -> memref<80xi32, #tpu.memory_space<vmem>>
      %dma_start3A_111 = arith.constant 0 : i32
      %dma_start3A_112 = arith.constant 0 : i32
      %dma_start3A_113 = tpu.memref_slice %arg7[%dma_start3A_111, %dma_start3A_112] : memref<10000x128xf32, #tpu.memory_space<vmem_shared>> -> memref<10000x128xf32, #tpu.memory_space<vmem_shared>>
      tpu.enqueue_indirect_dma source(%arg11 : memref<80x128xf32, #tpu.memory_space<vmem>>) target(%dma_start3A_113 : memref<10000x128xf32, #tpu.memory_space<vmem_shared>>) offsets(%dma_start3A_110 : memref<80xi32, #tpu.memory_space<vmem>>) semaphore(%arg15 : memref<!tpu.dma_semaphore, #tpu.memory_space<semaphore_mem>>) {add = true}
      tpu.wait_dma2 semaphore(%arg14 : memref<!tpu.dma_semaphore, #tpu.memory_space<semaphore_mem>>) src(%arg5 : memref<80x128xf32, #tpu.memory_space<hbm>>) dst(%arg10 : memref<80x128xf32, #tpu.memory_space<vmem>>)
      %add3A_114 = arith.constant 1 : i32
      %add3A_115 = arith.addi %add3A_101, %add3A_114 : i32
      %mul3A_116 = arith.constant 80 : i32
      %mul3A_117 = arith.muli %add3A_115, %mul3A_116 : i32
      %dma_start3A_118 = tpu.memref_slice %arg8[%mul3A_117] : memref<10000xi32, #tpu.memory_space<vmem>> -> memref<80xi32, #tpu.memory_space<vmem>>
      %dma_start3A_119 = arith.constant 0 : i32
      %dma_start3A_120 = arith.constant 0 : i32
      %dma_start3A_121 = tpu.memref_slice %arg2[%dma_start3A_119, %dma_start3A_120] : memref<10000x128xf32, #tpu.memory_space<hbm>> -> memref<10000x128xf32, #tpu.memory_space<hbm>>
      tpu.enqueue_indirect_dma source(%dma_start3A_121 : memref<10000x128xf32, #tpu.memory_space<hbm>>) target(%arg10 : memref<80x128xf32, #tpu.memory_space<vmem>>) offsets(%dma_start3A_118 : memref<80xi32, #tpu.memory_space<vmem>>) semaphore(%arg12 : memref<!tpu.dma_semaphore, #tpu.memory_space<semaphore_mem>>)
      %dma_wait3A_122 = arith.constant 0 : i32
      %dma_wait3A_123 = tpu.memref_slice %arg8[%dma_wait3A_122] : memref<10000xi32, #tpu.memory_space<vmem>> -> memref<80xi32, #tpu.memory_space<vmem>>
      %dma_wait3A_124 = arith.constant 0 : i32
      %dma_wait3A_125 = arith.constant 0 : i32
      %dma_wait3A_126 = tpu.memref_slice %arg2[%dma_wait3A_124, %dma_wait3A_125] : memref<10000x128xf32, #tpu.memory_space<hbm>> -> memref<10000x128xf32, #tpu.memory_space<hbm>>
      tpu.wait_indirect_dma semaphore(%arg12 : memref<!tpu.dma_semaphore, #tpu.memory_space<semaphore_mem>>) src(%dma_wait3A_126 : memref<10000x128xf32, #tpu.memory_space<hbm>>) dst(%arg10 : memref<80x128xf32, #tpu.memory_space<vmem>>)
      %add3A_127 = arith.constant 1 : i32
      %add3A_128 = arith.addi %add3A_101, %add3A_127 : i32
      %dma_start3A_129 = arith.constant 0 : i32
      %dma_start3A_130 = arith.constant 0 : i32
      %dma_start3A_131 = tpu.memref_slice %arg9[%dma_start3A_129, %add3A_128, %dma_start3A_130] : memref<1x125x80xi32, #tpu.memory_space<vmem>> -> memref<1x1x80xi32, #tpu.memory_space<vmem>>
      %dma_start3A_132 = tpu.memref_squeeze %dma_start3A_131 : memref<1x1x80xi32, #tpu.memory_space<vmem>> -> memref<80xi32, #tpu.memory_space<vmem>>
      %dma_start3A_133 = arith.constant 0 : i32
      %dma_start3A_134 = arith.constant 0 : i32
      %dma_start3A_135 = tpu.memref_slice %arg7[%dma_start3A_133, %dma_start3A_134] : memref<10000x128xf32, #tpu.memory_space<vmem_shared>> -> memref<10000x128xf32, #tpu.memory_space<vmem_shared>>
      tpu.enqueue_indirect_dma source(%arg10 : memref<80x128xf32, #tpu.memory_space<vmem>>) target(%dma_start3A_135 : memref<10000x128xf32, #tpu.memory_space<vmem_shared>>) offsets(%dma_start3A_132 : memref<80xi32, #tpu.memory_space<vmem>>) semaphore(%arg14 : memref<!tpu.dma_semaphore, #tpu.memory_space<semaphore_mem>>) {add = true}
      tpu.wait_dma2 semaphore(%arg15 : memref<!tpu.dma_semaphore, #tpu.memory_space<semaphore_mem>>) src(%arg5 : memref<80x128xf32, #tpu.memory_space<hbm>>) dst(%arg11 : memref<80x128xf32, #tpu.memory_space<vmem>>)
      %add3A_136 = arith.constant 2 : i32
      %add3A_137 = arith.addi %add3A_101, %add3A_136 : i32
      %mul3A_138 = arith.constant 80 : i32
      %mul3A_139 = arith.muli %add3A_137, %mul3A_138 : i32
      %dma_start3A_140 = tpu.memref_slice %arg8[%mul3A_139] : memref<10000xi32, #tpu.memory_space<vmem>> -> memref<80xi32, #tpu.memory_space<vmem>>
      %dma_start3A_141 = arith.constant 0 : i32
      %dma_start3A_142 = arith.constant 0 : i32
      %dma_start3A_143 = tpu.memref_slice %arg2[%dma_start3A_141, %dma_start3A_142] : memref<10000x128xf32, #tpu.memory_space<hbm>> -> memref<10000x128xf32, #tpu.memory_space<hbm>>
      tpu.enqueue_indirect_dma source(%dma_start3A_143 : memref<10000x128xf32, #tpu.memory_space<hbm>>) target(%arg11 : memref<80x128xf32, #tpu.memory_space<vmem>>) offsets(%dma_start3A_140 : memref<80xi32, #tpu.memory_space<vmem>>) semaphore(%arg13 : memref<!tpu.dma_semaphore, #tpu.memory_space<semaphore_mem>>)
    }
    %scan3A_42 = arith.constant 61 : i32
    %dma_wait3A_43 = arith.constant 0 : i32
    %dma_wait3A_44 = tpu.memref_slice %arg8[%dma_wait3A_43] : memref<10000xi32, #tpu.memory_space<vmem>> -> memref<80xi32, #tpu.memory_space<vmem>>
    %dma_wait3A_45 = arith.constant 0 : i32
    %dma_wait3A_46 = arith.constant 0 : i32
    %dma_wait3A_47 = tpu.memref_slice %arg2[%dma_wait3A_45, %dma_wait3A_46] : memref<10000x128xf32, #tpu.memory_space<hbm>> -> memref<10000x128xf32, #tpu.memory_space<hbm>>
    tpu.wait_indirect_dma semaphore(%arg13 : memref<!tpu.dma_semaphore, #tpu.memory_space<semaphore_mem>>) src(%dma_wait3A_47 : memref<10000x128xf32, #tpu.memory_space<hbm>>) dst(%arg11 : memref<80x128xf32, #tpu.memory_space<vmem>>)
    %dma_start3A_48 = arith.constant 0 : i32
    %dma_start3A_49 = arith.constant 123 : i32
    %dma_start3A_50 = arith.constant 0 : i32
    %dma_start3A_51 = tpu.memref_slice %arg9[%dma_start3A_48, %dma_start3A_49, %dma_start3A_50] : memref<1x125x80xi32, #tpu.memory_space<vmem>> -> memref<1x1x80xi32, #tpu.memory_space<vmem>>
    %dma_start3A_52 = tpu.memref_squeeze %dma_start3A_51 : memref<1x1x80xi32, #tpu.memory_space<vmem>> -> memref<80xi32, #tpu.memory_space<vmem>>
    %dma_start3A_53 = arith.constant 0 : i32
    %dma_start3A_54 = arith.constant 0 : i32
    %dma_start3A_55 = tpu.memref_slice %arg7[%dma_start3A_53, %dma_start3A_54] : memref<10000x128xf32, #tpu.memory_space<vmem_shared>> -> memref<10000x128xf32, #tpu.memory_space<vmem_shared>>
    tpu.enqueue_indirect_dma source(%arg11 : memref<80x128xf32, #tpu.memory_space<vmem>>) target(%dma_start3A_55 : memref<10000x128xf32, #tpu.memory_space<vmem_shared>>) offsets(%dma_start3A_52 : memref<80xi32, #tpu.memory_space<vmem>>) semaphore(%arg15 : memref<!tpu.dma_semaphore, #tpu.memory_space<semaphore_mem>>) {add = true}
    tpu.wait_dma2 semaphore(%arg14 : memref<!tpu.dma_semaphore, #tpu.memory_space<semaphore_mem>>) src(%arg5 : memref<80x128xf32, #tpu.memory_space<hbm>>) dst(%arg10 : memref<80x128xf32, #tpu.memory_space<vmem>>)
    %dma_start3A_56 = arith.constant 9920 : i32
    %dma_start3A_57 = tpu.memref_slice %arg8[%dma_start3A_56] : memref<10000xi32, #tpu.memory_space<vmem>> -> memref<80xi32, #tpu.memory_space<vmem>>
    %dma_start3A_58 = arith.constant 0 : i32
    %dma_start3A_59 = arith.constant 0 : i32
    %dma_start3A_60 = tpu.memref_slice %arg2[%dma_start3A_58, %dma_start3A_59] : memref<10000x128xf32, #tpu.memory_space<hbm>> -> memref<10000x128xf32, #tpu.memory_space<hbm>>
    tpu.enqueue_indirect_dma source(%dma_start3A_60 : memref<10000x128xf32, #tpu.memory_space<hbm>>) target(%arg10 : memref<80x128xf32, #tpu.memory_space<vmem>>) offsets(%dma_start3A_57 : memref<80xi32, #tpu.memory_space<vmem>>) semaphore(%arg12 : memref<!tpu.dma_semaphore, #tpu.memory_space<semaphore_mem>>)
    %dma_wait3A_61 = arith.constant 0 : i32
    %dma_wait3A_62 = tpu.memref_slice %arg8[%dma_wait3A_61] : memref<10000xi32, #tpu.memory_space<vmem>> -> memref<80xi32, #tpu.memory_space<vmem>>
    %dma_wait3A_63 = arith.constant 0 : i32
    %dma_wait3A_64 = arith.constant 0 : i32
    %dma_wait3A_65 = tpu.memref_slice %arg2[%dma_wait3A_63, %dma_wait3A_64] : memref<10000x128xf32, #tpu.memory_space<hbm>> -> memref<10000x128xf32, #tpu.memory_space<hbm>>
    tpu.wait_indirect_dma semaphore(%arg12 : memref<!tpu.dma_semaphore, #tpu.memory_space<semaphore_mem>>) src(%dma_wait3A_65 : memref<10000x128xf32, #tpu.memory_space<hbm>>) dst(%arg10 : memref<80x128xf32, #tpu.memory_space<vmem>>)
    %dma_start3A_66 = arith.constant 0 : i32
    %dma_start3A_67 = arith.constant 124 : i32
    %dma_start3A_68 = arith.constant 0 : i32
    %dma_start3A_69 = tpu.memref_slice %arg9[%dma_start3A_66, %dma_start3A_67, %dma_start3A_68] : memref<1x125x80xi32, #tpu.memory_space<vmem>> -> memref<1x1x80xi32, #tpu.memory_space<vmem>>
    %dma_start3A_70 = tpu.memref_squeeze %dma_start3A_69 : memref<1x1x80xi32, #tpu.memory_space<vmem>> -> memref<80xi32, #tpu.memory_space<vmem>>
    %dma_start3A_71 = arith.constant 0 : i32
    %dma_start3A_72 = arith.constant 0 : i32
    %dma_start3A_73 = tpu.memref_slice %arg7[%dma_start3A_71, %dma_start3A_72] : memref<10000x128xf32, #tpu.memory_space<vmem_shared>> -> memref<10000x128xf32, #tpu.memory_space<vmem_shared>>
    tpu.enqueue_indirect_dma source(%arg10 : memref<80x128xf32, #tpu.memory_space<vmem>>) target(%dma_start3A_73 : memref<10000x128xf32, #tpu.memory_space<vmem_shared>>) offsets(%dma_start3A_70 : memref<80xi32, #tpu.memory_space<vmem>>) semaphore(%arg14 : memref<!tpu.dma_semaphore, #tpu.memory_space<semaphore_mem>>) {add = true}
    tpu.wait_dma2 semaphore(%arg15 : memref<!tpu.dma_semaphore, #tpu.memory_space<semaphore_mem>>) src(%arg5 : memref<80x128xf32, #tpu.memory_space<hbm>>) dst(%arg11 : memref<80x128xf32, #tpu.memory_space<vmem>>)
    tpu.wait_dma2 semaphore(%arg14 : memref<!tpu.dma_semaphore, #tpu.memory_space<semaphore_mem>>) src(%arg5 : memref<80x128xf32, #tpu.memory_space<hbm>>) dst(%arg10 : memref<80x128xf32, #tpu.memory_space<vmem>>)
    %barrier3A_74 = arith.constant 0 : index
    tpu.barrier barrier_id(%barrier3A_74)
    %sub3A_75 = arith.constant 125 : i32
    %sub3A_76 = arith.subi %sub3A_75, %arg1 : i32
    %sub3A_77 = arith.constant 16 : i32
    %sub3A_78 = arith.constant 1 : i32
    %sub3A_79 = arith.subi %sub3A_77, %sub3A_78 : i32
    %add3A_80 = arith.addi %sub3A_76, %sub3A_79 : i32
    %div3A_81 = arith.constant 16 : i32
    %div3A_82 = arith.divsi %add3A_80, %div3A_81 : i32
    %while3A_83 = arith.constant 16 : i32
    %while3A_84 = arith.constant 0 : i32
    %while3A_85 = arith.subi %div3A_82, %while3A_84 : i32
    %while3A_86 = arith.addi %while3A_84, %while3A_85 : i32
    %while3A_87 = arith.constant 1 : i32
    %while3A_88 = arith.divsi %while3A_85, %while3A_87 : i32
    %while3A_89 = arith.muli %while3A_88, %while3A_87 : i32
    %while3A_90 = arith.addi %while3A_84, %while3A_89 : i32
    %while3A_91 = arith.constant 1 : i32
    scf.for %while3A_93 = %while3A_84 to %while3A_90 step %while3A_91  : i32 {
      %mul3A_94 = arith.muli %while3A_93, %while3A_83 : i32
      %add3A_95 = arith.addi %arg1, %mul3A_94 : i32
      %mul3A_96 = arith.constant 80 : i32
      %mul3A_97 = arith.muli %add3A_95, %mul3A_96 : i32
      "tpu.region"() ({
        %run_scoped3A = tpu.sem_alloc : memref<!tpu.dma_semaphore, #tpu.memory_space<semaphore_mem>>
        %dma_start3A_98 = arith.constant 0 : i32
        %dma_start3A_99 = tpu.memref_slice %arg7[%mul3A_97, %dma_start3A_98] : memref<10000x128xf32, #tpu.memory_space<vmem_shared>> -> memref<80x128xf32, #tpu.memory_space<vmem_shared>>
        %dma_start3A_100 = arith.constant 0 : i32
        %dma_start3A_101 = tpu.memref_slice %arg7[%mul3A_97, %dma_start3A_100] : memref<10000x128xf32, #tpu.memory_space<vmem_shared>> -> memref<80x128xf32, #tpu.memory_space<vmem_shared>>
        tpu.enqueue_dma source(%dma_start3A_101 : memref<80x128xf32, #tpu.memory_space<vmem_shared>>) target(%arg10 : memref<80x128xf32, #tpu.memory_space<vmem>>) target_semaphore(%run_scoped3A : memref<!tpu.dma_semaphore, #tpu.memory_space<semaphore_mem>>)
        %dma_wait3A_102 = arith.constant 0 : i32
        %dma_wait3A_103 = tpu.memref_slice %arg7[%mul3A_97, %dma_wait3A_102] : memref<10000x128xf32, #tpu.memory_space<vmem_shared>> -> memref<80x128xf32, #tpu.memory_space<vmem_shared>>
        %dma_wait3A_104 = arith.constant 0 : i32
        %dma_wait3A_105 = tpu.memref_slice %arg7[%mul3A_97, %dma_wait3A_104] : memref<10000x128xf32, #tpu.memory_space<vmem_shared>> -> memref<80x128xf32, #tpu.memory_space<vmem_shared>>
        tpu.wait_dma2 semaphore(%run_scoped3A : memref<!tpu.dma_semaphore, #tpu.memory_space<semaphore_mem>>) src(%dma_wait3A_105 : memref<80x128xf32, #tpu.memory_space<vmem_shared>>) dst(%arg10 : memref<80x128xf32, #tpu.memory_space<vmem>>)
        tpu.yield
      }) : () -> ()
      "tpu.region"() ({
        %run_scoped3A = tpu.sem_alloc : memref<!tpu.dma_semaphore, #tpu.memory_space<semaphore_mem>>
        %dma_start3A_98 = arith.constant 0 : i32
        %dma_start3A_99 = tpu.memref_slice %arg6[%arg0, %mul3A_97, %dma_start3A_98] : memref<2x10000x128xf32, #tpu.memory_space<hbm>> -> memref<1x80x128xf32, #tpu.memory_space<hbm>>
        %dma_start3A_100 = tpu.memref_squeeze %dma_start3A_99 : memref<1x80x128xf32, #tpu.memory_space<hbm>> -> memref<80x128xf32, #tpu.memory_space<hbm>>
        %dma_start3A_101 = arith.constant 0 : i32
        %dma_start3A_102 = tpu.memref_slice %arg6[%arg0, %mul3A_97, %dma_start3A_101] : memref<2x10000x128xf32, #tpu.memory_space<hbm>> -> memref<1x80x128xf32, #tpu.memory_space<hbm>>
        %dma_start3A_103 = tpu.memref_squeeze %dma_start3A_102 : memref<1x80x128xf32, #tpu.memory_space<hbm>> -> memref<80x128xf32, #tpu.memory_space<hbm>>
        tpu.enqueue_dma source(%arg10 : memref<80x128xf32, #tpu.memory_space<vmem>>) target(%dma_start3A_103 : memref<80x128xf32, #tpu.memory_space<hbm>>) target_semaphore(%run_scoped3A : memref<!tpu.dma_semaphore, #tpu.memory_space<semaphore_mem>>)
        %dma_wait3A_104 = arith.constant 0 : i32
        %dma_wait3A_105 = tpu.memref_slice %arg6[%arg0, %mul3A_97, %dma_wait3A_104] : memref<2x10000x128xf32, #tpu.memory_space<hbm>> -> memref<1x80x128xf32, #tpu.memory_space<hbm>>
        %dma_wait3A_106 = tpu.memref_squeeze %dma_wait3A_105 : memref<1x80x128xf32, #tpu.memory_space<hbm>> -> memref<80x128xf32, #tpu.memory_space<hbm>>
        %dma_wait3A_107 = arith.constant 0 : i32
        %dma_wait3A_108 = tpu.memref_slice %arg6[%arg0, %mul3A_97, %dma_wait3A_107] : memref<2x10000x128xf32, #tpu.memory_space<hbm>> -> memref<1x80x128xf32, #tpu.memory_space<hbm>>
        %dma_wait3A_109 = tpu.memref_squeeze %dma_wait3A_108 : memref<1x80x128xf32, #tpu.memory_space<hbm>> -> memref<80x128xf32, #tpu.memory_space<hbm>>
        tpu.wait_dma2 semaphore(%run_scoped3A : memref<!tpu.dma_semaphore, #tpu.memory_space<semaphore_mem>>) src(%arg10 : memref<80x128xf32, #tpu.memory_space<vmem>>) dst(%dma_wait3A_109 : memref<80x128xf32, #tpu.memory_space<hbm>>)
        tpu.yield
      }) : () -> ()
    }
    %while3A_92 = arith.constant 1 : i32
    scf.for %while3A_93 = %while3A_90 to %while3A_86 step %while3A_92  : i32 {
      %mul3A_94 = arith.muli %while3A_93, %while3A_83 : i32
      %add3A_95 = arith.addi %arg1, %mul3A_94 : i32
      %mul3A_96 = arith.constant 80 : i32
      %mul3A_97 = arith.muli %add3A_95, %mul3A_96 : i32
      "tpu.region"() ({
        %run_scoped3A = tpu.sem_alloc : memref<!tpu.dma_semaphore, #tpu.memory_space<semaphore_mem>>
        %dma_start3A_98 = arith.constant 0 : i32
        %dma_start3A_99 = tpu.memref_slice %arg7[%mul3A_97, %dma_start3A_98] : memref<10000x128xf32, #tpu.memory_space<vmem_shared>> -> memref<80x128xf32, #tpu.memory_space<vmem_shared>>
        %dma_start3A_100 = arith.constant 0 : i32
        %dma_start3A_101 = tpu.memref_slice %arg7[%mul3A_97, %dma_start3A_100] : memref<10000x128xf32, #tpu.memory_space<vmem_shared>> -> memref<80x128xf32, #tpu.memory_space<vmem_shared>>
        tpu.enqueue_dma source(%dma_start3A_101 : memref<80x128xf32, #tpu.memory_space<vmem_shared>>) target(%arg10 : memref<80x128xf32, #tpu.memory_space<vmem>>) target_semaphore(%run_scoped3A : memref<!tpu.dma_semaphore, #tpu.memory_space<semaphore_mem>>)
        %dma_wait3A_102 = arith.constant 0 : i32
        %dma_wait3A_103 = tpu.memref_slice %arg7[%mul3A_97, %dma_wait3A_102] : memref<10000x128xf32, #tpu.memory_space<vmem_shared>> -> memref<80x128xf32, #tpu.memory_space<vmem_shared>>
        %dma_wait3A_104 = arith.constant 0 : i32
        %dma_wait3A_105 = tpu.memref_slice %arg7[%mul3A_97, %dma_wait3A_104] : memref<10000x128xf32, #tpu.memory_space<vmem_shared>> -> memref<80x128xf32, #tpu.memory_space<vmem_shared>>
        tpu.wait_dma2 semaphore(%run_scoped3A : memref<!tpu.dma_semaphore, #tpu.memory_space<semaphore_mem>>) src(%dma_wait3A_105 : memref<80x128xf32, #tpu.memory_space<vmem_shared>>) dst(%arg10 : memref<80x128xf32, #tpu.memory_space<vmem>>)
        tpu.yield
      }) : () -> ()
      "tpu.region"() ({
        %run_scoped3A = tpu.sem_alloc : memref<!tpu.dma_semaphore, #tpu.memory_space<semaphore_mem>>
        %dma_start3A_98 = arith.constant 0 : i32
        %dma_start3A_99 = tpu.memref_slice %arg6[%arg0, %mul3A_97, %dma_start3A_98] : memref<2x10000x128xf32, #tpu.memory_space<hbm>> -> memref<1x80x128xf32, #tpu.memory_space<hbm>>
        %dma_start3A_100 = tpu.memref_squeeze %dma_start3A_99 : memref<1x80x128xf32, #tpu.memory_space<hbm>> -> memref<80x128xf32, #tpu.memory_space<hbm>>
        %dma_start3A_101 = arith.constant 0 : i32
        %dma_start3A_102 = tpu.memref_slice %arg6[%arg0, %mul3A_97, %dma_start3A_101] : memref<2x10000x128xf32, #tpu.memory_space<hbm>> -> memref<1x80x128xf32, #tpu.memory_space<hbm>>
        %dma_start3A_103 = tpu.memref_squeeze %dma_start3A_102 : memref<1x80x128xf32, #tpu.memory_space<hbm>> -> memref<80x128xf32, #tpu.memory_space<hbm>>
        tpu.enqueue_dma source(%arg10 : memref<80x128xf32, #tpu.memory_space<vmem>>) target(%dma_start3A_103 : memref<80x128xf32, #tpu.memory_space<hbm>>) target_semaphore(%run_scoped3A : memref<!tpu.dma_semaphore, #tpu.memory_space<semaphore_mem>>)
        %dma_wait3A_104 = arith.constant 0 : i32
        %dma_wait3A_105 = tpu.memref_slice %arg6[%arg0, %mul3A_97, %dma_wait3A_104] : memref<2x10000x128xf32, #tpu.memory_space<hbm>> -> memref<1x80x128xf32, #tpu.memory_space<hbm>>
        %dma_wait3A_106 = tpu.memref_squeeze %dma_wait3A_105 : memref<1x80x128xf32, #tpu.memory_space<hbm>> -> memref<80x128xf32, #tpu.memory_space<hbm>>
        %dma_wait3A_107 = arith.constant 0 : i32
        %dma_wait3A_108 = tpu.memref_slice %arg6[%arg0, %mul3A_97, %dma_wait3A_107] : memref<2x10000x128xf32, #tpu.memory_space<hbm>> -> memref<1x80x128xf32, #tpu.memory_space<hbm>>
        %dma_wait3A_109 = tpu.memref_squeeze %dma_wait3A_108 : memref<1x80x128xf32, #tpu.memory_space<hbm>> -> memref<80x128xf32, #tpu.memory_space<hbm>>
        tpu.wait_dma2 semaphore(%run_scoped3A : memref<!tpu.dma_semaphore, #tpu.memory_space<semaphore_mem>>) src(%arg10 : memref<80x128xf32, #tpu.memory_space<vmem>>) dst(%dma_wait3A_109 : memref<80x128xf32, #tpu.memory_space<hbm>>)
        tpu.yield
      }) : () -> ()
    }
    return
  }
}

module attributes {stable_mosaic.version = 14 : i64} {
  func.func @_tc_layer(%arg0: memref<10000x128xf32, #tpu.memory_space<vmem>>, %arg1: memref<2x10000x128xf32, #tpu.memory_space<vmem>>, %arg2: memref<32x10000xf32, #tpu.memory_space<vmem>>, %arg3: memref<128x128xf32, #tpu.memory_space<vmem>>, %arg4: memref<1x128xf32, #tpu.memory_space<vmem>>, %arg5: memref<10000x128xf32, #tpu.memory_space<vmem>>, %arg6: memref<10000x128xf32, #tpu.memory_space<vmem>>) attributes {dimension_semantics = [], scalar_prefetch = 0 : i64, scratch_operands = 0 : i64, tpu.core_type = #tpu.core_type<tc>} {
    %get3A = arith.constant 0 : index
    %get3A_0 = arith.constant 0 : index
    %get3A_1 = vector.load %arg2[%get3A, %get3A_0] : memref<32x10000xf32, #tpu.memory_space<vmem>>, vector<32x10000xf32>
    %reduce_sum3A = arith.constant dense<0.000000e+00> : vector<10000xf32>
    %reduce_sum3A_2 = vector.multi_reduction <add>, %get3A_1, %reduce_sum3A [0] : vector<32x10000xf32> to vector<10000xf32>
    %max3A = arith.constant 1.000000e+00 : f32
    %max3A_3 = vector.broadcast %max3A : f32 to vector<10000xf32>
    %max3A_4 = arith.maximumf %reduce_sum3A_2, %max3A_3 : vector<10000xf32>
    %div3A = arith.constant 1.000000e+00 : f32
    %div3A_5 = vector.broadcast %div3A : f32 to vector<10000xf32>
    %div3A_6 = arith.divf %div3A_5, %max3A_4 : vector<10000xf32>
    %broadcast_in_dim3A = vector.shape_cast %div3A_6 : vector<10000xf32> to vector<10000x1xf32>
    %get3A_7 = arith.constant 0 : index
    %get3A_8 = arith.constant 0 : index
    %get3A_9 = arith.constant 0 : index
    %get3A_10 = vector.load %arg1[%get3A_7, %get3A_8, %get3A_9] : memref<2x10000x128xf32, #tpu.memory_space<vmem>>, vector<2x10000x128xf32>
    %slice3A = vector.extract_strided_slice %get3A_10 {offsets = [0, 0, 0], sizes = [1, 10000, 128], strides = [1, 1, 1]} : vector<2x10000x128xf32> to vector<1x10000x128xf32>
    %squeeze3A = vector.shape_cast %slice3A : vector<1x10000x128xf32> to vector<10000x128xf32>
    %slice3A_11 = vector.extract_strided_slice %get3A_10 {offsets = [1, 0, 0], sizes = [1, 10000, 128], strides = [1, 1, 1]} : vector<2x10000x128xf32> to vector<1x10000x128xf32>
    %squeeze3A_12 = vector.shape_cast %slice3A_11 : vector<1x10000x128xf32> to vector<10000x128xf32>
    %add3A = arith.addf %squeeze3A, %squeeze3A_12 : vector<10000x128xf32>
    %mul3A = vector.broadcast %broadcast_in_dim3A : vector<10000x1xf32> to vector<10000x128xf32>
    %mul3A_13 = arith.mulf %add3A, %mul3A : vector<10000x128xf32>
    %get3A_14 = arith.constant 0 : index
    %get3A_15 = arith.constant 0 : index
    %get3A_16 = vector.load %arg0[%get3A_14, %get3A_15] : memref<10000x128xf32, #tpu.memory_space<vmem>>, vector<10000x128xf32>
    %add3A_17 = arith.addf %get3A_16, %mul3A_13 : vector<10000x128xf32>
    %get3A_18 = arith.constant 0 : index
    %get3A_19 = arith.constant 0 : index
    %get3A_20 = vector.load %arg3[%get3A_18, %get3A_19] : memref<128x128xf32, #tpu.memory_space<vmem>>, vector<128x128xf32>
    %dot_general3A = arith.constant dense<0.000000e+00> : vector<10000x128xf32>
    %dot_general3A_21 = tpu.matmul %add3A_17, %get3A_20, %dot_general3A {dimension_numbers = #tpu.dot_dimension_numbers<[1], [0], [0], [1], [0, 0, 1, 1], [], []>, transpose_lhs_hint = false} : vector<10000x128xf32>, vector<128x128xf32>, vector<10000x128xf32> -> vector<10000x128xf32>
    %get3A_22 = arith.constant 0 : index
    %get3A_23 = arith.constant 0 : index
    %get3A_24 = vector.load %arg4[%get3A_22, %get3A_23] : memref<1x128xf32, #tpu.memory_space<vmem>>, vector<1x128xf32>
    %add3A_25 = vector.broadcast %get3A_24 : vector<1x128xf32> to vector<10000x128xf32>
    %add3A_26 = arith.addf %dot_general3A_21, %add3A_25 : vector<10000x128xf32>
    %max3A_27 = arith.constant 0.000000e+00 : f32
    %max3A_28 = vector.broadcast %max3A_27 : f32 to vector<10000x128xf32>
    %max3A_29 = arith.maximumf %add3A_26, %max3A_28 : vector<10000x128xf32>
    %swap3A = arith.constant 0 : index
    %swap3A_30 = arith.constant 0 : index
    %swap3A_31 = vector.load %arg5[%swap3A, %swap3A_30] : memref<10000x128xf32, #tpu.memory_space<vmem>>, vector<10000x128xf32>
    tpu.vector_store %arg5[%swap3A, %swap3A_30], %max3A_29 {strides = array<i32>} : memref<10000x128xf32, #tpu.memory_space<vmem>>, vector<10000x128xf32>,
    %add3A_32 = arith.constant 1.000000e-07 : f32
    %add3A_33 = vector.broadcast %add3A_32 : f32 to vector<10000x128xf32>
    %add3A_34 = arith.addf %max3A_29, %add3A_33 : vector<10000x128xf32>
    %swap3A_35 = arith.constant 0 : index
    %swap3A_36 = arith.constant 0 : index
    %swap3A_37 = vector.load %arg6[%swap3A_35, %swap3A_36] : memref<10000x128xf32, #tpu.memory_space<vmem>>, vector<10000x128xf32>
    tpu.vector_store %arg6[%swap3A_35, %swap3A_36], %add3A_34 {strides = array<i32>} : memref<10000x128xf32, #tpu.memory_space<vmem>>, vector<10000x128xf32>,
    return
  }
}

module attributes {stable_mosaic.version = 14 : i64} {
  func.func @_tc_relu_eps(%arg0: memref<10000x128xf32, #tpu.memory_space<vmem>>, %arg1: memref<10000x128xf32, #tpu.memory_space<vmem>>) attributes {dimension_semantics = [], scalar_prefetch = 0 : i64, scratch_operands = 0 : i64, tpu.core_type = #tpu.core_type<tc>} {
    %get3A = arith.constant 0 : index
    %get3A_0 = arith.constant 0 : index
    %get3A_1 = vector.load %arg0[%get3A, %get3A_0] : memref<10000x128xf32, #tpu.memory_space<vmem>>, vector<10000x128xf32>
    %max3A = arith.constant 0.000000e+00 : f32
    %max3A_2 = vector.broadcast %max3A : f32 to vector<10000x128xf32>
    %max3A_3 = arith.maximumf %get3A_1, %max3A_2 : vector<10000x128xf32>
    %add3A = arith.constant 1.000000e-07 : f32
    %add3A_4 = vector.broadcast %add3A : f32 to vector<10000x128xf32>
    %add3A_5 = arith.addf %max3A_3, %add3A_4 : vector<10000x128xf32>
    %swap3A = arith.constant 0 : index
    %swap3A_6 = arith.constant 0 : index
    %swap3A_7 = vector.load %arg1[%swap3A, %swap3A_6] : memref<10000x128xf32, #tpu.memory_space<vmem>>, vector<10000x128xf32>
    tpu.vector_store %arg1[%swap3A, %swap3A_6], %add3A_5 {strides = array<i32>} : memref<10000x128xf32, #tpu.memory_space<vmem>>, vector<10000x128xf32>,
    return
  }
}

module attributes {stable_mosaic.version = 14 : i64} {
  func.func @_tc_final(%arg0: memref<10000x128xf32, #tpu.memory_space<vmem>>, %arg1: memref<2x10000x128xf32, #tpu.memory_space<vmem>>, %arg2: memref<32x10000xf32, #tpu.memory_space<vmem>>, %arg3: memref<128x128xf32, #tpu.memory_space<vmem>>, %arg4: memref<1x128xf32, #tpu.memory_space<vmem>>, %arg5: memref<10000x128xf32, #tpu.memory_space<vmem>>) attributes {dimension_semantics = [], scalar_prefetch = 0 : i64, scratch_operands = 0 : i64, tpu.core_type = #tpu.core_type<tc>} {
    %get3A = arith.constant 0 : index
    %get3A_0 = arith.constant 0 : index
    %get3A_1 = vector.load %arg2[%get3A, %get3A_0] : memref<32x10000xf32, #tpu.memory_space<vmem>>, vector<32x10000xf32>
    %reduce_sum3A = arith.constant dense<0.000000e+00> : vector<10000xf32>
    %reduce_sum3A_2 = vector.multi_reduction <add>, %get3A_1, %reduce_sum3A [0] : vector<32x10000xf32> to vector<10000xf32>
    %max3A = arith.constant 1.000000e+00 : f32
    %max3A_3 = vector.broadcast %max3A : f32 to vector<10000xf32>
    %max3A_4 = arith.maximumf %reduce_sum3A_2, %max3A_3 : vector<10000xf32>
    %div3A = arith.constant 1.000000e+00 : f32
    %div3A_5 = vector.broadcast %div3A : f32 to vector<10000xf32>
    %div3A_6 = arith.divf %div3A_5, %max3A_4 : vector<10000xf32>
    %broadcast_in_dim3A = vector.shape_cast %div3A_6 : vector<10000xf32> to vector<10000x1xf32>
    %get3A_7 = arith.constant 0 : index
    %get3A_8 = arith.constant 0 : index
    %get3A_9 = arith.constant 0 : index
    %get3A_10 = vector.load %arg1[%get3A_7, %get3A_8, %get3A_9] : memref<2x10000x128xf32, #tpu.memory_space<vmem>>, vector<2x10000x128xf32>
    %slice3A = vector.extract_strided_slice %get3A_10 {offsets = [0, 0, 0], sizes = [1, 10000, 128], strides = [1, 1, 1]} : vector<2x10000x128xf32> to vector<1x10000x128xf32>
    %squeeze3A = vector.shape_cast %slice3A : vector<1x10000x128xf32> to vector<10000x128xf32>
    %slice3A_11 = vector.extract_strided_slice %get3A_10 {offsets = [1, 0, 0], sizes = [1, 10000, 128], strides = [1, 1, 1]} : vector<2x10000x128xf32> to vector<1x10000x128xf32>
    %squeeze3A_12 = vector.shape_cast %slice3A_11 : vector<1x10000x128xf32> to vector<10000x128xf32>
    %add3A = arith.addf %squeeze3A, %squeeze3A_12 : vector<10000x128xf32>
    %mul3A = vector.broadcast %broadcast_in_dim3A : vector<10000x1xf32> to vector<10000x128xf32>
    %mul3A_13 = arith.mulf %add3A, %mul3A : vector<10000x128xf32>
    %get3A_14 = arith.constant 0 : index
    %get3A_15 = arith.constant 0 : index
    %get3A_16 = vector.load %arg0[%get3A_14, %get3A_15] : memref<10000x128xf32, #tpu.memory_space<vmem>>, vector<10000x128xf32>
    %add3A_17 = arith.addf %get3A_16, %mul3A_13 : vector<10000x128xf32>
    %get3A_18 = arith.constant 0 : index
    %get3A_19 = arith.constant 0 : index
    %get3A_20 = vector.load %arg3[%get3A_18, %get3A_19] : memref<128x128xf32, #tpu.memory_space<vmem>>, vector<128x128xf32>
    %dot_general3A = arith.constant dense<0.000000e+00> : vector<10000x128xf32>
    %dot_general3A_21 = tpu.matmul %add3A_17, %get3A_20, %dot_general3A {dimension_numbers = #tpu.dot_dimension_numbers<[1], [0], [0], [1], [0, 0, 1, 1], [], []>, transpose_lhs_hint = false} : vector<10000x128xf32>, vector<128x128xf32>, vector<10000x128xf32> -> vector<10000x128xf32>
    %get3A_22 = arith.constant 0 : index
    %get3A_23 = arith.constant 0 : index
    %get3A_24 = vector.load %arg4[%get3A_22, %get3A_23] : memref<1x128xf32, #tpu.memory_space<vmem>>, vector<1x128xf32>
    %add3A_25 = vector.broadcast %get3A_24 : vector<1x128xf32> to vector<10000x128xf32>
    %add3A_26 = arith.addf %dot_general3A_21, %add3A_25 : vector<10000x128xf32>
    %mul3A_27 = arith.mulf %add3A_26, %add3A_26 : vector<10000x128xf32>
    %reduce_sum3A_28 = arith.constant dense<0.000000e+00> : vector<10000xf32>
    %reduce_sum3A_29 = vector.multi_reduction <add>, %mul3A_27, %reduce_sum3A_28 [1] : vector<10000x128xf32> to vector<10000xf32>
    %broadcast_in_dim3A_30 = vector.shape_cast %reduce_sum3A_29 : vector<10000xf32> to vector<10000x1xf32>
    %sqrt3A = math.sqrt %broadcast_in_dim3A_30 : vector<10000x1xf32>
    %max3A_31 = arith.constant 9.99999996E-13 : f32
    %max3A_32 = vector.broadcast %max3A_31 : f32 to vector<10000x1xf32>
    %max3A_33 = arith.maximumf %sqrt3A, %max3A_32 : vector<10000x1xf32>
    %div3A_34 = vector.broadcast %max3A_33 : vector<10000x1xf32> to vector<10000x128xf32>
    %div3A_35 = arith.divf %add3A_26, %div3A_34 : vector<10000x128xf32>
    %reduce_max3A = arith.constant dense<0xFF800000> : vector<10000xf32>
    %reduce_max3A_36 = vector.multi_reduction <maximumf>, %div3A_35, %reduce_max3A [1] : vector<10000x128xf32> to vector<10000xf32>
    %broadcast_in_dim3A_37 = vector.shape_cast %reduce_max3A_36 : vector<10000xf32> to vector<10000x1xf32>
    %sub3A = vector.broadcast %broadcast_in_dim3A_37 : vector<10000x1xf32> to vector<10000x128xf32>
    %sub3A_38 = arith.subf %div3A_35, %sub3A : vector<10000x128xf32>
    %exp3A = math.exp %sub3A_38 : vector<10000x128xf32>
    %reduce_sum3A_39 = arith.constant dense<0.000000e+00> : vector<10000xf32>
    %reduce_sum3A_40 = vector.multi_reduction <add>, %exp3A, %reduce_sum3A_39 [1] : vector<10000x128xf32> to vector<10000xf32>
    %broadcast_in_dim3A_41 = vector.shape_cast %reduce_sum3A_40 : vector<10000xf32> to vector<10000x1xf32>
    %log3A = math.log %broadcast_in_dim3A_41 : vector<10000x1xf32>
    %add3A_42 = arith.addf %log3A, %broadcast_in_dim3A_37 : vector<10000x1xf32>
    %sub3A_43 = vector.broadcast %add3A_42 : vector<10000x1xf32> to vector<10000x128xf32>
    %sub3A_44 = arith.subf %div3A_35, %sub3A_43 : vector<10000x128xf32>
    %swap3A = arith.constant 0 : index
    %swap3A_45 = arith.constant 0 : index
    %swap3A_46 = vector.load %arg5[%swap3A, %swap3A_45] : memref<10000x128xf32, #tpu.memory_space<vmem>>, vector<10000x128xf32>
    tpu.vector_store %arg5[%swap3A, %swap3A_45], %sub3A_44 {strides = array<i32>} : memref<10000x128xf32, #tpu.memory_space<vmem>>, vector<10000x128xf32>,
    return
  }
}

</mosaic_0001>

<sc_bundles>
// kernel: sc_aggr.11.cloned.1.call-start
scs
__scs_entry_jumppad:
0x0: {  	(pc) =	sbr.rel $0x88, $3  }
0x1: {  	(tag) =	ssettag $0x0;
	lr =	simm.s32 $0x1  }
0x2: {  	[smem:$0x3F99] =	sst lr;
	_ =	strace $0xD0000000  }
0x3: {  	_ = 	snop  }
0x4: {  	_ = 	snop  }
0x5: {  	_ = 	snop  }
0x6: {  	_ = 	snop  }
0x7: {  	_ = 	snop  }
__scs_overlays_trampoline_lowered:
0x8: {  	[smem:$0x3FA8] =	sst s0  }
0x9: {  	[smem:$0x3FA9] =	sst s1  }
0xa: {  	[smem:$0x3FAA] =	sst s2  }
0xb: {  	[smem:$0x3FAB] =	sst s3  }
0xc: {  	[smem:$0x3FAC] =	sst s4  }
0xd: {  	[smem:$0x3FAD] =	sst s5  }
0xe: {  	[smem:$0x3FAE] =	sst s6  }
0xf: {  	[smem:$0x3FAF] =	sst s7  }
0x10: {  	[smem:$0x3FB0] =	sst s8  }
0x11: {  	[smem:$0x3FB1] =	sst s9;
	s0 =	simm.s32 @!p0 $0x0  }
0x12: {  	s1 =	sld [smem:$0x3F97];
	s0 =	simm.s32 @p0 $0x1  }
0x13: {  	[smem:$0x3FB2] =	sst s0;
	s0 =	simm.s32 @!p1 $0x0  }
0x14: {  	s2 =	sld [smem:$0x3F96];
	s0 =	simm.s32 @p1 $0x1  }
0x15: {  	[smem:$0x3FB3] =	sst s0;
	s0 =	simm.s32 @!p2 $0x0  }
0x16: {  	s3 =	sld [smem:$0x3FDB];
	s0 =	simm.s32 @p2 $0x1  }
0x17: {  	s4 =	simm.s32 $0x1BF5;
	[smem:$0x3FB5] =	sst s0  }
0x18: {  	s0 =	sld [smem:$0x3F98];
	_ =	swait.ge [sflag:s4], $0x0  }
0x19: {  	s7 =	sld [smem:$0x3F99]  }
0x1a: {  	s8 =	sadd.s32 $0xFFFFE003, lr  }
0x1b: {  	s9 =	sadd.s32 $0xFFFFFEF7, lr;
	s5 =	simm.s32 $0xFFFFFFFF;
	p2 =	slt.u32 s8, $0xFFFFF086  }
0x1c: {  	p1 =	slt.u32 s9, $0xF7A;
	s5 =	simm.s32 @!p2 $0x0  }
0x1d: {  	s5 =	simm.s32 @p1 $0x1;
	p0 =	seq.s32 s7, s2  }
0x1e: {  	s7 =	smul.u32 @!p0 $0xF7A, s2;
	p2 =	seq.s32 @!p0 s5, $0x0  }
0x1f: {  	s9 =	smul.u32 $0xF7A, s1;
	s8 =	simm.s32 @!p0 $0x1BF5;
	p2 =	por !p2, p0  }
0x20: {  	[sflag:s8] =	ssyncset.s32 @!p0 $0xFFFFF086;
	s6 =	sadd.s32 @!p0 s3, s7;
	s7 =	simm.s32 @!p0 $0x108  }
0x21: {  	s3 =	sadd.s32 s3, s9;
	s6 =	sadd.s32 @!p0 $0x88, s6;
	s7 =	simm.s32 @p2 $0x1082  }
0x22: {  	[simem:s7], [sflag:s8] =	dma.local @!p0 [hbm:s6], $0xF7A  }
0x23: {  	s9 =	sor.u32 $0xD0000000, s2;
	s6 =	simm.s32 $0x108;
	_ =	swait.ge @!p0 [sflag:s8], $0x0  }
0x24: {  	s3 =	sadd.s32 $0x88, s3;
	s6 =	simm.s32 @!p1 $0x1082;
	[sflag:s4] =	ssyncset.s32 $0xFFFFF086  }
0x25: {  	[simem:s6], [sflag:s4] =	dma.local [hbm:s3], $0xF7A  }
0x26: {  	[smem:$0x3F99] =	sst s1;
	(tag) =	ssettag s2;
	_ =	strace s9  }
0x27: {  	s1 =	sld [smem:$0x3FA9]  }
0x28: {  	s2 =	sld [smem:$0x3FAA]  }
0x29: {  	s4 =	sld [smem:$0x3FAC]  }
0x2a: {  	p0 =	seq.s32 s5, $0x0;
	s5 =	sld [smem:$0x3FAD]  }
0x2b: {  	s6 =	sld [smem:$0x3FAE]  }
0x2c: {  	s7 =	sld [smem:$0x3FAF]  }
0x2d: {  	s3 =	simm.s32 $0x108;
	s8 =	sld [smem:$0x3FB0]  }
0x2e: {  	s3 =	simm.s32 @!p0 $0x1082;
	s9 =	sld [smem:$0x3FB1]  }
0x2f: {  	lr =	sadd.s32 s0, s3;
	s0 =	sld [smem:$0x3FA8]  }
0x30: {  	s3 =	sld [smem:$0x3FAB]  }
0x31: {  	[smem:$0x3FB4] =	sst s10  }
0x32: {  	s10 =	sld [smem:$0x3FB2];
	_ =	sdelay $0x3  }
0x33: {  	p0 =	seq.s32 s10, $0x1;
	s10 =	sld [smem:$0x3FB4];
	_ =	sdelay $0x3  }
0x34: {  	[smem:$0x3FB4] =	sst s10  }
0x35: {  	s10 =	sld [smem:$0x3FB3];
	_ =	sdelay $0x3  }
0x36: {  	p1 =	seq.s32 s10, $0x1;
	s10 =	sld [smem:$0x3FB4];
	_ =	sdelay $0x3  }
0x37: {  	[smem:$0x3FB4] =	sst s10  }
0x38: {  	s10 =	sld [smem:$0x3FB5]  }
0x39: {  	_ = 	snop;
	(pc) =	sbr.ind lr, $3  }
0x3a: {  	_ = 	snop  }
0x3b: {  	_ = 	snop  }
0x3c: {  	p2 =	seq.s32 s10, $0x1;
	s10 =	sld [smem:$0x3FB4]  }
0x3d: {  	_ =	shalt  }
0x3e: {  	_ =	shalt  }
0x3f: {  	_ =	shalt  }
0x40: {  	_ =	shalt  }
0x41: {  	_ =	shalt  }
0x42: {  	_ =	shalt  }
0x43: {  	_ =	shalt  }
0x44: {  	_ =	shalt  }
0x45: {  	_ =	shalt  }
0x46: {  	_ =	shalt  }
0x47: {  	_ =	shalt  }
0x48: {  	_ =	shalt  }
0x49: {  	_ =	shalt  }
0x4a: {  	_ =	shalt  }
0x4b: {  	_ =	shalt  }
0x4c: {  	_ =	shalt  }
0x4d: {  	_ =	shalt  }
0x4e: {  	_ =	shalt  }
0x4f: {  	_ =	shalt  }
0x50: {  	_ =	shalt  }
0x51: {  	_ =	shalt  }
0x52: {  	_ =	shalt  }
0x53: {  	_ =	shalt  }
0x54: {  	_ =	shalt  }
0x55: {  	_ =	shalt  }
0x56: {  	_ =	shalt  }
0x57: {  	_ =	shalt  }
0x58: {  	_ =	shalt  }
0x59: {  	_ =	shalt  }
0x5a: {  	_ =	shalt  }
0x5b: {  	_ =	shalt  }
0x5c: {  	_ =	shalt  }
0x5d: {  	_ =	shalt  }
0x5e: {  	_ =	shalt  }
0x5f: {  	_ =	shalt  }
0x60: {  	_ =	shalt  }
0x61: {  	_ =	shalt  }
0x62: {  	_ =	shalt  }
0x63: {  	_ =	shalt  }
0x64: {  	_ =	shalt  }
0x65: {  	_ =	shalt  }
0x66: {  	_ =	shalt  }
0x67: {  	_ =	shalt  }
0x68: {  	_ =	shalt  }
0x69: {  	_ =	shalt  }
0x6a: {  	_ =	shalt  }
0x6b: {  	_ =	shalt  }
0x6c: {  	_ =	shalt  }
0x6d: {  	_ =	shalt  }
0x6e: {  	_ =	shalt  }
0x6f: {  	_ =	shalt  }
0x70: {  	_ =	shalt  }
0x71: {  	_ =	shalt  }
0x72: {  	_ =	shalt  }
0x73: {  	_ =	shalt  }
0x74: {  	_ =	shalt  }
0x75: {  	_ =	shalt  }
0x76: {  	_ =	shalt  }
0x77: {  	_ =	shalt  }
0x78: {  	_ =	shalt  }
0x79: {  	_ =	shalt  }
0x7a: {  	_ =	shalt  }
0x7b: {  	_ =	shalt  }
0x7c: {  	_ =	shalt  }
0x7d: {  	_ =	shalt  }
0x7e: {  	_ =	shalt  }
0x7f: {  	_ =	shalt  }
0x80: {  	_ =	shalt  }
0x81: {  	_ =	shalt  }
0x82: {  	_ =	shalt  }
0x83: {  	_ =	shalt  }
0x84: {  	_ =	shalt  }
0x85: {  	_ =	shalt  }
0x86: {  	_ =	shalt  }
0x87: {  	_ =	shalt  }
.Lfunc_end0:
.L_simem_size_0:
called_computation.3_lowered:
.L_overlay_start_0:
0x88: {  	s2 =	sld [smem:$0x3FD9]  }
0x89: {  	s3 =	sld [smem:$0x3FFE];
	_ =	sdelay $0x1  }
0x8a: {  	s1 =	srdreg.scid  }
0x8b: {  	s0 =	sand.u32 $0x1, s1  }
0x8c: {  	s17 =	sshll.u32 s0, $0xA;
	s2 =	sadd.s32 s3, s2  }
0x8d: {  	s2 =	sadd.s32 s2, s17  }
0x8e: {  	[smem:$0x3FC0] =	sst s2  }
0x8f: {  	_ = 	snop  }
0x90: {  	s2 =	sld [smem:$0x3FD0];
	(tm) =	ssettm $0x1  }
0x91: {  	s18 =	sld [smem:$0x3FFB];
	_ =	sdelay $0x3  }
0x92: {  	_ =	strace s18  }
0x93: {  	s3 =	sld [smem:$0x3FFC];
	_ =	sdelay $0x3  }
0x94: {  	_ =	strace s3  }
0x95: {  	s3 =	sld [smem:$0x3FFD];
	_ =	sdelay $0x3  }
0x96: {  	_ =	strace s3  }
0x97: {  	_ =	strace $0x8FFFFFFF  }
0x98: {  	s19 =	sld [smem:$0x3FDB];
	_ =	sdelay $0x1  }
0x99: {  	s4 =	simm.s32 $_scs_section_size  }
0x9a: {  	s5 =	simm.s32 $_size__tile_overlayer_lowered;
	s6 =	simm.s32 $_tile_overlayer_lowered  }
0x9b: {  	s22 =	simm.s32 $0x1BFF;
	s21 =	sshll.u32 s6, $0x1;
	s3 =	sadd.s32 s4, s19  }
0x9c: {  	s7 =	simm.s32 $0x0;
	s20 =	sshll.u32 s5, $0x1;
	s5 =	sadd.s32 s21, s3  }
0x9d: {  	[timem:s7], [sflag:s22] =	dma.local [hbm:s5], s20  }
0x9e: {  	_ =	swait.ge [sflag:s22], s20  }
0x9f: {  	s4 =	ssub.s32 $0x0, s20;
	[sflag:s22] =	ssyncset.done $0x0  }
0xa0: {  	[sflag:s22] =	ssyncadd.s32 s4;
	_ =	sdelay $0x1  }
0xa1: {  	s23 =	simm.s32 $0x1B8B  }
0xa2: {  	_ =	swait.ge [sflag:s23], $0x1  }
0xa3: {  	[sflag:s23] =	ssyncset.done $0x0  }
0xa4: {  	s25 =	simm.s32 $0x1B8E;
	s24 =	sld [smem:$0x3FFE];
	[sflag:s23] =	ssyncadd.s32 $0xFFFFFFFF  }
0xa5: {  	s26 =	simm.s32 $execute0_lowered;
	[smem:$0x3FD2] =	sst s25  }
0xa6: {  	s5 =	sshll.u32 s26, $0x1;
	_ =	strace $0x8000004F;
	[dreg:$0x1] =	wrdreg $0xFFFFFFFF  }
0xa7: {  	s28 =	simm.s32 $_size_execute0_lowered;
	s3 =	sadd.s32 s3, s5;
	[dreg:$0x0] =	wrdreg $0x0  }
0xa8: {  	s5 =	sshll.u32 s28, $0x1;
	[dreg:$0x2] =	wrdreg s3  }
0xa9: {  	[dreg:$0x3] =	wrdreg s5  }
0xaa: {  	[dreg:$0x4] =	wrdreg $0xC0  }
0xab: {  	_ =	task [dreg:s7], $0x5FFFF  }
0xac: {  	[dreg:$0x1] =	wrdreg $0xFFFFFFFF  }
0xad: {  	[dreg:$0x0] =	wrdreg $0x60  }
0xae: {  	[dreg:$0x2] =	wrdreg s2  }
0xaf: {  	[dreg:$0x3] =	wrdreg s24  }
0xb0: {  	[dreg:$0x4] =	wrdreg $0x0  }
0xb1: {  	[dreg:$0x5] =	wrdreg $0x9  }
0xb2: {  	_ =	task.clear_ibuf [dreg:s7], $0x6FFFF;
	_ =	strace $0x9000004F  }
0xb3: {  	s29 =	simm.s32 $0x9;
	_ =	strace $0x80000051  }
0xb4: {  	_ =	swait.ge [sflag:s29], $0x1  }
0xb5: {  	[sflag:s29] =	ssyncadd.s32 $0xFFFFFFFF  }
0xb6: {  	_ =	strace $0x90000051  }
0xb7: {  	_ =	sfence  }
0xb8: {  	s30 =	sld [smem:$0x0];
	_ =	sdelay $0x2  }
0xb9: {  	s31 =	sshll.u32 s1, $0xD;
	s1 =	sshrl.u32 s1, $0x2  }
0xba: {  	s3 =	sand.u32 $0x4000, s31;
	s1 =	sadd.s32 s1, s30  }
0xbb: {  	s0 =	sor.u32 s3, s0;
	s1 =	sshll.u32 s1, $0x11  }
0xbc: {  	s0 =	sor.u32 s1, s0  }
0xbd: {  	s0 =	sadd.s32 $0x8F2B, s0  }
0xbe: {  	[sflag:s0] =	ssyncadd.remote.s32 $0x1  }
0xbf: {  	_ =	sfence.sel $0xFFFF  }
0xc0: {  	[dreg:$0x0] =	wrdreg $0xFFFFFFFF;
	(pc) =	sbr.abs _section_cstart, $3  }
0xc1: {  	[dreg:$0x1] =	wrdreg $0xFFFFFFFF  }
0xc2: {  	_ =	task.clear_ibuf [dreg:s7], $0x2FFFF;
	_ =	strace $0x9FFFFFFF  }
0xc3: {  	(tm) =	ssettm $0x7FFFFFFF  }
tec
execute0_lowered:
.L_overlay_start_1:
0x0: {  	(tag) =	ssettag $0x1  }
0x1: {  	s1 =	rddreg [dreg:$0x0]  }
0x2: {  	s7 =	rddreg [dreg:$0x1]  }
0x3: {  	s0 =	srdreg.scid;
	s3 =	rddreg [dreg:$0x2]  }
0x4: {  	s4 =	simm.s32 $0x0;
	s15 =	simm.s32 $0x16000;
	s16 =	simm.s32 $0x50  }
0x5: {  	s17 =	simm.s32 $0x1;
	s18 =	simm.s32 $0x138D0;
	s19 =	simm.s32 $0x1C800  }
0x6: {  	s20 =	simm.s32 $0x2;
	s21 =	simm.s32 $0x3;
	s22 =	simm.s32 $0x4  }
0x7: {  	s23 =	simm.s32 $0x19D80;
	s24 =	simm.s32 $0x15F40;
	s25 =	simm.s32 $0x19E00  }
0x8: {  	s26 =	simm.s32 $0x0;
	s6 =	sand.u32 $0x1, s0;
	s0 =	stileid.u32  }
0x9: {  	[smem:$0x7FF] =	sst s4;
	s2 =	sshll.u32 s6, $0x4;
	s9 =	smul.u32 $0x138800, s6  }
0xa: {  	s10 =	smul.u32 $0x2800, s0;
	s6 =	ssub.s32 $0x2, s6;
	s12 =	ssub.s32 $0x8C, s0  }
0xb: {  	s13 =	smul.u32 $0xA000, s0;
	s5 =	sor.u32 s0, s2;
	s2 =	rddreg [dreg:$0x3]  }
0xc: {  	_ =	strace $0x80000050;
	s29 =	sshrl.u32 s6, $0x1;
	s8 =	smul.u32 $0x4E2, s5  }
0xd: {  	s5 =	sshll.u32 s5, $0xB;
	s9 =	sadd.s32 s10, s9;
	s30 =	ssub.s32 s6, s29  }
0xe: {  	s6 =	sshrl.u32 s12, $0x4;
	s31 =	sshrl.u32 s13, $0x2;
	s12 =	simm.s32 $0x1A000  }
0xf: {  	s13 =	simm.s32 $0x5;
	s11 =	sadd.s32 s5, s7;
	s5 =	sadd.s32 $0x30600, s7  }
0x10: {  	s9 =	sshrl.u32 s9, $0x3;
	s10 =	sadd.s32 s31, s3;
	s8 =	sadd.s32 s8, s7  }
0x11: {  	s14 =	sadd.s32 s9, s7;
	s9 =	smax.u32 s30, $0x1;
	s7 =	sadd.s32 $0xCA00, s8  }
0x12: {  	s8 =	sadd.s32 $0x20600, s11;
	s11 =	sadd.s32 $0x30C00, s14;
	s14 =	simm.s32 $0x13880  }
.LBB2_1:
0x13: {  	[tilespmem:s12], [sflag:$0x5] =	stream.linear.gather [hbm4b:s5+s4], $0x2800, $0x38;
	[tilespmem:$0x1F000] =	vst v63  }
0x14: {  	p0 =	sne.s32 s6, $0x1;
	_ =	swait.ge [sflag:s13], $0x2800  }
.Ltmp0:
0x15: {  	[sflag:s13] =	ssyncset.done $0x0;
	(pc) =	sbr.rel @!p0 .LBB2_3-.Ltmp0, $4  }
0x16: {  	[sflag:s13] =	ssyncadd.s32 $0xFFFFD800  }
0x17: {  	[spmem:s10] =	stream.linear.scatter [tilespmem:s12], [sflag:$0x5], $0x2800, $0x38;
	[tilespmem:$0x1F000] =	vst v63  }
0x18: {  	_ =	swait.ge [sflag:s13], $0x2800  }
0x19: {  	s28 =	sadd.s32 $0xFFFFFFFF, s6;
	s29 =	smov.u32 s10;
	[sflag:s13] =	ssyncset.done $0x0  }
.LBB2_2:
0x1a: {  	p1 =	sne.s32 s28, $0x1;
	[sflag:s13] =	ssyncadd.s32 $0xFFFFD800;
	s29 =	sadd.s32 $0x28000, s29  }
.Ltmp1:
0x1b: {  	s28 =	sadd.s32 $0xFFFFFFFF, s28;
	(pc) =	sbr.rel @p1 .LBB2_2-.Ltmp1, $4  }
0x1c: {  	_ = 	snop  }
0x1d: {  	[spmem:s29] =	stream.linear.scatter [tilespmem:s12], [sflag:$0x5], $0x2800, $0x38;
	[tilespmem:$0x1F000] =	vst v63  }
0x1e: {  	_ =	swait.ge [sflag:s13], $0x2800  }
0x1f: {  	[sflag:s13] =	ssyncset.done $0x0  }
.LBB2_3:
0x20: {  	[sflag:s13] =	ssyncadd.s32 $0xFFFFD800  }
0x21: {  	[bflag:$0x0] =	sbarrier.arrive $0xFFFF  }
0x22: {  	[tilespmem:s14], [sflag:$0x5] =	stream.linear.gather [hbm4b:s7+s4], $0x2710, $0x38;
	[tilespmem:$0x1F000] =	vst v63  }
0x23: {  	_ =	swait.ge [sflag:s13], $0x2710  }
0x24: {  	[sflag:s13] =	ssyncset.done $0x0  }
0x25: {  	[sflag:s13] =	ssyncadd.s32 $0xFFFFD8F0  }
0x26: {  	[tilespmem:s15], [sflag:$0x5] =	stream.linear.gather [hbm4b:s8+s4], $0x3E80, $0x38;
	[tilespmem:$0x1F000] =	vst v63  }
0x27: {  	_ =	swait.ge [sflag:s13], $0x3E80  }
0x28: {  	[sflag:s13] =	ssyncset.done $0x0  }
0x29: {  	[sflag:s13] =	ssyncadd.s32 $0xFFFFC180  }
0x2a: {  	[tilespmem:s12], [sflag:$0x1] =	stream.indirect.gather [hbm4b:s1+s16], $0x80, s14, s16, $0xb8;
	[tilespmem:$0x1F000] =	vst v63  }
0x2b: {  	_ =	swait.ge [sflag:s17], $0x2800  }
0x2c: {  	[sflag:s17] =	ssyncset.done $0x0  }
0x2d: {  	[sflag:s17] =	ssyncadd.s32 $0xFFFFD800  }
0x2e: {  	[spmem:s3] =	stream.indirect.scatter.add.f32 [tilespmem:s12], [sflag:$0x3], $0x80, s15, s16, $0xb8;
	[tilespmem:$0x1F000] =	vst v63  }
0x2f: {  	_ = 	snop  }
0x30: {  	[tilespmem:s19], [sflag:$0x2] =	stream.indirect.gather [hbm4b:s1+s16], $0x80, s18, s16, $0xb8;
	[tilespmem:$0x1F000] =	vst v63  }
0x31: {  	_ =	swait.ge [sflag:s20], $0x2800  }
0x32: {  	[sflag:s20] =	ssyncset.done $0x0  }
0x33: {  	s28 =	simm.s32 $0x16080;
	[sflag:s20] =	ssyncadd.s32 $0xFFFFD800  }
0x34: {  	[spmem:s3] =	stream.indirect.scatter.add.f32 [tilespmem:s19], [sflag:$0x4], $0x80, s28, s16, $0xb8;
	[tilespmem:$0x1F000] =	vst v63  }
0x35: {  	_ =	swait.ge [sflag:s21], $0x2800  }
0x36: {  	[sflag:s21] =	ssyncset.done $0x0  }
0x37: {  	s28 =	simm.s32 $0x13920;
	[sflag:s21] =	ssyncadd.s32 $0xFFFFD800  }
0x38: {  	[tilespmem:s12], [sflag:$0x1] =	stream.indirect.gather [hbm4b:s1+s16], $0x80, s28, s16, $0xb8;
	[tilespmem:$0x1F000] =	vst v63  }
0x39: {  	_ =	swait.ge [sflag:s17], $0x2800  }
0x3a: {  	[sflag:s17] =	ssyncset.done $0x0  }
0x3b: {  	s28 =	simm.s32 $0x16100;
	[sflag:s17] =	ssyncadd.s32 $0xFFFFD800  }
0x3c: {  	[spmem:s3] =	stream.indirect.scatter.add.f32 [tilespmem:s12], [sflag:$0x3], $0x80, s28, s16, $0xb8;
	[tilespmem:$0x1F000] =	vst v63  }
0x3d: {  	_ =	swait.ge [sflag:s22], $0x2800  }
0x3e: {  	s30 =	simm.s32 $0x13970;
	[sflag:s22] =	ssyncset.done $0x0  }
0x3f: {  	s29 =	simm.s32 $0x16180;
	s28 =	simm.s32 $0xFFFF6A00;
	[sflag:s22] =	ssyncadd.s32 $0xFFFFD800  }
.LBB2_4:
0x40: {  	[tilespmem:s19], [sflag:$0x2] =	stream.indirect.gather [hbm4b:s1+s16], $0x80, s30, s16, $0xb8;
	[tilespmem:$0x1F000] =	vst v63  }
0x41: {  	s30 =	smov.u32 s28  }
0x42: {  	p1 =	sne.s32 s28, $0xFFFFFD80;
	s28 =	sadd.s32 $0x280, s28;
	_ =	swait.ge [sflag:s20], $0x2800  }
0x43: {  	[sflag:s20] =	ssyncset.done $0x0  }
0x44: {  	[sflag:s20] =	ssyncadd.s32 $0xFFFFD800  }
0x45: {  	[spmem:s3] =	stream.indirect.scatter.add.f32 [tilespmem:s19], [sflag:$0x4], $0x80, s29, s16, $0xb8;
	[tilespmem:$0x1F000] =	vst v63  }
0x46: {  	_ =	swait.ge [sflag:s21], $0x2800  }
0x47: {  	s30 =	sshra.s32 s30, $0x2;
	[sflag:s21] =	ssyncset.done $0x0  }
0x48: {  	s31 =	sadd.s32 $0x15F40, s30;
	[sflag:s21] =	ssyncadd.s32 $0xFFFFD800  }
0x49: {  	[tilespmem:s12], [sflag:$0x1] =	stream.indirect.gather [hbm4b:s1+s16], $0x80, s31, s16, $0xb8;
	[tilespmem:$0x1F000] =	vst v63  }
0x4a: {  	_ =	swait.ge [sflag:s17], $0x2800  }
0x4b: {  	[sflag:s17] =	ssyncset.done $0x0  }
.Ltmp2:
0x4c: {  	s31 =	sadd.s32 $0x80, s29;
	[sflag:s17] =	ssyncadd.s32 $0xFFFFD800;
	(pc) =	sbr.rel @p1 .LBB2_4-.Ltmp2, $4  }
0x4d: {  	[spmem:s3] =	stream.indirect.scatter.add.f32 [tilespmem:s12], [sflag:$0x3], $0x80, s31, s16, $0xb8;
	[tilespmem:$0x1F000] =	vst v63  }
0x4e: {  	_ =	swait.ge [sflag:s22], $0x2800  }
0x4f: {  	[sflag:s22] =	ssyncset.done $0x0  }
0x50: {  	s30 =	sadd.s32 $0x15F90, s30;
	s29 =	sadd.s32 $0x100, s29;
	[sflag:s22] =	ssyncadd.s32 $0xFFFFD800  }
0x51: {  	[tilespmem:s19], [sflag:$0x2] =	stream.indirect.gather [hbm4b:s1+s16], $0x80, s30, s16, $0xb8;
	[tilespmem:$0x1F000] =	vst v63  }
0x52: {  	_ =	swait.ge [sflag:s20], $0x2800  }
0x53: {  	[sflag:s20] =	ssyncset.done $0x0  }
0x54: {  	[sflag:s20] =	ssyncadd.s32 $0xFFFFD800  }
0x55: {  	[spmem:s3] =	stream.indirect.scatter.add.f32 [tilespmem:s19], [sflag:$0x4], $0x80, s23, s16, $0xb8;
	[tilespmem:$0x1F000] =	vst v63  }
0x56: {  	_ =	swait.ge [sflag:s21], $0x2800  }
0x57: {  	[sflag:s21] =	ssyncset.done $0x0  }
0x58: {  	[sflag:s21] =	ssyncadd.s32 $0xFFFFD800  }
0x59: {  	[tilespmem:s12], [sflag:$0x1] =	stream.indirect.gather [hbm4b:s1+s16], $0x80, s24, s16, $0xb8;
	[tilespmem:$0x1F000] =	vst v63  }
0x5a: {  	_ =	swait.ge [sflag:s17], $0x2800  }
0x5b: {  	[sflag:s17] =	ssyncset.done $0x0  }
0x5c: {  	[sflag:s17] =	ssyncadd.s32 $0xFFFFD800  }
0x5d: {  	[spmem:s3] =	stream.indirect.scatter.add.f32 [tilespmem:s12], [sflag:$0x3], $0x80, s25, s16, $0xb8;
	[tilespmem:$0x1F000] =	vst v63  }
0x5e: {  	_ =	swait.ge [sflag:s22], $0x2800  }
0x5f: {  	[sflag:s22] =	ssyncset.done $0x0  }
0x60: {  	[sflag:s22] =	ssyncadd.s32 $0xFFFFD800  }
0x61: {  	_ =	swait.ge [sflag:s21], $0x2800  }
0x62: {  	[sflag:s21] =	ssyncset.done $0x0  }
0x63: {  	[sflag:s21] =	ssyncadd.s32 $0xFFFFD800  }
0x64: {  	[bflag:$0x0] =	sbarrier.arrive $0xFFFF  }
0x65: {  	[tilespmem:s12], [sflag:$0x5] =	stream.linear.gather [spmem:s10], $0x2800, $0x38;
	[tilespmem:$0x1F000] =	vst v63  }
0x66: {  	_ =	swait.ge [sflag:s13], $0x2800  }
.Ltmp3:
0x67: {  	[sflag:s13] =	ssyncset.done $0x0;
	(pc) =	sbr.rel @!p0 .LBB2_7-.Ltmp3, $4  }
0x68: {  	[sflag:s13] =	ssyncadd.s32 $0xFFFFD800  }
0x69: {  	[hbm4b:s11+s4] =	stream.linear.scatter [tilespmem:s12], [sflag:$0x5], $0x2800, $0x38;
	[tilespmem:$0x1F000] =	vst v63  }
0x6a: {  	s28 =	sadd.s32 $0xFFFFFFFF, s6;
	_ =	swait.ge [sflag:s13], $0x2800  }
0x6b: {  	s29 =	smov.u32 s10;
	s30 =	smov.u32 s11;
	[sflag:s13] =	ssyncset.done $0x0  }
.LBB2_6:
0x6c: {  	[sflag:s13] =	ssyncadd.s32 $0xFFFFD800;
	s29 =	sadd.s32 $0x28000, s29;
	s30 =	sadd.s32 $0x5000, s30  }
0x6d: {  	[tilespmem:s12], [sflag:$0x5] =	stream.linear.gather [spmem:s29], $0x2800, $0x38;
	[tilespmem:$0x1F000] =	vst v63  }
0x6e: {  	p0 =	sne.s32 s28, $0x1;
	s28 =	sadd.s32 $0xFFFFFFFF, s28;
	_ =	swait.ge [sflag:s13], $0x2800  }
.Ltmp4:
0x6f: {  	[sflag:s13] =	ssyncset.done $0x0;
	(pc) =	sbr.rel @p0 .LBB2_6-.Ltmp4, $4  }
0x70: {  	[sflag:s13] =	ssyncadd.s32 $0xFFFFD800  }
0x71: {  	[hbm4b:s30+s4] =	stream.linear.scatter [tilespmem:s12], [sflag:$0x5], $0x2800, $0x38;
	[tilespmem:$0x1F000] =	vst v63  }
0x72: {  	_ =	swait.ge [sflag:s13], $0x2800  }
0x73: {  	[sflag:s13] =	ssyncset.done $0x0  }
.LBB2_7:
0x74: {  	s26 =	sadd.s32 $0x1, s26  }
0x75: {  	p0 =	sne.s32 s26, s9  }
.Ltmp5:
0x76: {  	_ = 	snop;
	(pc) =	sbr.rel @p0 .LBB2_1-.Ltmp5, $2  }
0x77: {  	_ =	sdelay $0x2  }
0x78: {  	[sflag:s13] =	ssyncadd.s32 $0xFFFFD800  }
0x79: {  	_ =	sfence.sel $0x180000  }
0x7a: {  	[bflag:$0x0] =	sbarrier.arrive $0xFFFF  }
0x7b: {  	p0 =	sne.s32 s0, $0x0;
	_ =	strace $0x90000050  }
0x7c: {  	s0 =	sadd.s32 @!p0 $0x100000, s2;
	[bflag:$0x2] =	sbarrier.arrive $0xFFFF  }
0x7d: {  	[sflag:s0] =	ssyncadd.tile.s32 @!p0 $0x1;
	_ =	shalt  }
.Lfunc_end2:
_tile_overlayer_lowered:
.L_overlay_start_2:
0x7e: {  	(tag) =	ssettag $0x2  }
0x7f: {  	s0 =	rddreg [dreg:$0x0];
	s2 =	stileid.u32  }
0x80: {  	s1 =	rddreg [dreg:$0x1];
	p0 =	sne.s32 s2, $0x0  }
0x81: {  	s3 =	rddreg [dreg:$0x2];
	[bflag:$0x3] =	sbarrier.arrive $0xFFFF;
	s2 =	simm.s32 @!p0 $0x1C05  }
0x82: {  	[timem:s3], [sflag:s2] =	dma.local @!p0 [hbm:s0], s1  }
0x83: {  	s0 =	simm.s32 @!p0 $0x5  }
0x84: {  	_ =	swait.ge @!p0 [sflag:s0], s1  }
0x85: {  	s1 =	ssub.s32 @!p0 $0x0, s1;
	[sflag:s0] =	ssyncset.done @!p0 $0x0  }
0x86: {  	[sflag:s0] =	ssyncadd.s32 @!p0 s1  }
0x87: {  	[bflag:$0x3] =	sbarrier.arrive $0xFFFF  }
0x88: {  	_ =	shalt  }

// kernel: sc_aggr.5.cloned.1.call-start
scs
__scs_entry_jumppad:
0x0: {  	(pc) =	sbr.rel $0x88, $3  }
0x1: {  	(tag) =	ssettag $0x0;
	lr =	simm.s32 $0x1  }
0x2: {  	[smem:$0x3F99] =	sst lr;
	_ =	strace $0xD0000000  }
0x3: {  	_ = 	snop  }
0x4: {  	_ = 	snop  }
0x5: {  	_ = 	snop  }
0x6: {  	_ = 	snop  }
0x7: {  	_ = 	snop  }
__scs_overlays_trampoline_lowered:
0x8: {  	[smem:$0x3FA8] =	sst s0  }
0x9: {  	[smem:$0x3FA9] =	sst s1  }
0xa: {  	[smem:$0x3FAA] =	sst s2  }
0xb: {  	[smem:$0x3FAB] =	sst s3  }
0xc: {  	[smem:$0x3FAC] =	sst s4  }
0xd: {  	[smem:$0x3FAD] =	sst s5  }
0xe: {  	[smem:$0x3FAE] =	sst s6  }
0xf: {  	[smem:$0x3FAF] =	sst s7  }
0x10: {  	[smem:$0x3FB0] =	sst s8  }
0x11: {  	[smem:$0x3FB1] =	sst s9;
	s0 =	simm.s32 @!p0 $0x0  }
0x12: {  	s1 =	sld [smem:$0x3F97];
	s0 =	simm.s32 @p0 $0x1  }
0x13: {  	[smem:$0x3FB2] =	sst s0;
	s0 =	simm.s32 @!p1 $0x0  }
0x14: {  	s2 =	sld [smem:$0x3F96];
	s0 =	simm.s32 @p1 $0x1  }
0x15: {  	[smem:$0x3FB3] =	sst s0;
	s0 =	simm.s32 @!p2 $0x0  }
0x16: {  	s3 =	sld [smem:$0x3FDB];
	s0 =	simm.s32 @p2 $0x1  }
0x17: {  	s4 =	simm.s32 $0x1BF5;
	[smem:$0x3FB5] =	sst s0  }
0x18: {  	s0 =	sld [smem:$0x3F98];
	_ =	swait.ge [sflag:s4], $0x0  }
0x19: {  	s7 =	sld [smem:$0x3F99]  }
0x1a: {  	s8 =	sadd.s32 $0xFFFFE003, lr  }
0x1b: {  	s9 =	sadd.s32 $0xFFFFFEF7, lr;
	s5 =	simm.s32 $0xFFFFFFFF;
	p2 =	slt.u32 s8, $0xFFFFF086  }
0x1c: {  	p1 =	slt.u32 s9, $0xF7A;
	s5 =	simm.s32 @!p2 $0x0  }
0x1d: {  	s5 =	simm.s32 @p1 $0x1;
	p0 =	seq.s32 s7, s2  }
0x1e: {  	s7 =	smul.u32 @!p0 $0xF7A, s2;
	p2 =	seq.s32 @!p0 s5, $0x0  }
0x1f: {  	s9 =	smul.u32 $0xF7A, s1;
	s8 =	simm.s32 @!p0 $0x1BF5;
	p2 =	por !p2, p0  }
0x20: {  	[sflag:s8] =	ssyncset.s32 @!p0 $0xFFFFF086;
	s6 =	sadd.s32 @!p0 s3, s7;
	s7 =	simm.s32 @!p0 $0x108  }
0x21: {  	s3 =	sadd.s32 s3, s9;
	s6 =	sadd.s32 @!p0 $0x88, s6;
	s7 =	simm.s32 @p2 $0x1082  }
0x22: {  	[simem:s7], [sflag:s8] =	dma.local @!p0 [hbm:s6], $0xF7A  }
0x23: {  	s9 =	sor.u32 $0xD0000000, s2;
	s6 =	simm.s32 $0x108;
	_ =	swait.ge @!p0 [sflag:s8], $0x0  }
0x24: {  	s3 =	sadd.s32 $0x88, s3;
	s6 =	simm.s32 @!p1 $0x1082;
	[sflag:s4] =	ssyncset.s32 $0xFFFFF086  }
0x25: {  	[simem:s6], [sflag:s4] =	dma.local [hbm:s3], $0xF7A  }
0x26: {  	[smem:$0x3F99] =	sst s1;
	(tag) =	ssettag s2;
	_ =	strace s9  }
0x27: {  	s1 =	sld [smem:$0x3FA9]  }
0x28: {  	s2 =	sld [smem:$0x3FAA]  }
0x29: {  	s4 =	sld [smem:$0x3FAC]  }
0x2a: {  	p0 =	seq.s32 s5, $0x0;
	s5 =	sld [smem:$0x3FAD]  }
0x2b: {  	s6 =	sld [smem:$0x3FAE]  }
0x2c: {  	s7 =	sld [smem:$0x3FAF]  }
0x2d: {  	s3 =	simm.s32 $0x108;
	s8 =	sld [smem:$0x3FB0]  }
0x2e: {  	s3 =	simm.s32 @!p0 $0x1082;
	s9 =	sld [smem:$0x3FB1]  }
0x2f: {  	lr =	sadd.s32 s0, s3;
	s0 =	sld [smem:$0x3FA8]  }
0x30: {  	s3 =	sld [smem:$0x3FAB]  }
0x31: {  	[smem:$0x3FB4] =	sst s10  }
0x32: {  	s10 =	sld [smem:$0x3FB2];
	_ =	sdelay $0x3  }
0x33: {  	p0 =	seq.s32 s10, $0x1;
	s10 =	sld [smem:$0x3FB4];
	_ =	sdelay $0x3  }
0x34: {  	[smem:$0x3FB4] =	sst s10  }
0x35: {  	s10 =	sld [smem:$0x3FB3];
	_ =	sdelay $0x3  }
0x36: {  	p1 =	seq.s32 s10, $0x1;
	s10 =	sld [smem:$0x3FB4];
	_ =	sdelay $0x3  }
0x37: {  	[smem:$0x3FB4] =	sst s10  }
0x38: {  	s10 =	sld [smem:$0x3FB5]  }
0x39: {  	_ = 	snop;
	(pc) =	sbr.ind lr, $3  }
0x3a: {  	_ = 	snop  }
0x3b: {  	_ = 	snop  }
0x3c: {  	p2 =	seq.s32 s10, $0x1;
	s10 =	sld [smem:$0x3FB4]  }
0x3d: {  	_ =	shalt  }
0x3e: {  	_ =	shalt  }
0x3f: {  	_ =	shalt  }
0x40: {  	_ =	shalt  }
0x41: {  	_ =	shalt  }
0x42: {  	_ =	shalt  }
0x43: {  	_ =	shalt  }
0x44: {  	_ =	shalt  }
0x45: {  	_ =	shalt  }
0x46: {  	_ =	shalt  }
0x47: {  	_ =	shalt  }
0x48: {  	_ =	shalt  }
0x49: {  	_ =	shalt  }
0x4a: {  	_ =	shalt  }
0x4b: {  	_ =	shalt  }
0x4c: {  	_ =	shalt  }
0x4d: {  	_ =	shalt  }
0x4e: {  	_ =	shalt  }
0x4f: {  	_ =	shalt  }
0x50: {  	_ =	shalt  }
0x51: {  	_ =	shalt  }
0x52: {  	_ =	shalt  }
0x53: {  	_ =	shalt  }
0x54: {  	_ =	shalt  }
0x55: {  	_ =	shalt  }
0x56: {  	_ =	shalt  }
0x57: {  	_ =	shalt  }
0x58: {  	_ =	shalt  }
0x59: {  	_ =	shalt  }
0x5a: {  	_ =	shalt  }
0x5b: {  	_ =	shalt  }
0x5c: {  	_ =	shalt  }
0x5d: {  	_ =	shalt  }
0x5e: {  	_ =	shalt  }
0x5f: {  	_ =	shalt  }
0x60: {  	_ =	shalt  }
0x61: {  	_ =	shalt  }
0x62: {  	_ =	shalt  }
0x63: {  	_ =	shalt  }
0x64: {  	_ =	shalt  }
0x65: {  	_ =	shalt  }
0x66: {  	_ =	shalt  }
0x67: {  	_ =	shalt  }
0x68: {  	_ =	shalt  }
0x69: {  	_ =	shalt  }
0x6a: {  	_ =	shalt  }
0x6b: {  	_ =	shalt  }
0x6c: {  	_ =	shalt  }
0x6d: {  	_ =	shalt  }
0x6e: {  	_ =	shalt  }
0x6f: {  	_ =	shalt  }
0x70: {  	_ =	shalt  }
0x71: {  	_ =	shalt  }
0x72: {  	_ =	shalt  }
0x73: {  	_ =	shalt  }
0x74: {  	_ =	shalt  }
0x75: {  	_ =	shalt  }
0x76: {  	_ =	shalt  }
0x77: {  	_ =	shalt  }
0x78: {  	_ =	shalt  }
0x79: {  	_ =	shalt  }
0x7a: {  	_ =	shalt  }
0x7b: {  	_ =	shalt  }
0x7c: {  	_ =	shalt  }
0x7d: {  	_ =	shalt  }
0x7e: {  	_ =	shalt  }
0x7f: {  	_ =	shalt  }
0x80: {  	_ =	shalt  }
0x81: {  	_ =	shalt  }
0x82: {  	_ =	shalt  }
0x83: {  	_ =	shalt  }
0x84: {  	_ =	shalt  }
0x85: {  	_ =	shalt  }
0x86: {  	_ =	shalt  }
0x87: {  	_ =	shalt  }
.Lfunc_end0:
.L_simem_size_0:
called_computation.1_lowered:
.L_overlay_start_0:
0x88: {  	s2 =	sld [smem:$0x3FD9]  }
0x89: {  	s3 =	sld [smem:$0x3FFE];
	_ =	sdelay $0x1  }
0x8a: {  	s1 =	srdreg.scid  }
0x8b: {  	s0 =	sand.u32 $0x1, s1  }
0x8c: {  	s17 =	sshll.u32 s0, $0xA;
	s2 =	sadd.s32 s3, s2  }
0x8d: {  	s2 =	sadd.s32 s2, s17  }
0x8e: {  	[smem:$0x3FC0] =	sst s2  }
0x8f: {  	_ = 	snop  }
0x90: {  	s18 =	sld [smem:$0x3FD0];
	(tm) =	ssettm $0x1  }
0x91: {  	s19 =	sld [smem:$0x3FFB];
	_ =	sdelay $0x3  }
0x92: {  	_ =	strace s19  }
0x93: {  	s2 =	sld [smem:$0x3FFC];
	_ =	sdelay $0x3  }
0x94: {  	_ =	strace s2  }
0x95: {  	s2 =	sld [smem:$0x3FFD];
	_ =	sdelay $0x3  }
0x96: {  	_ =	strace s2  }
0x97: {  	_ =	strace $0x8FFFFFFF  }
0x98: {  	s20 =	sld [smem:$0x3FDB];
	_ =	sdelay $0x1  }
0x99: {  	s4 =	simm.s32 $_scs_section_size  }
0x9a: {  	s5 =	simm.s32 $_size__tile_overlayer_lowered;
	s6 =	simm.s32 $_tile_overlayer_lowered  }
0x9b: {  	s7 =	simm.s32 $0x1BFF;
	s21 =	sshll.u32 s6, $0x1;
	s4 =	sadd.s32 s4, s20  }
0x9c: {  	s22 =	simm.s32 $0x0;
	s5 =	sshll.u32 s5, $0x1;
	s6 =	sadd.s32 s21, s4  }
0x9d: {  	[timem:s22], [sflag:s7] =	dma.local [hbm:s6], s5  }
0x9e: {  	_ =	swait.ge [sflag:s7], s5  }
0x9f: {  	s5 =	ssub.s32 $0x0, s5;
	[sflag:s7] =	ssyncset.done $0x0  }
0xa0: {  	[sflag:s7] =	ssyncadd.s32 s5;
	_ =	sdelay $0x1  }
0xa1: {  	s23 =	simm.s32 $0x1B8B  }
0xa2: {  	_ =	swait.ge [sflag:s23], $0x1  }
0xa3: {  	[sflag:s23] =	ssyncset.done $0x0  }
0xa4: {  	[sflag:s23] =	ssyncadd.s32 $0xFFFFFFFF  }
0xa5: {  	s5 =	sld [smem:$0x0]  }
0xa6: {  	s6 =	sand.u32 $0xFFFFFFFE, s1  }
0xa7: {  	p0 =	sne.s32 s1, s6  }
0xa8: {  	s6 =	sshll.u32 @p0 s6, $0xE  }
0xa9: {  	s6 =	sadd.s32 @p0 $0x11B8D, s6;
	s7 =	sshll.u32 @p0 s5, $0x11  }
0xaa: {  	s6 =	sor.u32 @p0 s7, s6  }
0xab: {  	[sflag:s6] =	ssyncadd.remote.s32 @p0 $0x1;
	_ =	sdelay $0x1  }
0xac: {  	s6 =	simm.s32 @p0 $0x1B8D  }
0xad: {  	_ =	swait.eq @p0 [sflag:s6], $0x1  }
0xae: {  	[sflag:s6] =	ssyncadd.s32 @p0 $0xFFFFFFFF  }
0xaf: {  	s7 =	sshll.u32 @!p0 s1, $0xE  }
0xb0: {  	s7 =	sor.u32 @!p0 $0x4000, s7;
	s6 =	simm.s32 @!p0 $0x1B8D  }
0xb1: {  	s5 =	sshll.u32 @!p0 s5, $0x11;
	s7 =	sadd.s32 @!p0 $0x11B8D, s7;
	_ =	swait.eq @!p0 [sflag:s6], $0x1  }
0xb2: {  	s5 =	sor.u32 @!p0 s5, s7;
	[sflag:s6] =	ssyncadd.s32 @!p0 $0xFFFFFFFF  }
0xb3: {  	s25 =	simm.s32 $0x1B8E;
	s24 =	sld [smem:$0x3FFE];
	[sflag:s5] =	ssyncadd.remote.s32 @!p0 $0x1  }
0xb4: {  	s26 =	simm.s32 $execute0_lowered;
	[smem:$0x3FD2] =	sst s25  }
0xb5: {  	s6 =	sshll.u32 s26, $0x1;
	_ =	strace $0x80000049;
	[dreg:$0x1] =	wrdreg $0xFFFFFFFF  }
0xb6: {  	s28 =	simm.s32 $_size_execute0_lowered;
	s4 =	sadd.s32 s4, s6;
	[dreg:$0x0] =	wrdreg $0x0  }
0xb7: {  	s6 =	sshll.u32 s28, $0x1;
	[dreg:$0x2] =	wrdreg s4  }
0xb8: {  	[dreg:$0x3] =	wrdreg s6  }
0xb9: {  	[dreg:$0x4] =	wrdreg $0xC0  }
0xba: {  	_ =	task [dreg:s22], $0x5FFFF  }
0xbb: {  	[dreg:$0x1] =	wrdreg $0xFFFFFFFF  }
0xbc: {  	[dreg:$0x0] =	wrdreg $0x60  }
0xbd: {  	[dreg:$0x2] =	wrdreg s18  }
0xbe: {  	[dreg:$0x3] =	wrdreg s24  }
0xbf: {  	[dreg:$0x4] =	wrdreg $0x0  }
0xc0: {  	[dreg:$0x5] =	wrdreg $0xA  }
0xc1: {  	_ =	task.clear_ibuf [dreg:s22], $0x6FFFF;
	_ =	strace $0x90000049  }
0xc2: {  	s29 =	simm.s32 $0xA;
	_ =	strace $0x8000004B  }
0xc3: {  	_ =	swait.ge [sflag:s29], $0x1  }
0xc4: {  	[sflag:s29] =	ssyncadd.s32 $0xFFFFFFFF  }
0xc5: {  	_ =	strace $0x9000004B  }
0xc6: {  	_ =	sfence  }
0xc7: {  	s30 =	sld [smem:$0x0];
	_ =	sdelay $0x2  }
0xc8: {  	s31 =	sshll.u32 s1, $0xD;
	s1 =	sshrl.u32 s1, $0x2  }
0xc9: {  	s4 =	sand.u32 $0x4000, s31;
	s1 =	sadd.s32 s1, s30  }
0xca: {  	s0 =	sor.u32 s4, s0;
	s1 =	sshll.u32 s1, $0x11  }
0xcb: {  	s0 =	sor.u32 s1, s0  }
0xcc: {  	s0 =	sadd.s32 $0x8F2B, s0  }
0xcd: {  	[sflag:s0] =	ssyncadd.remote.s32 $0x1  }
0xce: {  	_ =	sfence.sel $0xFFFF  }
0xcf: {  	[dreg:$0x0] =	wrdreg $0xFFFFFFFF;
	(pc) =	sbr.abs _section_cstart, $3  }
0xd0: {  	[dreg:$0x1] =	wrdreg $0xFFFFFFFF  }
0xd1: {  	_ =	task.clear_ibuf [dreg:s22], $0x2FFFF;
	_ =	strace $0x9FFFFFFF  }
0xd2: {  	(tm) =	ssettm $0x7FFFFFFF  }
0xd3: {  	_ =	shalt  }
tec
execute0_lowered:
.L_overlay_start_1:
0x0: {  	(tag) =	ssettag $0x1  }
0x1: {  	s1 =	rddreg [dreg:$0x0]  }
0x2: {  	s7 =	rddreg [dreg:$0x1]  }
0x3: {  	s0 =	srdreg.scid;
	s3 =	rddreg [dreg:$0x2]  }
0x4: {  	s4 =	simm.s32 $0x0;
	s15 =	simm.s32 $0x16000;
	s16 =	simm.s32 $0x50  }
0x5: {  	s17 =	simm.s32 $0x1;
	s18 =	simm.s32 $0x138D0;
	s19 =	simm.s32 $0x1C800  }
0x6: {  	s20 =	simm.s32 $0x2;
	s21 =	simm.s32 $0x3;
	s22 =	simm.s32 $0x4  }
0x7: {  	s23 =	simm.s32 $0x19D80;
	s24 =	simm.s32 $0x15F40;
	s25 =	simm.s32 $0x19E00  }
0x8: {  	s26 =	simm.s32 $0x0;
	s6 =	sand.u32 $0x1, s0;
	s0 =	stileid.u32  }
0x9: {  	[smem:$0x7FF] =	sst s4;
	s2 =	sshll.u32 s6, $0x4;
	s9 =	smul.u32 $0x138800, s6  }
0xa: {  	s10 =	smul.u32 $0x2800, s0;
	s6 =	ssub.s32 $0x2, s6;
	s12 =	ssub.s32 $0x8C, s0  }
0xb: {  	s13 =	smul.u32 $0xA000, s0;
	s5 =	sor.u32 s0, s2;
	s2 =	rddreg [dreg:$0x3]  }
0xc: {  	_ =	strace $0x8000004A;
	s29 =	sshrl.u32 s6, $0x1;
	s8 =	smul.u32 $0x4E2, s5  }
0xd: {  	s5 =	sshll.u32 s5, $0xB;
	s9 =	sadd.s32 s10, s9;
	s30 =	ssub.s32 s6, s29  }
0xe: {  	s6 =	sshrl.u32 s12, $0x4;
	s31 =	sshrl.u32 s13, $0x2;
	s12 =	simm.s32 $0x1A000  }
0xf: {  	s13 =	simm.s32 $0x5;
	s11 =	sadd.s32 s5, s7;
	s5 =	sadd.s32 $0x30600, s7  }
0x10: {  	s9 =	sshrl.u32 s9, $0x3;
	s10 =	sadd.s32 s31, s3;
	s8 =	sadd.s32 s8, s7  }
0x11: {  	s14 =	sadd.s32 s9, s7;
	s9 =	smax.u32 s30, $0x1;
	s7 =	sadd.s32 $0xCA00, s8  }
0x12: {  	s8 =	sadd.s32 $0x20600, s11;
	s11 =	sadd.s32 $0x30C00, s14;
	s14 =	simm.s32 $0x13880  }
.LBB2_1:
0x13: {  	[tilespmem:s12], [sflag:$0x5] =	stream.linear.gather [hbm4b:s5+s4], $0x2800, $0x38;
	[tilespmem:$0x1F000] =	vst v63  }
0x14: {  	p0 =	sne.s32 s6, $0x1;
	_ =	swait.ge [sflag:s13], $0x2800  }
.Ltmp0:
0x15: {  	[sflag:s13] =	ssyncset.done $0x0;
	(pc) =	sbr.rel @!p0 .LBB2_3-.Ltmp0, $4  }
0x16: {  	[sflag:s13] =	ssyncadd.s32 $0xFFFFD800  }
0x17: {  	[spmem:s10] =	stream.linear.scatter [tilespmem:s12], [sflag:$0x5], $0x2800, $0x38;
	[tilespmem:$0x1F000] =	vst v63  }
0x18: {  	_ =	swait.ge [sflag:s13], $0x2800  }
0x19: {  	s28 =	sadd.s32 $0xFFFFFFFF, s6;
	s29 =	smov.u32 s10;
	[sflag:s13] =	ssyncset.done $0x0  }
.LBB2_2:
0x1a: {  	p1 =	sne.s32 s28, $0x1;
	[sflag:s13] =	ssyncadd.s32 $0xFFFFD800;
	s29 =	sadd.s32 $0x28000, s29  }
.Ltmp1:
0x1b: {  	s28 =	sadd.s32 $0xFFFFFFFF, s28;
	(pc) =	sbr.rel @p1 .LBB2_2-.Ltmp1, $4  }
0x1c: {  	_ = 	snop  }
0x1d: {  	[spmem:s29] =	stream.linear.scatter [tilespmem:s12], [sflag:$0x5], $0x2800, $0x38;
	[tilespmem:$0x1F000] =	vst v63  }
0x1e: {  	_ =	swait.ge [sflag:s13], $0x2800  }
0x1f: {  	[sflag:s13] =	ssyncset.done $0x0  }
.LBB2_3:
0x20: {  	[sflag:s13] =	ssyncadd.s32 $0xFFFFD800  }
0x21: {  	[bflag:$0x0] =	sbarrier.arrive $0xFFFF  }
0x22: {  	[tilespmem:s14], [sflag:$0x5] =	stream.linear.gather [hbm4b:s7+s4], $0x2710, $0x38;
	[tilespmem:$0x1F000] =	vst v63  }
0x23: {  	_ =	swait.ge [sflag:s13], $0x2710  }
0x24: {  	[sflag:s13] =	ssyncset.done $0x0  }
0x25: {  	[sflag:s13] =	ssyncadd.s32 $0xFFFFD8F0  }
0x26: {  	[tilespmem:s15], [sflag:$0x5] =	stream.linear.gather [hbm4b:s8+s4], $0x3E80, $0x38;
	[tilespmem:$0x1F000] =	vst v63  }
0x27: {  	_ =	swait.ge [sflag:s13], $0x3E80  }
0x28: {  	[sflag:s13] =	ssyncset.done $0x0  }
0x29: {  	[sflag:s13] =	ssyncadd.s32 $0xFFFFC180  }
0x2a: {  	[tilespmem:s12], [sflag:$0x1] =	stream.indirect.gather [hbm4b:s1+s16], $0x80, s14, s16, $0xb8;
	[tilespmem:$0x1F000] =	vst v63  }
0x2b: {  	_ =	swait.ge [sflag:s17], $0x2800  }
0x2c: {  	[sflag:s17] =	ssyncset.done $0x0  }
0x2d: {  	[sflag:s17] =	ssyncadd.s32 $0xFFFFD800  }
0x2e: {  	[spmem:s3] =	stream.indirect.scatter.add.f32 [tilespmem:s12], [sflag:$0x3], $0x80, s15, s16, $0xb8;
	[tilespmem:$0x1F000] =	vst v63  }
0x2f: {  	_ = 	snop  }
0x30: {  	[tilespmem:s19], [sflag:$0x2] =	stream.indirect.gather [hbm4b:s1+s16], $0x80, s18, s16, $0xb8;
	[tilespmem:$0x1F000] =	vst v63  }
0x31: {  	_ =	swait.ge [sflag:s20], $0x2800  }
0x32: {  	[sflag:s20] =	ssyncset.done $0x0  }
0x33: {  	s28 =	simm.s32 $0x16080;
	[sflag:s20] =	ssyncadd.s32 $0xFFFFD800  }
0x34: {  	[spmem:s3] =	stream.indirect.scatter.add.f32 [tilespmem:s19], [sflag:$0x4], $0x80, s28, s16, $0xb8;
	[tilespmem:$0x1F000] =	vst v63  }
0x35: {  	_ =	swait.ge [sflag:s21], $0x2800  }
0x36: {  	[sflag:s21] =	ssyncset.done $0x0  }
0x37: {  	s28 =	simm.s32 $0x13920;
	[sflag:s21] =	ssyncadd.s32 $0xFFFFD800  }
0x38: {  	[tilespmem:s12], [sflag:$0x1] =	stream.indirect.gather [hbm4b:s1+s16], $0x80, s28, s16, $0xb8;
	[tilespmem:$0x1F000] =	vst v63  }
0x39: {  	_ =	swait.ge [sflag:s17], $0x2800  }
0x3a: {  	[sflag:s17] =	ssyncset.done $0x0  }
0x3b: {  	s28 =	simm.s32 $0x16100;
	[sflag:s17] =	ssyncadd.s32 $0xFFFFD800  }
0x3c: {  	[spmem:s3] =	stream.indirect.scatter.add.f32 [tilespmem:s12], [sflag:$0x3], $0x80, s28, s16, $0xb8;
	[tilespmem:$0x1F000] =	vst v63  }
0x3d: {  	_ =	swait.ge [sflag:s22], $0x2800  }
0x3e: {  	s30 =	simm.s32 $0x13970;
	[sflag:s22] =	ssyncset.done $0x0  }
0x3f: {  	s29 =	simm.s32 $0x16180;
	s28 =	simm.s32 $0xFFFF6A00;
	[sflag:s22] =	ssyncadd.s32 $0xFFFFD800  }
.LBB2_4:
0x40: {  	[tilespmem:s19], [sflag:$0x2] =	stream.indirect.gather [hbm4b:s1+s16], $0x80, s30, s16, $0xb8;
	[tilespmem:$0x1F000] =	vst v63  }
0x41: {  	s30 =	smov.u32 s28  }
0x42: {  	p1 =	sne.s32 s28, $0xFFFFFD80;
	s28 =	sadd.s32 $0x280, s28;
	_ =	swait.ge [sflag:s20], $0x2800  }
0x43: {  	[sflag:s20] =	ssyncset.done $0x0  }
0x44: {  	[sflag:s20] =	ssyncadd.s32 $0xFFFFD800  }
0x45: {  	[spmem:s3] =	stream.indirect.scatter.add.f32 [tilespmem:s19], [sflag:$0x4], $0x80, s29, s16, $0xb8;
	[tilespmem:$0x1F000] =	vst v63  }
0x46: {  	_ =	swait.ge [sflag:s21], $0x2800  }
0x47: {  	s30 =	sshra.s32 s30, $0x2;
	[sflag:s21] =	ssyncset.done $0x0  }
0x48: {  	s31 =	sadd.s32 $0x15F40, s30;
	[sflag:s21] =	ssyncadd.s32 $0xFFFFD800  }
0x49: {  	[tilespmem:s12], [sflag:$0x1] =	stream.indirect.gather [hbm4b:s1+s16], $0x80, s31, s16, $0xb8;
	[tilespmem:$0x1F000] =	vst v63  }
0x4a: {  	_ =	swait.ge [sflag:s17], $0x2800  }
0x4b: {  	[sflag:s17] =	ssyncset.done $0x0  }
.Ltmp2:
0x4c: {  	s31 =	sadd.s32 $0x80, s29;
	[sflag:s17] =	ssyncadd.s32 $0xFFFFD800;
	(pc) =	sbr.rel @p1 .LBB2_4-.Ltmp2, $4  }
0x4d: {  	[spmem:s3] =	stream.indirect.scatter.add.f32 [tilespmem:s12], [sflag:$0x3], $0x80, s31, s16, $0xb8;
	[tilespmem:$0x1F000] =	vst v63  }
0x4e: {  	_ =	swait.ge [sflag:s22], $0x2800  }
0x4f: {  	[sflag:s22] =	ssyncset.done $0x0  }
0x50: {  	s30 =	sadd.s32 $0x15F90, s30;
	s29 =	sadd.s32 $0x100, s29;
	[sflag:s22] =	ssyncadd.s32 $0xFFFFD800  }
0x51: {  	[tilespmem:s19], [sflag:$0x2] =	stream.indirect.gather [hbm4b:s1+s16], $0x80, s30, s16, $0xb8;
	[tilespmem:$0x1F000] =	vst v63  }
0x52: {  	_ =	swait.ge [sflag:s20], $0x2800  }
0x53: {  	[sflag:s20] =	ssyncset.done $0x0  }
0x54: {  	[sflag:s20] =	ssyncadd.s32 $0xFFFFD800  }
0x55: {  	[spmem:s3] =	stream.indirect.scatter.add.f32 [tilespmem:s19], [sflag:$0x4], $0x80, s23, s16, $0xb8;
	[tilespmem:$0x1F000] =	vst v63  }
0x56: {  	_ =	swait.ge [sflag:s21], $0x2800  }
0x57: {  	[sflag:s21] =	ssyncset.done $0x0  }
0x58: {  	[sflag:s21] =	ssyncadd.s32 $0xFFFFD800  }
0x59: {  	[tilespmem:s12], [sflag:$0x1] =	stream.indirect.gather [hbm4b:s1+s16], $0x80, s24, s16, $0xb8;
	[tilespmem:$0x1F000] =	vst v63  }
0x5a: {  	_ =	swait.ge [sflag:s17], $0x2800  }
0x5b: {  	[sflag:s17] =	ssyncset.done $0x0  }
0x5c: {  	[sflag:s17] =	ssyncadd.s32 $0xFFFFD800  }
0x5d: {  	[spmem:s3] =	stream.indirect.scatter.add.f32 [tilespmem:s12], [sflag:$0x3], $0x80, s25, s16, $0xb8;
	[tilespmem:$0x1F000] =	vst v63  }
0x5e: {  	_ =	swait.ge [sflag:s22], $0x2800  }
0x5f: {  	[sflag:s22] =	ssyncset.done $0x0  }
0x60: {  	[sflag:s22] =	ssyncadd.s32 $0xFFFFD800  }
0x61: {  	_ =	swait.ge [sflag:s21], $0x2800  }
0x62: {  	[sflag:s21] =	ssyncset.done $0x0  }
0x63: {  	[sflag:s21] =	ssyncadd.s32 $0xFFFFD800  }
0x64: {  	[bflag:$0x0] =	sbarrier.arrive $0xFFFF  }
0x65: {  	[tilespmem:s12], [sflag:$0x5] =	stream.linear.gather [spmem:s10], $0x2800, $0x38;
	[tilespmem:$0x1F000] =	vst v63  }
0x66: {  	_ =	swait.ge [sflag:s13], $0x2800  }
.Ltmp3:
0x67: {  	[sflag:s13] =	ssyncset.done $0x0;
	(pc) =	sbr.rel @!p0 .LBB2_7-.Ltmp3, $4  }
0x68: {  	[sflag:s13] =	ssyncadd.s32 $0xFFFFD800  }
0x69: {  	[hbm4b:s11+s4] =	stream.linear.scatter [tilespmem:s12], [sflag:$0x5], $0x2800, $0x38;
	[tilespmem:$0x1F000] =	vst v63  }
0x6a: {  	s28 =	sadd.s32 $0xFFFFFFFF, s6;
	_ =	swait.ge [sflag:s13], $0x2800  }
0x6b: {  	s29 =	smov.u32 s10;
	s30 =	smov.u32 s11;
	[sflag:s13] =	ssyncset.done $0x0  }
.LBB2_6:
0x6c: {  	[sflag:s13] =	ssyncadd.s32 $0xFFFFD800;
	s29 =	sadd.s32 $0x28000, s29;
	s30 =	sadd.s32 $0x5000, s30  }
0x6d: {  	[tilespmem:s12], [sflag:$0x5] =	stream.linear.gather [spmem:s29], $0x2800, $0x38;
	[tilespmem:$0x1F000] =	vst v63  }
0x6e: {  	p0 =	sne.s32 s28, $0x1;
	s28 =	sadd.s32 $0xFFFFFFFF, s28;
	_ =	swait.ge [sflag:s13], $0x2800  }
.Ltmp4:
0x6f: {  	[sflag:s13] =	ssyncset.done $0x0;
	(pc) =	sbr.rel @p0 .LBB2_6-.Ltmp4, $4  }
0x70: {  	[sflag:s13] =	ssyncadd.s32 $0xFFFFD800  }
0x71: {  	[hbm4b:s30+s4] =	stream.linear.scatter [tilespmem:s12], [sflag:$0x5], $0x2800, $0x38;
	[tilespmem:$0x1F000] =	vst v63  }
0x72: {  	_ =	swait.ge [sflag:s13], $0x2800  }
0x73: {  	[sflag:s13] =	ssyncset.done $0x0  }
.LBB2_7:
0x74: {  	s26 =	sadd.s32 $0x1, s26  }
0x75: {  	p0 =	sne.s32 s26, s9  }
.Ltmp5:
0x76: {  	_ = 	snop;
	(pc) =	sbr.rel @p0 .LBB2_1-.Ltmp5, $2  }
0x77: {  	_ =	sdelay $0x2  }
0x78: {  	[sflag:s13] =	ssyncadd.s32 $0xFFFFD800  }
0x79: {  	_ =	sfence.sel $0x180000  }
0x7a: {  	[bflag:$0x0] =	sbarrier.arrive $0xFFFF  }
0x7b: {  	p0 =	sne.s32 s0, $0x0;
	_ =	strace $0x9000004A  }
0x7c: {  	s0 =	sadd.s32 @!p0 $0x100000, s2;
	[bflag:$0x2] =	sbarrier.arrive $0xFFFF  }
0x7d: {  	[sflag:s0] =	ssyncadd.tile.s32 @!p0 $0x1;
	_ =	shalt  }
.Lfunc_end2:
_tile_overlayer_lowered:
.L_overlay_start_2:
0x7e: {  	(tag) =	ssettag $0x2  }
0x7f: {  	s0 =	rddreg [dreg:$0x0];
	s2 =	stileid.u32  }
0x80: {  	s1 =	rddreg [dreg:$0x1];
	p0 =	sne.s32 s2, $0x0  }
0x81: {  	s3 =	rddreg [dreg:$0x2];
	[bflag:$0x3] =	sbarrier.arrive $0xFFFF;
	s2 =	simm.s32 @!p0 $0x1C05  }
0x82: {  	[timem:s3], [sflag:s2] =	dma.local @!p0 [hbm:s0], s1  }
0x83: {  	s0 =	simm.s32 @!p0 $0x5  }
0x84: {  	_ =	swait.ge @!p0 [sflag:s0], s1  }
0x85: {  	s1 =	ssub.s32 @!p0 $0x0, s1;
	[sflag:s0] =	ssyncset.done @!p0 $0x0  }
0x86: {  	[sflag:s0] =	ssyncadd.s32 @!p0 s1  }
0x87: {  	[bflag:$0x3] =	sbarrier.arrive $0xFFFF  }
0x88: {  	_ =	shalt  }

// kernel: sc_aggr.8.cloned.1.call-start
scs
__scs_entry_jumppad:
0x0: {  	(pc) =	sbr.rel $0x88, $3  }
0x1: {  	(tag) =	ssettag $0x0;
	lr =	simm.s32 $0x1  }
0x2: {  	[smem:$0x3F99] =	sst lr;
	_ =	strace $0xD0000000  }
0x3: {  	_ = 	snop  }
0x4: {  	_ = 	snop  }
0x5: {  	_ = 	snop  }
0x6: {  	_ = 	snop  }
0x7: {  	_ = 	snop  }
__scs_overlays_trampoline_lowered:
0x8: {  	[smem:$0x3FA8] =	sst s0  }
0x9: {  	[smem:$0x3FA9] =	sst s1  }
0xa: {  	[smem:$0x3FAA] =	sst s2  }
0xb: {  	[smem:$0x3FAB] =	sst s3  }
0xc: {  	[smem:$0x3FAC] =	sst s4  }
0xd: {  	[smem:$0x3FAD] =	sst s5  }
0xe: {  	[smem:$0x3FAE] =	sst s6  }
0xf: {  	[smem:$0x3FAF] =	sst s7  }
0x10: {  	[smem:$0x3FB0] =	sst s8  }
0x11: {  	[smem:$0x3FB1] =	sst s9;
	s0 =	simm.s32 @!p0 $0x0  }
0x12: {  	s1 =	sld [smem:$0x3F97];
	s0 =	simm.s32 @p0 $0x1  }
0x13: {  	[smem:$0x3FB2] =	sst s0;
	s0 =	simm.s32 @!p1 $0x0  }
0x14: {  	s2 =	sld [smem:$0x3F96];
	s0 =	simm.s32 @p1 $0x1  }
0x15: {  	[smem:$0x3FB3] =	sst s0;
	s0 =	simm.s32 @!p2 $0x0  }
0x16: {  	s3 =	sld [smem:$0x3FDB];
	s0 =	simm.s32 @p2 $0x1  }
0x17: {  	s4 =	simm.s32 $0x1BF5;
	[smem:$0x3FB5] =	sst s0  }
0x18: {  	s0 =	sld [smem:$0x3F98];
	_ =	swait.ge [sflag:s4], $0x0  }
0x19: {  	s7 =	sld [smem:$0x3F99]  }
0x1a: {  	s8 =	sadd.s32 $0xFFFFE003, lr  }
0x1b: {  	s9 =	sadd.s32 $0xFFFFFEF7, lr;
	s5 =	simm.s32 $0xFFFFFFFF;
	p2 =	slt.u32 s8, $0xFFFFF086  }
0x1c: {  	p1 =	slt.u32 s9, $0xF7A;
	s5 =	simm.s32 @!p2 $0x0  }
0x1d: {  	s5 =	simm.s32 @p1 $0x1;
	p0 =	seq.s32 s7, s2  }
0x1e: {  	s7 =	smul.u32 @!p0 $0xF7A, s2;
	p2 =	seq.s32 @!p0 s5, $0x0  }
0x1f: {  	s9 =	smul.u32 $0xF7A, s1;
	s8 =	simm.s32 @!p0 $0x1BF5;
	p2 =	por !p2, p0  }
0x20: {  	[sflag:s8] =	ssyncset.s32 @!p0 $0xFFFFF086;
	s6 =	sadd.s32 @!p0 s3, s7;
	s7 =	simm.s32 @!p0 $0x108  }
0x21: {  	s3 =	sadd.s32 s3, s9;
	s6 =	sadd.s32 @!p0 $0x88, s6;
	s7 =	simm.s32 @p2 $0x1082  }
0x22: {  	[simem:s7], [sflag:s8] =	dma.local @!p0 [hbm:s6], $0xF7A  }
0x23: {  	s9 =	sor.u32 $0xD0000000, s2;
	s6 =	simm.s32 $0x108;
	_ =	swait.ge @!p0 [sflag:s8], $0x0  }
0x24: {  	s3 =	sadd.s32 $0x88, s3;
	s6 =	simm.s32 @!p1 $0x1082;
	[sflag:s4] =	ssyncset.s32 $0xFFFFF086  }
0x25: {  	[simem:s6], [sflag:s4] =	dma.local [hbm:s3], $0xF7A  }
0x26: {  	[smem:$0x3F99] =	sst s1;
	(tag) =	ssettag s2;
	_ =	strace s9  }
0x27: {  	s1 =	sld [smem:$0x3FA9]  }
0x28: {  	s2 =	sld [smem:$0x3FAA]  }
0x29: {  	s4 =	sld [smem:$0x3FAC]  }
0x2a: {  	p0 =	seq.s32 s5, $0x0;
	s5 =	sld [smem:$0x3FAD]  }
0x2b: {  	s6 =	sld [smem:$0x3FAE]  }
0x2c: {  	s7 =	sld [smem:$0x3FAF]  }
0x2d: {  	s3 =	simm.s32 $0x108;
	s8 =	sld [smem:$0x3FB0]  }
0x2e: {  	s3 =	simm.s32 @!p0 $0x1082;
	s9 =	sld [smem:$0x3FB1]  }
0x2f: {  	lr =	sadd.s32 s0, s3;
	s0 =	sld [smem:$0x3FA8]  }
0x30: {  	s3 =	sld [smem:$0x3FAB]  }
0x31: {  	[smem:$0x3FB4] =	sst s10  }
0x32: {  	s10 =	sld [smem:$0x3FB2];
	_ =	sdelay $0x3  }
0x33: {  	p0 =	seq.s32 s10, $0x1;
	s10 =	sld [smem:$0x3FB4];
	_ =	sdelay $0x3  }
0x34: {  	[smem:$0x3FB4] =	sst s10  }
0x35: {  	s10 =	sld [smem:$0x3FB3];
	_ =	sdelay $0x3  }
0x36: {  	p1 =	seq.s32 s10, $0x1;
	s10 =	sld [smem:$0x3FB4];
	_ =	sdelay $0x3  }
0x37: {  	[smem:$0x3FB4] =	sst s10  }
0x38: {  	s10 =	sld [smem:$0x3FB5]  }
0x39: {  	_ = 	snop;
	(pc) =	sbr.ind lr, $3  }
0x3a: {  	_ = 	snop  }
0x3b: {  	_ = 	snop  }
0x3c: {  	p2 =	seq.s32 s10, $0x1;
	s10 =	sld [smem:$0x3FB4]  }
0x3d: {  	_ =	shalt  }
0x3e: {  	_ =	shalt  }
0x3f: {  	_ =	shalt  }
0x40: {  	_ =	shalt  }
0x41: {  	_ =	shalt  }
0x42: {  	_ =	shalt  }
0x43: {  	_ =	shalt  }
0x44: {  	_ =	shalt  }
0x45: {  	_ =	shalt  }
0x46: {  	_ =	shalt  }
0x47: {  	_ =	shalt  }
0x48: {  	_ =	shalt  }
0x49: {  	_ =	shalt  }
0x4a: {  	_ =	shalt  }
0x4b: {  	_ =	shalt  }
0x4c: {  	_ =	shalt  }
0x4d: {  	_ =	shalt  }
0x4e: {  	_ =	shalt  }
0x4f: {  	_ =	shalt  }
0x50: {  	_ =	shalt  }
0x51: {  	_ =	shalt  }
0x52: {  	_ =	shalt  }
0x53: {  	_ =	shalt  }
0x54: {  	_ =	shalt  }
0x55: {  	_ =	shalt  }
0x56: {  	_ =	shalt  }
0x57: {  	_ =	shalt  }
0x58: {  	_ =	shalt  }
0x59: {  	_ =	shalt  }
0x5a: {  	_ =	shalt  }
0x5b: {  	_ =	shalt  }
0x5c: {  	_ =	shalt  }
0x5d: {  	_ =	shalt  }
0x5e: {  	_ =	shalt  }
0x5f: {  	_ =	shalt  }
0x60: {  	_ =	shalt  }
0x61: {  	_ =	shalt  }
0x62: {  	_ =	shalt  }
0x63: {  	_ =	shalt  }
0x64: {  	_ =	shalt  }
0x65: {  	_ =	shalt  }
0x66: {  	_ =	shalt  }
0x67: {  	_ =	shalt  }
0x68: {  	_ =	shalt  }
0x69: {  	_ =	shalt  }
0x6a: {  	_ =	shalt  }
0x6b: {  	_ =	shalt  }
0x6c: {  	_ =	shalt  }
0x6d: {  	_ =	shalt  }
0x6e: {  	_ =	shalt  }
0x6f: {  	_ =	shalt  }
0x70: {  	_ =	shalt  }
0x71: {  	_ =	shalt  }
0x72: {  	_ =	shalt  }
0x73: {  	_ =	shalt  }
0x74: {  	_ =	shalt  }
0x75: {  	_ =	shalt  }
0x76: {  	_ =	shalt  }
0x77: {  	_ =	shalt  }
0x78: {  	_ =	shalt  }
0x79: {  	_ =	shalt  }
0x7a: {  	_ =	shalt  }
0x7b: {  	_ =	shalt  }
0x7c: {  	_ =	shalt  }
0x7d: {  	_ =	shalt  }
0x7e: {  	_ =	shalt  }
0x7f: {  	_ =	shalt  }
0x80: {  	_ =	shalt  }
0x81: {  	_ =	shalt  }
0x82: {  	_ =	shalt  }
0x83: {  	_ =	shalt  }
0x84: {  	_ =	shalt  }
0x85: {  	_ =	shalt  }
0x86: {  	_ =	shalt  }
0x87: {  	_ =	shalt  }
.Lfunc_end0:
.L_simem_size_0:
called_computation.2_lowered:
.L_overlay_start_0:
0x88: {  	s2 =	sld [smem:$0x3FD9]  }
0x89: {  	s3 =	sld [smem:$0x3FFE];
	_ =	sdelay $0x1  }
0x8a: {  	s1 =	srdreg.scid  }
0x8b: {  	s0 =	sand.u32 $0x1, s1  }
0x8c: {  	s17 =	sshll.u32 s0, $0xA;
	s2 =	sadd.s32 s3, s2  }
0x8d: {  	s2 =	sadd.s32 s2, s17  }
0x8e: {  	[smem:$0x3FC0] =	sst s2  }
0x8f: {  	_ = 	snop  }
0x90: {  	s2 =	sld [smem:$0x3FD0];
	(tm) =	ssettm $0x1  }
0x91: {  	s18 =	sld [smem:$0x3FFB];
	_ =	sdelay $0x3  }
0x92: {  	_ =	strace s18  }
0x93: {  	s3 =	sld [smem:$0x3FFC];
	_ =	sdelay $0x3  }
0x94: {  	_ =	strace s3  }
0x95: {  	s3 =	sld [smem:$0x3FFD];
	_ =	sdelay $0x3  }
0x96: {  	_ =	strace s3  }
0x97: {  	_ =	strace $0x8FFFFFFF  }
0x98: {  	s19 =	sld [smem:$0x3FDB];
	_ =	sdelay $0x1  }
0x99: {  	s4 =	simm.s32 $_scs_section_size  }
0x9a: {  	s5 =	simm.s32 $_size__tile_overlayer_lowered;
	s6 =	simm.s32 $_tile_overlayer_lowered  }
0x9b: {  	s22 =	simm.s32 $0x1BFF;
	s21 =	sshll.u32 s6, $0x1;
	s3 =	sadd.s32 s4, s19  }
0x9c: {  	s7 =	simm.s32 $0x0;
	s20 =	sshll.u32 s5, $0x1;
	s5 =	sadd.s32 s21, s3  }
0x9d: {  	[timem:s7], [sflag:s22] =	dma.local [hbm:s5], s20  }
0x9e: {  	_ =	swait.ge [sflag:s22], s20  }
0x9f: {  	s4 =	ssub.s32 $0x0, s20;
	[sflag:s22] =	ssyncset.done $0x0  }
0xa0: {  	[sflag:s22] =	ssyncadd.s32 s4;
	_ =	sdelay $0x1  }
0xa1: {  	s23 =	simm.s32 $0x1B8B  }
0xa2: {  	_ =	swait.ge [sflag:s23], $0x1  }
0xa3: {  	[sflag:s23] =	ssyncset.done $0x0  }
0xa4: {  	s25 =	simm.s32 $0x1B8E;
	s24 =	sld [smem:$0x3FFE];
	[sflag:s23] =	ssyncadd.s32 $0xFFFFFFFF  }
0xa5: {  	s26 =	simm.s32 $execute0_lowered;
	[smem:$0x3FD2] =	sst s25  }
0xa6: {  	s5 =	sshll.u32 s26, $0x1;
	_ =	strace $0x8000004C;
	[dreg:$0x1] =	wrdreg $0xFFFFFFFF  }
0xa7: {  	s28 =	simm.s32 $_size_execute0_lowered;
	s3 =	sadd.s32 s3, s5;
	[dreg:$0x0] =	wrdreg $0x0  }
0xa8: {  	s5 =	sshll.u32 s28, $0x1;
	[dreg:$0x2] =	wrdreg s3  }
0xa9: {  	[dreg:$0x3] =	wrdreg s5  }
0xaa: {  	[dreg:$0x4] =	wrdreg $0xC0  }
0xab: {  	_ =	task [dreg:s7], $0x5FFFF  }
0xac: {  	[dreg:$0x1] =	wrdreg $0xFFFFFFFF  }
0xad: {  	[dreg:$0x0] =	wrdreg $0x60  }
0xae: {  	[dreg:$0x2] =	wrdreg s2  }
0xaf: {  	[dreg:$0x3] =	wrdreg s24  }
0xb0: {  	[dreg:$0x4] =	wrdreg $0x0  }
0xb1: {  	[dreg:$0x5] =	wrdreg $0x9  }
0xb2: {  	_ =	task.clear_ibuf [dreg:s7], $0x6FFFF;
	_ =	strace $0x9000004C  }
0xb3: {  	s29 =	simm.s32 $0x9;
	_ =	strace $0x8000004E  }
0xb4: {  	_ =	swait.ge [sflag:s29], $0x1  }
0xb5: {  	[sflag:s29] =	ssyncadd.s32 $0xFFFFFFFF  }
0xb6: {  	_ =	strace $0x9000004E  }
0xb7: {  	_ =	sfence  }
0xb8: {  	s30 =	sld [smem:$0x0];
	_ =	sdelay $0x2  }
0xb9: {  	s31 =	sshll.u32 s1, $0xD;
	s1 =	sshrl.u32 s1, $0x2  }
0xba: {  	s3 =	sand.u32 $0x4000, s31;
	s1 =	sadd.s32 s1, s30  }
0xbb: {  	s0 =	sor.u32 s3, s0;
	s1 =	sshll.u32 s1, $0x11  }
0xbc: {  	s0 =	sor.u32 s1, s0  }
0xbd: {  	s0 =	sadd.s32 $0x8F2B, s0  }
0xbe: {  	[sflag:s0] =	ssyncadd.remote.s32 $0x1  }
0xbf: {  	_ =	sfence.sel $0xFFFF  }
0xc0: {  	[dreg:$0x0] =	wrdreg $0xFFFFFFFF;
	(pc) =	sbr.abs _section_cstart, $3  }
0xc1: {  	[dreg:$0x1] =	wrdreg $0xFFFFFFFF  }
0xc2: {  	_ =	task.clear_ibuf [dreg:s7], $0x2FFFF;
	_ =	strace $0x9FFFFFFF  }
0xc3: {  	(tm) =	ssettm $0x7FFFFFFF  }
tec
execute0_lowered:
.L_overlay_start_1:
0x0: {  	(tag) =	ssettag $0x1  }
0x1: {  	s1 =	rddreg [dreg:$0x0]  }
0x2: {  	s7 =	rddreg [dreg:$0x1]  }
0x3: {  	s0 =	srdreg.scid;
	s3 =	rddreg [dreg:$0x2]  }
0x4: {  	s4 =	simm.s32 $0x0;
	s15 =	simm.s32 $0x16000;
	s16 =	simm.s32 $0x50  }
0x5: {  	s17 =	simm.s32 $0x1;
	s18 =	simm.s32 $0x138D0;
	s19 =	simm.s32 $0x1C800  }
0x6: {  	s20 =	simm.s32 $0x2;
	s21 =	simm.s32 $0x3;
	s22 =	simm.s32 $0x4  }
0x7: {  	s23 =	simm.s32 $0x19D80;
	s24 =	simm.s32 $0x15F40;
	s25 =	simm.s32 $0x19E00  }
0x8: {  	s26 =	simm.s32 $0x0;
	s6 =	sand.u32 $0x1, s0;
	s0 =	stileid.u32  }
0x9: {  	[smem:$0x7FF] =	sst s4;
	s2 =	sshll.u32 s6, $0x4;
	s9 =	smul.u32 $0x138800, s6  }
0xa: {  	s10 =	smul.u32 $0x2800, s0;
	s6 =	ssub.s32 $0x2, s6;
	s12 =	ssub.s32 $0x8C, s0  }
0xb: {  	s13 =	smul.u32 $0xA000, s0;
	s5 =	sor.u32 s0, s2;
	s2 =	rddreg [dreg:$0x3]  }
0xc: {  	_ =	strace $0x8000004D;
	s29 =	sshrl.u32 s6, $0x1;
	s8 =	smul.u32 $0x4E2, s5  }
0xd: {  	s5 =	sshll.u32 s5, $0xB;
	s9 =	sadd.s32 s10, s9;
	s30 =	ssub.s32 s6, s29  }
0xe: {  	s6 =	sshrl.u32 s12, $0x4;
	s31 =	sshrl.u32 s13, $0x2;
	s12 =	simm.s32 $0x1A000  }
0xf: {  	s13 =	simm.s32 $0x5;
	s11 =	sadd.s32 s5, s7;
	s5 =	sadd.s32 $0x30600, s7  }
0x10: {  	s9 =	sshrl.u32 s9, $0x3;
	s10 =	sadd.s32 s31, s3;
	s8 =	sadd.s32 s8, s7  }
0x11: {  	s14 =	sadd.s32 s9, s7;
	s9 =	smax.u32 s30, $0x1;
	s7 =	sadd.s32 $0xCA00, s8  }
0x12: {  	s8 =	sadd.s32 $0x20600, s11;
	s11 =	sadd.s32 $0x30C00, s14;
	s14 =	simm.s32 $0x13880  }
.LBB2_1:
0x13: {  	[tilespmem:s12], [sflag:$0x5] =	stream.linear.gather [hbm4b:s5+s4], $0x2800, $0x38;
	[tilespmem:$0x1F000] =	vst v63  }
0x14: {  	p0 =	sne.s32 s6, $0x1;
	_ =	swait.ge [sflag:s13], $0x2800  }
.Ltmp0:
0x15: {  	[sflag:s13] =	ssyncset.done $0x0;
	(pc) =	sbr.rel @!p0 .LBB2_3-.Ltmp0, $4  }
0x16: {  	[sflag:s13] =	ssyncadd.s32 $0xFFFFD800  }
0x17: {  	[spmem:s10] =	stream.linear.scatter [tilespmem:s12], [sflag:$0x5], $0x2800, $0x38;
	[tilespmem:$0x1F000] =	vst v63  }
0x18: {  	_ =	swait.ge [sflag:s13], $0x2800  }
0x19: {  	s28 =	sadd.s32 $0xFFFFFFFF, s6;
	s29 =	smov.u32 s10;
	[sflag:s13] =	ssyncset.done $0x0  }
.LBB2_2:
0x1a: {  	p1 =	sne.s32 s28, $0x1;
	[sflag:s13] =	ssyncadd.s32 $0xFFFFD800;
	s29 =	sadd.s32 $0x28000, s29  }
.Ltmp1:
0x1b: {  	s28 =	sadd.s32 $0xFFFFFFFF, s28;
	(pc) =	sbr.rel @p1 .LBB2_2-.Ltmp1, $4  }
0x1c: {  	_ = 	snop  }
0x1d: {  	[spmem:s29] =	stream.linear.scatter [tilespmem:s12], [sflag:$0x5], $0x2800, $0x38;
	[tilespmem:$0x1F000] =	vst v63  }
0x1e: {  	_ =	swait.ge [sflag:s13], $0x2800  }
0x1f: {  	[sflag:s13] =	ssyncset.done $0x0  }
.LBB2_3:
0x20: {  	[sflag:s13] =	ssyncadd.s32 $0xFFFFD800  }
0x21: {  	[bflag:$0x0] =	sbarrier.arrive $0xFFFF  }
0x22: {  	[tilespmem:s14], [sflag:$0x5] =	stream.linear.gather [hbm4b:s7+s4], $0x2710, $0x38;
	[tilespmem:$0x1F000] =	vst v63  }
0x23: {  	_ =	swait.ge [sflag:s13], $0x2710  }
0x24: {  	[sflag:s13] =	ssyncset.done $0x0  }
0x25: {  	[sflag:s13] =	ssyncadd.s32 $0xFFFFD8F0  }
0x26: {  	[tilespmem:s15], [sflag:$0x5] =	stream.linear.gather [hbm4b:s8+s4], $0x3E80, $0x38;
	[tilespmem:$0x1F000] =	vst v63  }
0x27: {  	_ =	swait.ge [sflag:s13], $0x3E80  }
0x28: {  	[sflag:s13] =	ssyncset.done $0x0  }
0x29: {  	[sflag:s13] =	ssyncadd.s32 $0xFFFFC180  }
0x2a: {  	[tilespmem:s12], [sflag:$0x1] =	stream.indirect.gather [hbm4b:s1+s16], $0x80, s14, s16, $0xb8;
	[tilespmem:$0x1F000] =	vst v63  }
0x2b: {  	_ =	swait.ge [sflag:s17], $0x2800  }
0x2c: {  	[sflag:s17] =	ssyncset.done $0x0  }
0x2d: {  	[sflag:s17] =	ssyncadd.s32 $0xFFFFD800  }
0x2e: {  	[spmem:s3] =	stream.indirect.scatter.add.f32 [tilespmem:s12], [sflag:$0x3], $0x80, s15, s16, $0xb8;
	[tilespmem:$0x1F000] =	vst v63  }
0x2f: {  	_ = 	snop  }
0x30: {  	[tilespmem:s19], [sflag:$0x2] =	stream.indirect.gather [hbm4b:s1+s16], $0x80, s18, s16, $0xb8;
	[tilespmem:$0x1F000] =	vst v63  }
0x31: {  	_ =	swait.ge [sflag:s20], $0x2800  }
0x32: {  	[sflag:s20] =	ssyncset.done $0x0  }
0x33: {  	s28 =	simm.s32 $0x16080;
	[sflag:s20] =	ssyncadd.s32 $0xFFFFD800  }
0x34: {  	[spmem:s3] =	stream.indirect.scatter.add.f32 [tilespmem:s19], [sflag:$0x4], $0x80, s28, s16, $0xb8;
	[tilespmem:$0x1F000] =	vst v63  }
0x35: {  	_ =	swait.ge [sflag:s21], $0x2800  }
0x36: {  	[sflag:s21] =	ssyncset.done $0x0  }
0x37: {  	s28 =	simm.s32 $0x13920;
	[sflag:s21] =	ssyncadd.s32 $0xFFFFD800  }
0x38: {  	[tilespmem:s12], [sflag:$0x1] =	stream.indirect.gather [hbm4b:s1+s16], $0x80, s28, s16, $0xb8;
	[tilespmem:$0x1F000] =	vst v63  }
0x39: {  	_ =	swait.ge [sflag:s17], $0x2800  }
0x3a: {  	[sflag:s17] =	ssyncset.done $0x0  }
0x3b: {  	s28 =	simm.s32 $0x16100;
	[sflag:s17] =	ssyncadd.s32 $0xFFFFD800  }
0x3c: {  	[spmem:s3] =	stream.indirect.scatter.add.f32 [tilespmem:s12], [sflag:$0x3], $0x80, s28, s16, $0xb8;
	[tilespmem:$0x1F000] =	vst v63  }
0x3d: {  	_ =	swait.ge [sflag:s22], $0x2800  }
0x3e: {  	s30 =	simm.s32 $0x13970;
	[sflag:s22] =	ssyncset.done $0x0  }
0x3f: {  	s29 =	simm.s32 $0x16180;
	s28 =	simm.s32 $0xFFFF6A00;
	[sflag:s22] =	ssyncadd.s32 $0xFFFFD800  }
.LBB2_4:
0x40: {  	[tilespmem:s19], [sflag:$0x2] =	stream.indirect.gather [hbm4b:s1+s16], $0x80, s30, s16, $0xb8;
	[tilespmem:$0x1F000] =	vst v63  }
0x41: {  	s30 =	smov.u32 s28  }
0x42: {  	p1 =	sne.s32 s28, $0xFFFFFD80;
	s28 =	sadd.s32 $0x280, s28;
	_ =	swait.ge [sflag:s20], $0x2800  }
0x43: {  	[sflag:s20] =	ssyncset.done $0x0  }
0x44: {  	[sflag:s20] =	ssyncadd.s32 $0xFFFFD800  }
0x45: {  	[spmem:s3] =	stream.indirect.scatter.add.f32 [tilespmem:s19], [sflag:$0x4], $0x80, s29, s16, $0xb8;
	[tilespmem:$0x1F000] =	vst v63  }
0x46: {  	_ =	swait.ge [sflag:s21], $0x2800  }
0x47: {  	s30 =	sshra.s32 s30, $0x2;
	[sflag:s21] =	ssyncset.done $0x0  }
0x48: {  	s31 =	sadd.s32 $0x15F40, s30;
	[sflag:s21] =	ssyncadd.s32 $0xFFFFD800  }
0x49: {  	[tilespmem:s12], [sflag:$0x1] =	stream.indirect.gather [hbm4b:s1+s16], $0x80, s31, s16, $0xb8;
	[tilespmem:$0x1F000] =	vst v63  }
0x4a: {  	_ =	swait.ge [sflag:s17], $0x2800  }
0x4b: {  	[sflag:s17] =	ssyncset.done $0x0  }
.Ltmp2:
0x4c: {  	s31 =	sadd.s32 $0x80, s29;
	[sflag:s17] =	ssyncadd.s32 $0xFFFFD800;
	(pc) =	sbr.rel @p1 .LBB2_4-.Ltmp2, $4  }
0x4d: {  	[spmem:s3] =	stream.indirect.scatter.add.f32 [tilespmem:s12], [sflag:$0x3], $0x80, s31, s16, $0xb8;
	[tilespmem:$0x1F000] =	vst v63  }
0x4e: {  	_ =	swait.ge [sflag:s22], $0x2800  }
0x4f: {  	[sflag:s22] =	ssyncset.done $0x0  }
0x50: {  	s30 =	sadd.s32 $0x15F90, s30;
	s29 =	sadd.s32 $0x100, s29;
	[sflag:s22] =	ssyncadd.s32 $0xFFFFD800  }
0x51: {  	[tilespmem:s19], [sflag:$0x2] =	stream.indirect.gather [hbm4b:s1+s16], $0x80, s30, s16, $0xb8;
	[tilespmem:$0x1F000] =	vst v63  }
0x52: {  	_ =	swait.ge [sflag:s20], $0x2800  }
0x53: {  	[sflag:s20] =	ssyncset.done $0x0  }
0x54: {  	[sflag:s20] =	ssyncadd.s32 $0xFFFFD800  }
0x55: {  	[spmem:s3] =	stream.indirect.scatter.add.f32 [tilespmem:s19], [sflag:$0x4], $0x80, s23, s16, $0xb8;
	[tilespmem:$0x1F000] =	vst v63  }
0x56: {  	_ =	swait.ge [sflag:s21], $0x2800  }
0x57: {  	[sflag:s21] =	ssyncset.done $0x0  }
0x58: {  	[sflag:s21] =	ssyncadd.s32 $0xFFFFD800  }
0x59: {  	[tilespmem:s12], [sflag:$0x1] =	stream.indirect.gather [hbm4b:s1+s16], $0x80, s24, s16, $0xb8;
	[tilespmem:$0x1F000] =	vst v63  }
0x5a: {  	_ =	swait.ge [sflag:s17], $0x2800  }
0x5b: {  	[sflag:s17] =	ssyncset.done $0x0  }
0x5c: {  	[sflag:s17] =	ssyncadd.s32 $0xFFFFD800  }
0x5d: {  	[spmem:s3] =	stream.indirect.scatter.add.f32 [tilespmem:s12], [sflag:$0x3], $0x80, s25, s16, $0xb8;
	[tilespmem:$0x1F000] =	vst v63  }
0x5e: {  	_ =	swait.ge [sflag:s22], $0x2800  }
0x5f: {  	[sflag:s22] =	ssyncset.done $0x0  }
0x60: {  	[sflag:s22] =	ssyncadd.s32 $0xFFFFD800  }
0x61: {  	_ =	swait.ge [sflag:s21], $0x2800  }
0x62: {  	[sflag:s21] =	ssyncset.done $0x0  }
0x63: {  	[sflag:s21] =	ssyncadd.s32 $0xFFFFD800  }
0x64: {  	[bflag:$0x0] =	sbarrier.arrive $0xFFFF  }
0x65: {  	[tilespmem:s12], [sflag:$0x5] =	stream.linear.gather [spmem:s10], $0x2800, $0x38;
	[tilespmem:$0x1F000] =	vst v63  }
0x66: {  	_ =	swait.ge [sflag:s13], $0x2800  }
.Ltmp3:
0x67: {  	[sflag:s13] =	ssyncset.done $0x0;
	(pc) =	sbr.rel @!p0 .LBB2_7-.Ltmp3, $4  }
0x68: {  	[sflag:s13] =	ssyncadd.s32 $0xFFFFD800  }
0x69: {  	[hbm4b:s11+s4] =	stream.linear.scatter [tilespmem:s12], [sflag:$0x5], $0x2800, $0x38;
	[tilespmem:$0x1F000] =	vst v63  }
0x6a: {  	s28 =	sadd.s32 $0xFFFFFFFF, s6;
	_ =	swait.ge [sflag:s13], $0x2800  }
0x6b: {  	s29 =	smov.u32 s10;
	s30 =	smov.u32 s11;
	[sflag:s13] =	ssyncset.done $0x0  }
.LBB2_6:
0x6c: {  	[sflag:s13] =	ssyncadd.s32 $0xFFFFD800;
	s29 =	sadd.s32 $0x28000, s29;
	s30 =	sadd.s32 $0x5000, s30  }
0x6d: {  	[tilespmem:s12], [sflag:$0x5] =	stream.linear.gather [spmem:s29], $0x2800, $0x38;
	[tilespmem:$0x1F000] =	vst v63  }
0x6e: {  	p0 =	sne.s32 s28, $0x1;
	s28 =	sadd.s32 $0xFFFFFFFF, s28;
	_ =	swait.ge [sflag:s13], $0x2800  }
.Ltmp4:
0x6f: {  	[sflag:s13] =	ssyncset.done $0x0;
	(pc) =	sbr.rel @p0 .LBB2_6-.Ltmp4, $4  }
0x70: {  	[sflag:s13] =	ssyncadd.s32 $0xFFFFD800  }
0x71: {  	[hbm4b:s30+s4] =	stream.linear.scatter [tilespmem:s12], [sflag:$0x5], $0x2800, $0x38;
	[tilespmem:$0x1F000] =	vst v63  }
0x72: {  	_ =	swait.ge [sflag:s13], $0x2800  }
0x73: {  	[sflag:s13] =	ssyncset.done $0x0  }
.LBB2_7:
0x74: {  	s26 =	sadd.s32 $0x1, s26  }
0x75: {  	p0 =	sne.s32 s26, s9  }
.Ltmp5:
0x76: {  	_ = 	snop;
	(pc) =	sbr.rel @p0 .LBB2_1-.Ltmp5, $2  }
0x77: {  	_ =	sdelay $0x2  }
0x78: {  	[sflag:s13] =	ssyncadd.s32 $0xFFFFD800  }
0x79: {  	_ =	sfence.sel $0x180000  }
0x7a: {  	[bflag:$0x0] =	sbarrier.arrive $0xFFFF  }
0x7b: {  	p0 =	sne.s32 s0, $0x0;
	_ =	strace $0x9000004D  }
0x7c: {  	s0 =	sadd.s32 @!p0 $0x100000, s2;
	[bflag:$0x2] =	sbarrier.arrive $0xFFFF  }
0x7d: {  	[sflag:s0] =	ssyncadd.tile.s32 @!p0 $0x1;
	_ =	shalt  }
.Lfunc_end2:
_tile_overlayer_lowered:
.L_overlay_start_2:
0x7e: {  	(tag) =	ssettag $0x2  }
0x7f: {  	s0 =	rddreg [dreg:$0x0];
	s2 =	stileid.u32  }
0x80: {  	s1 =	rddreg [dreg:$0x1];
	p0 =	sne.s32 s2, $0x0  }
0x81: {  	s3 =	rddreg [dreg:$0x2];
	[bflag:$0x3] =	sbarrier.arrive $0xFFFF;
	s2 =	simm.s32 @!p0 $0x1C05  }
0x82: {  	[timem:s3], [sflag:s2] =	dma.local @!p0 [hbm:s0], s1  }
0x83: {  	s0 =	simm.s32 @!p0 $0x5  }
0x84: {  	_ =	swait.ge @!p0 [sflag:s0], s1  }
0x85: {  	s1 =	ssub.s32 @!p0 $0x0, s1;
	[sflag:s0] =	ssyncset.done @!p0 $0x0  }
0x86: {  	[sflag:s0] =	ssyncadd.s32 @!p0 s1  }
0x87: {  	[bflag:$0x3] =	sbarrier.arrive $0xFFFF  }
0x88: {  	_ =	shalt  }

// kernel: sc_deg.3.cloned.1.call-start
scs
__scs_entry_jumppad:
0x0: {  	(pc) =	sbr.rel $0x88, $3  }
0x1: {  	(tag) =	ssettag $0x0;
	lr =	simm.s32 $0x1  }
0x2: {  	[smem:$0x3F99] =	sst lr;
	_ =	strace $0xD0000000  }
0x3: {  	_ = 	snop  }
0x4: {  	_ = 	snop  }
0x5: {  	_ = 	snop  }
0x6: {  	_ = 	snop  }
0x7: {  	_ = 	snop  }
__scs_overlays_trampoline_lowered:
0x8: {  	[smem:$0x3FA8] =	sst s0  }
0x9: {  	[smem:$0x3FA9] =	sst s1  }
0xa: {  	[smem:$0x3FAA] =	sst s2  }
0xb: {  	[smem:$0x3FAB] =	sst s3  }
0xc: {  	[smem:$0x3FAC] =	sst s4  }
0xd: {  	[smem:$0x3FAD] =	sst s5  }
0xe: {  	[smem:$0x3FAE] =	sst s6  }
0xf: {  	[smem:$0x3FAF] =	sst s7  }
0x10: {  	[smem:$0x3FB0] =	sst s8  }
0x11: {  	[smem:$0x3FB1] =	sst s9;
	s0 =	simm.s32 @!p0 $0x0  }
0x12: {  	s1 =	sld [smem:$0x3F97];
	s0 =	simm.s32 @p0 $0x1  }
0x13: {  	[smem:$0x3FB2] =	sst s0;
	s0 =	simm.s32 @!p1 $0x0  }
0x14: {  	s2 =	sld [smem:$0x3F96];
	s0 =	simm.s32 @p1 $0x1  }
0x15: {  	[smem:$0x3FB3] =	sst s0;
	s0 =	simm.s32 @!p2 $0x0  }
0x16: {  	s3 =	sld [smem:$0x3FDB];
	s0 =	simm.s32 @p2 $0x1  }
0x17: {  	s4 =	simm.s32 $0x1BF5;
	[smem:$0x3FB5] =	sst s0  }
0x18: {  	s0 =	sld [smem:$0x3F98];
	_ =	swait.ge [sflag:s4], $0x0  }
0x19: {  	s7 =	sld [smem:$0x3F99]  }
0x1a: {  	s8 =	sadd.s32 $0xFFFFE003, lr  }
0x1b: {  	s9 =	sadd.s32 $0xFFFFFEF7, lr;
	s5 =	simm.s32 $0xFFFFFFFF;
	p2 =	slt.u32 s8, $0xFFFFF086  }
0x1c: {  	p1 =	slt.u32 s9, $0xF7A;
	s5 =	simm.s32 @!p2 $0x0  }
0x1d: {  	s5 =	simm.s32 @p1 $0x1;
	p0 =	seq.s32 s7, s2  }
0x1e: {  	s7 =	smul.u32 @!p0 $0xF7A, s2;
	p2 =	seq.s32 @!p0 s5, $0x0  }
0x1f: {  	s9 =	smul.u32 $0xF7A, s1;
	s8 =	simm.s32 @!p0 $0x1BF5;
	p2 =	por !p2, p0  }
0x20: {  	[sflag:s8] =	ssyncset.s32 @!p0 $0xFFFFF086;
	s6 =	sadd.s32 @!p0 s3, s7;
	s7 =	simm.s32 @!p0 $0x108  }
0x21: {  	s3 =	sadd.s32 s3, s9;
	s6 =	sadd.s32 @!p0 $0x88, s6;
	s7 =	simm.s32 @p2 $0x1082  }
0x22: {  	[simem:s7], [sflag:s8] =	dma.local @!p0 [hbm:s6], $0xF7A  }
0x23: {  	s9 =	sor.u32 $0xD0000000, s2;
	s6 =	simm.s32 $0x108;
	_ =	swait.ge @!p0 [sflag:s8], $0x0  }
0x24: {  	s3 =	sadd.s32 $0x88, s3;
	s6 =	simm.s32 @!p1 $0x1082;
	[sflag:s4] =	ssyncset.s32 $0xFFFFF086  }
0x25: {  	[simem:s6], [sflag:s4] =	dma.local [hbm:s3], $0xF7A  }
0x26: {  	[smem:$0x3F99] =	sst s1;
	(tag) =	ssettag s2;
	_ =	strace s9  }
0x27: {  	s1 =	sld [smem:$0x3FA9]  }
0x28: {  	s2 =	sld [smem:$0x3FAA]  }
0x29: {  	s4 =	sld [smem:$0x3FAC]  }
0x2a: {  	p0 =	seq.s32 s5, $0x0;
	s5 =	sld [smem:$0x3FAD]  }
0x2b: {  	s6 =	sld [smem:$0x3FAE]  }
0x2c: {  	s7 =	sld [smem:$0x3FAF]  }
0x2d: {  	s3 =	simm.s32 $0x108;
	s8 =	sld [smem:$0x3FB0]  }
0x2e: {  	s3 =	simm.s32 @!p0 $0x1082;
	s9 =	sld [smem:$0x3FB1]  }
0x2f: {  	lr =	sadd.s32 s0, s3;
	s0 =	sld [smem:$0x3FA8]  }
0x30: {  	s3 =	sld [smem:$0x3FAB]  }
0x31: {  	[smem:$0x3FB4] =	sst s10  }
0x32: {  	s10 =	sld [smem:$0x3FB2];
	_ =	sdelay $0x3  }
0x33: {  	p0 =	seq.s32 s10, $0x1;
	s10 =	sld [smem:$0x3FB4];
	_ =	sdelay $0x3  }
0x34: {  	[smem:$0x3FB4] =	sst s10  }
0x35: {  	s10 =	sld [smem:$0x3FB3];
	_ =	sdelay $0x3  }
0x36: {  	p1 =	seq.s32 s10, $0x1;
	s10 =	sld [smem:$0x3FB4];
	_ =	sdelay $0x3  }
0x37: {  	[smem:$0x3FB4] =	sst s10  }
0x38: {  	s10 =	sld [smem:$0x3FB5]  }
0x39: {  	_ = 	snop;
	(pc) =	sbr.ind lr, $3  }
0x3a: {  	_ = 	snop  }
0x3b: {  	_ = 	snop  }
0x3c: {  	p2 =	seq.s32 s10, $0x1;
	s10 =	sld [smem:$0x3FB4]  }
0x3d: {  	_ =	shalt  }
0x3e: {  	_ =	shalt  }
0x3f: {  	_ =	shalt  }
0x40: {  	_ =	shalt  }
0x41: {  	_ =	shalt  }
0x42: {  	_ =	shalt  }
0x43: {  	_ =	shalt  }
0x44: {  	_ =	shalt  }
0x45: {  	_ =	shalt  }
0x46: {  	_ =	shalt  }
0x47: {  	_ =	shalt  }
0x48: {  	_ =	shalt  }
0x49: {  	_ =	shalt  }
0x4a: {  	_ =	shalt  }
0x4b: {  	_ =	shalt  }
0x4c: {  	_ =	shalt  }
0x4d: {  	_ =	shalt  }
0x4e: {  	_ =	shalt  }
0x4f: {  	_ =	shalt  }
0x50: {  	_ =	shalt  }
0x51: {  	_ =	shalt  }
0x52: {  	_ =	shalt  }
0x53: {  	_ =	shalt  }
0x54: {  	_ =	shalt  }
0x55: {  	_ =	shalt  }
0x56: {  	_ =	shalt  }
0x57: {  	_ =	shalt  }
0x58: {  	_ =	shalt  }
0x59: {  	_ =	shalt  }
0x5a: {  	_ =	shalt  }
0x5b: {  	_ =	shalt  }
0x5c: {  	_ =	shalt  }
0x5d: {  	_ =	shalt  }
0x5e: {  	_ =	shalt  }
0x5f: {  	_ =	shalt  }
0x60: {  	_ =	shalt  }
0x61: {  	_ =	shalt  }
0x62: {  	_ =	shalt  }
0x63: {  	_ =	shalt  }
0x64: {  	_ =	shalt  }
0x65: {  	_ =	shalt  }
0x66: {  	_ =	shalt  }
0x67: {  	_ =	shalt  }
0x68: {  	_ =	shalt  }
0x69: {  	_ =	shalt  }
0x6a: {  	_ =	shalt  }
0x6b: {  	_ =	shalt  }
0x6c: {  	_ =	shalt  }
0x6d: {  	_ =	shalt  }
0x6e: {  	_ =	shalt  }
0x6f: {  	_ =	shalt  }
0x70: {  	_ =	shalt  }
0x71: {  	_ =	shalt  }
0x72: {  	_ =	shalt  }
0x73: {  	_ =	shalt  }
0x74: {  	_ =	shalt  }
0x75: {  	_ =	shalt  }
0x76: {  	_ =	shalt  }
0x77: {  	_ =	shalt  }
0x78: {  	_ =	shalt  }
0x79: {  	_ =	shalt  }
0x7a: {  	_ =	shalt  }
0x7b: {  	_ =	shalt  }
0x7c: {  	_ =	shalt  }
0x7d: {  	_ =	shalt  }
0x7e: {  	_ =	shalt  }
0x7f: {  	_ =	shalt  }
0x80: {  	_ =	shalt  }
0x81: {  	_ =	shalt  }
0x82: {  	_ =	shalt  }
0x83: {  	_ =	shalt  }
0x84: {  	_ =	shalt  }
0x85: {  	_ =	shalt  }
0x86: {  	_ =	shalt  }
0x87: {  	_ =	shalt  }
.Lfunc_end0:
.L_simem_size_0:
called_computation_lowered:
.L_overlay_start_0:
0x88: {  	s2 =	sld [smem:$0x3FD9]  }
0x89: {  	s3 =	sld [smem:$0x3FFE];
	_ =	sdelay $0x1  }
0x8a: {  	s1 =	srdreg.scid  }
0x8b: {  	s0 =	sand.u32 $0x1, s1  }
0x8c: {  	s16 =	sshll.u32 s0, $0xA;
	s2 =	sadd.s32 s3, s2  }
0x8d: {  	s2 =	sadd.s32 s2, s16  }
0x8e: {  	[smem:$0x3FC0] =	sst s2  }
0x8f: {  	_ = 	snop  }
0x90: {  	(tm) =	ssettm $0x1  }
0x91: {  	s17 =	sld [smem:$0x3FFB];
	_ =	sdelay $0x3  }
0x92: {  	_ =	strace s17  }
0x93: {  	s2 =	sld [smem:$0x3FFC];
	_ =	sdelay $0x3  }
0x94: {  	_ =	strace s2  }
0x95: {  	s2 =	sld [smem:$0x3FFD];
	_ =	sdelay $0x3  }
0x96: {  	_ =	strace s2  }
0x97: {  	_ =	strace $0x8FFFFFFF  }
0x98: {  	s18 =	sld [smem:$0x3FDB];
	_ =	sdelay $0x1  }
0x99: {  	s19 =	simm.s32 $_scs_section_size  }
0x9a: {  	s4 =	simm.s32 $_size__tile_overlayer_lowered;
	s5 =	simm.s32 $_tile_overlayer_lowered  }
0x9b: {  	s22 =	simm.s32 $0x1BFF;
	s21 =	sshll.u32 s5, $0x1;
	s2 =	sadd.s32 s19, s18  }
0x9c: {  	s6 =	simm.s32 $0x0;
	s20 =	sshll.u32 s4, $0x1;
	s4 =	sadd.s32 s21, s2  }
0x9d: {  	[timem:s6], [sflag:s22] =	dma.local [hbm:s4], s20  }
0x9e: {  	_ =	swait.ge [sflag:s22], s20  }
0x9f: {  	s3 =	ssub.s32 $0x0, s20;
	[sflag:s22] =	ssyncset.done $0x0  }
0xa0: {  	[sflag:s22] =	ssyncadd.s32 s3;
	_ =	sdelay $0x1  }
0xa1: {  	s23 =	simm.s32 $0x1B8B  }
0xa2: {  	_ =	swait.ge [sflag:s23], $0x1  }
0xa3: {  	[sflag:s23] =	ssyncset.done $0x0  }
0xa4: {  	s25 =	simm.s32 $0x1B8E;
	s24 =	sld [smem:$0x3FFE];
	[sflag:s23] =	ssyncadd.s32 $0xFFFFFFFF  }
0xa5: {  	s26 =	simm.s32 $execute0_lowered;
	[smem:$0x3FD2] =	sst s25  }
0xa6: {  	s4 =	sshll.u32 s26, $0x1;
	_ =	strace $0x80000046;
	[dreg:$0x1] =	wrdreg $0xFFFFFFFF  }
0xa7: {  	s28 =	simm.s32 $_size_execute0_lowered;
	s2 =	sadd.s32 s2, s4;
	[dreg:$0x0] =	wrdreg $0x0  }
0xa8: {  	s4 =	sshll.u32 s28, $0x1;
	[dreg:$0x2] =	wrdreg s2  }
0xa9: {  	[dreg:$0x3] =	wrdreg s4  }
0xaa: {  	[dreg:$0x4] =	wrdreg $0xC0  }
0xab: {  	_ =	task [dreg:s6], $0x5FFFF  }
0xac: {  	[dreg:$0x1] =	wrdreg $0xFFFFFFFF  }
0xad: {  	[dreg:$0x0] =	wrdreg $0x60  }
0xae: {  	[dreg:$0x2] =	wrdreg s24  }
0xaf: {  	[dreg:$0x3] =	wrdreg $0x9  }
0xb0: {  	_ =	task.clear_ibuf [dreg:s6], $0x4FFFF;
	_ =	strace $0x90000046  }
0xb1: {  	s29 =	simm.s32 $0x9;
	_ =	strace $0x80000048  }
0xb2: {  	_ =	swait.ge [sflag:s29], $0x1  }
0xb3: {  	[sflag:s29] =	ssyncadd.s32 $0xFFFFFFFF  }
0xb4: {  	_ =	strace $0x90000048  }
0xb5: {  	_ =	sfence  }
0xb6: {  	s30 =	sld [smem:$0x0];
	_ =	sdelay $0x2  }
0xb7: {  	s31 =	sshll.u32 s1, $0xD;
	s1 =	sshrl.u32 s1, $0x2  }
0xb8: {  	s3 =	sand.u32 $0x4000, s31;
	s1 =	sadd.s32 s1, s30  }
0xb9: {  	s0 =	sor.u32 s3, s0;
	s1 =	sshll.u32 s1, $0x11  }
0xba: {  	s0 =	sor.u32 s1, s0  }
0xbb: {  	s0 =	sadd.s32 $0x8F2B, s0  }
0xbc: {  	[sflag:s0] =	ssyncadd.remote.s32 $0x1  }
0xbd: {  	_ =	sfence.sel $0xFFFF  }
0xbe: {  	[dreg:$0x0] =	wrdreg $0xFFFFFFFF;
	(pc) =	sbr.abs _section_cstart, $3  }
0xbf: {  	[dreg:$0x1] =	wrdreg $0xFFFFFFFF  }
0xc0: {  	_ =	task.clear_ibuf [dreg:s6], $0x2FFFF;
	_ =	strace $0x9FFFFFFF  }
0xc1: {  	(tm) =	ssettm $0x7FFFFFFF  }
tec
execute0_lowered:
.L_overlay_start_1:
0x0: {  	(tag) =	ssettag $0x1  }
0x1: {  	s0 =	srdreg.scid  }
0x2: {  	s3 =	sand.u32 $0x1, s0  }
0x3: {  	s4 =	rddreg [dreg:$0x0];
	s0 =	stileid.u32;
	s1 =	sshll.u32 s3, $0x4  }
0x4: {  	s2 =	simm.s32 $0x0;
	s8 =	simm.s32 $0x80;
	s5 =	sor.u32 s0, s1  }
0x5: {  	s9 =	simm.s32 $0x400;
	[smem:$0x7FF] =	sst s2;
	s6 =	sshrl.u32 s5, $0x3  }
0x6: {  	s7 =	sshll.u32 s0, $0x7;
	s3 =	ssub.s32 $0x2, s3;
	s6 =	smul.u32 $0x13C00, s6  }
0x7: {  	s1 =	rddreg [dreg:$0x1];
	s7 =	sand.u32 $0x380, s7;
	s5 =	smul.u32 $0x4E2, s5  }
0x8: {  	_ =	strace $0x80000047;
	s30 =	sshrl.u32 s3, $0x1;
	s6 =	sor.u32 s7, s6  }
0x9: {  	s31 =	ssub.s32 s3, s30;
	s5 =	sadd.s32 s5, s4;
	s6 =	sshrl.u32 s6, $0x3  }
0xa: {  	s3 =	sadd.s32 $0x2C00, s5;
	s5 =	smax.u32 s31, $0x1;
	s4 =	sadd.s32 s6, s4  }
0xb: {  	v0 =	vimm.f32 $0.0e+00;
	v1 =	vimm.f32 $1.000000000e+00;
	s7 =	simm.s32 $0x2780;
	s6 =	simm.s32 $0x1;
	s4 =	sadd.s32 $0x16800, s4  }
.LBB2_1:
0xc: {  	s10 =	simm.s32 $0x40;
	s11 =	simm.s32 $0x0  }
.LBB2_2:
0xd: {  	p0 =	sne.s32 s10, $0x9C00;
	[tilespmem:s11+$0x2780] =	vst v0;
	s11 =	smov.u32 s10;
	s10 =	sadd.s32 $0x40, s10  }
.Ltmp0:
0xe: {  	(pc) =	sbr.rel @p0 .LBB2_2-.Ltmp0, $2  }
0xf: {  	_ =	sdelay $0x2  }
0x10: {  	s11 =	sshra.s32 s11, $0x2  }
0x11: {  	[tilespmem:s11+$0x2780] =	vst v0;
	s10 =	simm.s32 $0x0  }
0x12: {  	[tilespmem:s10], [sflag:$0x1] =	stream.linear.gather [hbm4b:s3+s10], $0x2710, $0x38;
	[tilespmem:$0x4F00] =	vst v63  }
0x13: {  	_ =	swait.ge [sflag:s6], $0x2710  }
0x14: {  	[sflag:s6] =	ssyncset.done $0x0  }
0x15: {  	s11 =	simm.s32 $0x0;
	s10 =	simm.s32 $0x40;
	[sflag:s6] =	ssyncadd.s32 $0xFFFFD8F0  }
.LBB2_4:
0x16: {  	p0 =	sne.s32 s10, $0x9C00;
	v2 =	vld [tilespmem:s11+$0x0];
	_ =	sdelay $0x3  }
.Ltmp1:
0x17: {  	(pc) =	sbr.rel @p0 .LBB2_4-.Ltmp1, $2  }
0x18: {  	_ =	sdelay $0x2  }
0x19: {  	s11 =	sshra.s32 s10, $0x2;
	s10 =	sadd.s32 $0x40, s10;
	[tilespmem:v2+s7+$0x0] =	vst.idx.add.f32.msk $0xffff, v1  }
0x1a: {  	v2 =	vld [tilespmem:s11+$0x0];
	_ =	sdelay $0x5  }
0x1b: {  	s2 =	sadd.s32 $0x1, s2  }
0x1c: {  	p0 =	sne.s32 s2, s5  }
.Ltmp2:
0x1d: {  	[tilespmem:v2+s7+$0x0] =	vst.idx.add.f32.msk $0xffff, v1;
	(pc) =	sbr.rel @p0 .LBB2_1-.Ltmp2, $4  }
0x1e: {  	[hbm4b:s4+s8] =	stream.strided.scatter [tilespmem:s7], [sflag:$0x1], $0x2780, s9, s8, $0x38;
	[tilespmem:$0x4F00] =	vst v63  }
0x1f: {  	_ =	swait.ge [sflag:s6], $0x2780  }
0x20: {  	[sflag:s6] =	ssyncset.done $0x0  }
0x21: {  	[sflag:s6] =	ssyncadd.s32 $0xFFFFD880  }
0x22: {  	_ =	sfence.sel $0x180000  }
0x23: {  	[bflag:$0x0] =	sbarrier.arrive $0xFFFF  }
0x24: {  	p0 =	sne.s32 s0, $0x0;
	_ =	strace $0x90000047  }
0x25: {  	s0 =	sadd.s32 @!p0 $0x100000, s1;
	[bflag:$0x2] =	sbarrier.arrive $0xFFFF  }
0x26: {  	[sflag:s0] =	ssyncadd.tile.s32 @!p0 $0x1;
	_ =	shalt  }
.Lfunc_end2:
_tile_overlayer_lowered:
.L_overlay_start_2:
0x27: {  	(tag) =	ssettag $0x2  }
0x28: {  	s0 =	rddreg [dreg:$0x0];
	s2 =	stileid.u32  }
0x29: {  	s1 =	rddreg [dreg:$0x1];
	p0 =	sne.s32 s2, $0x0  }
0x2a: {  	s3 =	rddreg [dreg:$0x2];
	[bflag:$0x3] =	sbarrier.arrive $0xFFFF;
	s2 =	simm.s32 @!p0 $0x1C01  }
0x2b: {  	[timem:s3], [sflag:s2] =	dma.local @!p0 [hbm:s0], s1  }
0x2c: {  	s0 =	simm.s32 @!p0 $0x1  }
0x2d: {  	_ =	swait.ge @!p0 [sflag:s0], s1  }
0x2e: {  	s1 =	ssub.s32 @!p0 $0x0, s1;
	[sflag:s0] =	ssyncset.done @!p0 $0x0  }
0x2f: {  	[sflag:s0] =	ssyncadd.s32 @!p0 s1  }
0x30: {  	[bflag:$0x3] =	sbarrier.arrive $0xFFFF  }
0x31: {  	_ =	shalt  }

</sc_bundles>
